<compile_context>
chip_gen: v7x
topology: tpu7x:2x2x1
jax: 0.10.2.dev20260603
libtpu: 0.0.44.dev20260713+nightly
codegen_flags: <defaults>
</compile_context>

<pallas_src>
import functools

import numpy as np
import jax
import jax.numpy as jnp
from jax import lax
from jax.experimental import pallas as pl
from jax.experimental.pallas import tpu as pltpu
from jax.experimental.pallas import tpu_sc as plsc

N_POINTS = 262144
N_LEVELS = 12
F = 2
T = 1 << 19
BASE = 16
START_LEVEL = 6
ACTIVE = START_LEVEL
OUT_COLS = N_LEVELS * F

P1 = int(np.array(2654435761, np.uint32).astype(np.int32))
P2 = int(np.array(805459861, np.uint32).astype(np.int32))
HASH_MASK = T - 1

_LEVELS = []
_off = 0
for _l in range(ACTIVE):
    _s = BASE * (2.0 ** _l) - 1.0
    _res = int(np.ceil(_s)) + 1
    _dense = (_res + 1) ** 3
    _hashed = _dense > T
    _LEVELS.append({
        "scale": float(np.float32(_s)),
        "hashed": _hashed,
        "R": _res + 1,
        "off": _off,
    })
    _off += (T if _hashed else _dense)

NC = 2
NS = 16
NW = NC * NS
PW = N_POINTS // NW
C = 128
CHUNKS = PW // C
NGROUPS = C // 16
L0_ROWS = 4913
L0_PAD = 9832
NIDX = (ACTIVE - 1) * 8 * C
NROWS = NIDX // 128


@functools.cache
def _build():
    mesh = plsc.VectorSubcoreMesh(
        core_axis_name="c", subcore_axis_name="s",
        num_cores=NC, num_subcores=NS)
    return pl.kernel(
        _grid_encode,
        out_type=jax.ShapeDtypeStruct((N_POINTS * OUT_COLS,), jnp.float32),
        mesh=mesh,
        compiler_params=pltpu.CompilerParams(
            needs_layout_passes=False, use_tc_tiling_on_sc=False),
        scratch_types=[
            pltpu.VMEM((C * 3,), jnp.float32),
            pltpu.VMEM((L0_PAD,), jnp.float32),
            pltpu.VMEM((NROWS, 128), jnp.int32),
            pltpu.VMEM((NROWS, 128), jnp.int32),
            pltpu.VMEM((NIDX,), jnp.float32),
            pltpu.VMEM((NROWS, 128), jnp.float32),
            pltpu.VMEM((NROWS, 128), jnp.float32),
            pltpu.VMEM((C * OUT_COLS,), jnp.float32),
            pltpu.SemaphoreType.DMA,
        ],
    )


def _grid_encode(x_hbm, pflat_hbm, out_hbm,
                 xv, tbl0, idxv0, idxv1, wv, rows0, rows1, outv, sem):
    wid = lax.axis_index("s") * NC + lax.axis_index("c")
    iota = lax.iota(jnp.int32, 16)
    zero16 = jnp.zeros((16,), jnp.float32)
    zi = jnp.zeros((16,), jnp.int32)
    oi = jnp.full((16,), 1, jnp.int32)

    def zero_body(g, carry):
        p24 = (g * 16 + iota) * OUT_COLS
        for col in range(ACTIVE * F, OUT_COLS):
            plsc.store_scatter(outv, [p24 + col], zero16)
        return carry

    lax.fori_loop(0, NGROUPS, zero_body, None)

    pltpu.sync_copy(pflat_hbm.at[pl.ds(0, L0_PAD)], tbl0)

    def chunk_body(ci, carry):
        base = wid * PW + ci * C
        pltpu.sync_copy(x_hbm.at[pl.ds(base * 3, C * 3)], xv)

        def pass_a(g, acarry):
            p3 = (g * 16 + iota) * 3
            p24 = (g * 16 + iota) * OUT_COLS
            x0 = plsc.load_gather(xv, [p3])
            x1 = plsc.load_gather(xv, [p3 + 1])
            x2 = plsc.load_gather(xv, [p3 + 2])
            for l, lv in enumerate(_LEVELS):
                s = lv["scale"]
                pos0 = x0 * s + 0.5
                pos1 = x1 * s + 0.5
                pos2 = x2 * s + 0.5
                pfi0 = pos0.astype(jnp.int32)
                pfi1 = pos1.astype(jnp.int32)
                pfi2 = pos2.astype(jnp.int32)
                f0 = pos0 - pfi0.astype(jnp.float32)
                f1 = pos1 - pfi1.astype(jnp.float32)
                f2 = pos2 - pfi2.astype(jnp.float32)
                a0 = 1.0 - f0
                a1 = 1.0 - f1
                a2 = 1.0 - f2
                wxy = [a0 * a1, f0 * a1, a0 * f1, f0 * f1]
                wz = [a2, f2]
                t0 = [pfi0, pfi0 + 1]
                if lv["hashed"]:
                    h1 = pfi1 * P1
                    h2 = pfi2 * P2
                    t1 = [h1, h1 + P1]
                    t2 = [h2, h2 + P2]
                else:
                    R = lv["R"]
                    h1 = pfi1 * R
                    h2 = pfi2 * (R * R)
                    t1 = [h1, h1 + R]
                    t2 = [h2, h2 + R * R]
                if l == 0:
                    acc0 = zero16
                    acc1 = zero16
                    for j in range(8):
                        b0, b1, b2 = j & 1, (j >> 1) & 1, (j >> 2) & 1
                        idx2 = (t0[b0] + t1[b1] + t2[b2]) * 2
                        w = wxy[b0 + 2 * b1] * wz[b2]
                        acc0 = acc0 + w * plsc.load_gather(tbl0, [idx2])
                        acc1 = acc1 + w * plsc.load_gather(tbl0, [idx2 + 1])
                    plsc.store_scatter(outv, [p24], acc0)
                    plsc.store_scatter(outv, [p24 + 1], acc1)
                    continue
                for j in range(8):
                    b0, b1, b2 = j & 1, (j >> 1) & 1, (j >> 2) & 1
                    if lv["hashed"]:
                        idx = ((t0[b0] ^ t1[b1] ^ t2[b2]) & HASH_MASK) + lv["off"]
                    else:
                        idx = t0[b0] + t1[b1] + t2[b2] + lv["off"]
                    w = wxy[b0 + 2 * b1] * wz[b2]
                    idx2 = idx * 2
                    blk = ((l - 1) * 8 + j) * C
                    flat = blk + g * 16 + iota
                    r = lax.shift_right_logical(flat, 7)
                    cc = flat & 127
                    plsc.store_scatter(idxv0, [r, cc], idx2)
                    plsc.store_scatter(idxv1, [r, cc], idx2 + 1)
                    wv[pl.ds(blk + g * 16, 16)] = w
            return acarry

        lax.fori_loop(0, NGROUPS, pass_a, None)

        def fire(i, fcarry):
            pltpu.make_async_copy(
                pflat_hbm.at[idxv0.at[i]], rows0.at[i], sem).start()
            pltpu.make_async_copy(
                pflat_hbm.at[idxv1.at[i]], rows1.at[i], sem).start()
            return fcarry

        lax.fori_loop(0, NROWS, fire, None)

        def drain(i, dcarry):
            pltpu.make_async_copy(
                pflat_hbm.at[idxv0.at[i]], rows0.at[i], sem).wait()
            pltpu.make_async_copy(
                pflat_hbm.at[idxv1.at[i]], rows1.at[i], sem).wait()
            return dcarry

        lax.fori_loop(0, NROWS, drain, None)

        def pass_b(g, bcarry):
            p24 = (g * 16 + iota) * OUT_COLS
            for l in range(1, ACTIVE):
                acc0 = zero16
                acc1 = zero16
                for j in range(8):
                    blk = ((l - 1) * 8 + j) * C
                    w = wv[pl.ds(blk + g * 16, 16)]
                    flat = blk + g * 16 + iota
                    r = lax.shift_right_logical(flat, 7)
                    c = flat & 127
                    acc0 = acc0 + w * plsc.load_gather(rows0, [r, c])
                    acc1 = acc1 + w * plsc.load_gather(rows1, [r, c])
                plsc.store_scatter(outv, [p24 + 2 * l], acc0)
                plsc.store_scatter(outv, [p24 + 2 * l + 1], acc1)
            return bcarry

        lax.fori_loop(0, NGROUPS, pass_b, None)

        pltpu.sync_copy(outv, out_hbm.at[pl.ds(base * OUT_COLS, C * OUT_COLS)])
        return carry

    lax.fori_loop(0, CHUNKS, chunk_body, None)


@jax.jit
def kernel(x, params):
    out = _build()(x.reshape(-1), params.reshape(-1))
    return out.reshape(N_POINTS, OUT_COLS)

# --- scband reference (transcript-rebuilt; emitter-appended) ---
"""Pipeline reference for scband-progressive-band-hash-grid-cosine-61100204753182 (READ-ONLY COPY).

The authoritative reference and input builder live on the scoring server;
editing this copy changes nothing except your own understanding.
"""

import jax, jax.numpy as jnp
import numpy as np

N_POINTS = 262144
N_LEVELS = 12
F = 2
T = 1 << 19
BASE = 16
PER_LEVEL_SCALE = 2.0
D = 3
START_LEVEL = 6
PRIMES = (1, 2654435761, 805459861)

_level_sizes = []
_resolutions = []
_hashed = []
for _l in range(N_LEVELS):
    _s = BASE * (PER_LEVEL_SCALE ** _l) - 1.0
    _res = int(np.ceil(_s)) + 1
    _dense = (_res + 1) ** D
    if _dense <= T:
        _level_sizes.append(_dense)
        _hashed.append(False)
    else:
        _level_sizes.append(T)
        _hashed.append(True)
    _resolutions.append(_res)
OFFSETS = np.concatenate([[0], np.cumsum(_level_sizes)]).astype(np.int64)
TOTAL_PARAMS = int(OFFSETS[-1])


def _encode(x, params):
    n = x.shape[0]
    outs = []
    for l in range(N_LEVELS):
        scale = np.float32(BASE * (PER_LEVEL_SCALE ** l) - 1.0)
        table = params[int(OFFSETS[l]):int(OFFSETS[l + 1])]
        pos = x * scale + 0.5
        pf = jnp.floor(pos)
        frac = pos - pf
        pfi = pf.astype(jnp.uint32)
        feat = jnp.zeros((n, F), dtype=jnp.float32)
        for corner in range(2 ** D):
            bits = [(corner >> d) & 1 for d in range(D)]
            c = pfi + jnp.asarray(bits, dtype=jnp.uint32)
            w = jnp.ones((n,), dtype=jnp.float32)
            for d in range(D):
                w = w * (frac[:, d] if bits[d] else (1.0 - frac[:, d]))
            if _hashed[l]:
                idx = c[:, 0] * jnp.uint32(PRIMES[0])
                idx = idx ^ (c[:, 1] * jnp.uint32(PRIMES[1]))
                idx = idx ^ (c[:, 2] * jnp.uint32(PRIMES[2]))
                idx = idx % jnp.uint32(T)
            else:
                R = _resolutions[l] + 1
                idx = c[:, 0] + c[:, 1] * jnp.uint32(R) + c[:, 2] * jnp.uint32(R * R)
            feat = feat + w[:, None] * jnp.take(table, idx.astype(jnp.int32), axis=0)
        outs.append(feat)
    enc = jnp.concatenate(outs, axis=1)
    # Progressive band cosine mask at init (current_step=0, update_step(0) in __init__):
    # ratio = 0 -> mask[start_level*F:] = (1 - cos(pi * clamp(-arange, 0, 1))) / 2 = 0
    mask = jnp.concatenate([
        jnp.ones(START_LEVEL * F, dtype=jnp.float32),
        jnp.zeros((N_LEVELS - START_LEVEL) * F, dtype=jnp.float32),
    ])
    return enc * mask


def setup_inputs(seed: int = 0):
    key = jax.random.key(seed)
    k1, k2 = jax.random.split(key)
    x = jax.random.uniform(k1, (N_POINTS, D), dtype=jnp.float32)
    params = jax.random.normal(k2, (TOTAL_PARAMS, F), dtype=jnp.float32) * 0.01
    return {"x": x, "params": params}


def reference(x, params):
    return _encode(x, params)

if __name__ == "__main__":
    import jax
    _d = setup_inputs()
    print(jax.jit(kernel)(*tuple(_d.values())))

</pallas_src>

<mosaic_0001>
#map = affine_map<(d0, d1) -> (0)>
module attributes {stable_mosaic.version = 14 : i64} {
  func.func @_grid_encode(%arg0: i32, %arg1: i32, %arg2: memref<786432xf32, #tpu.memory_space<hbm>>, %arg3: memref<10068134xf32, #tpu.memory_space<hbm>>, %arg4: memref<6291456xf32, #tpu.memory_space<hbm>>, %arg5: memref<384xf32, #tpu.memory_space<vmem>>, %arg6: memref<9832xf32, #tpu.memory_space<vmem>>, %arg7: memref<40x128xi32, #tpu.memory_space<vmem>>, %arg8: memref<40x128xi32, #tpu.memory_space<vmem>>, %arg9: memref<5120xf32, #tpu.memory_space<vmem>>, %arg10: memref<40x128xf32, #tpu.memory_space<vmem>>, %arg11: memref<40x128xf32, #tpu.memory_space<vmem>>, %arg12: memref<3072xf32, #tpu.memory_space<vmem>>, %arg13: memref<!tpu.dma_semaphore, #tpu.memory_space<semaphore_mem>>) attributes {dimension_semantics = [#tpu.dimension_semantics<core_parallel>, #tpu.dimension_semantics<subcore_parallel>], iteration_bounds = array<i64: 2, 16>, scalar_prefetch = 0 : i64, scratch_operands = 9 : i64, tpu.core_type = #tpu.core_type<sc_vector_subcore>, window_params = [{transform_indices = #map}, {transform_indices = #map}, {transform_indices = #map}]} {
    %mul3A = arith.constant 2 : i32
    %mul3A_0 = arith.muli %arg1, %mul3A : i32
    %add3A = arith.addi %mul3A_0, %arg0 : i32
    %iota3A = tpu.iota {dimensions = array<i32: 0>} : vector<16xi32>
    %broadcast_in_dim3A = arith.constant 0.000000e+00 : f32
    %broadcast_in_dim3A_1 = vector.broadcast %broadcast_in_dim3A : f32 to vector<16xf32>
    %broadcast_in_dim3A_2 = arith.constant 0 : i32
    %broadcast_in_dim3A_3 = vector.broadcast %broadcast_in_dim3A_2 : i32 to vector<16xi32>
    %broadcast_in_dim3A_4 = arith.constant 1 : i32
    %broadcast_in_dim3A_5 = vector.broadcast %broadcast_in_dim3A_4 : i32 to vector<16xi32>
    %scan3A = arith.constant 0 : i32
    %scan3A_6 = arith.constant 8 : i32
    %scan3A_7 = arith.addi %scan3A, %scan3A_6 : i32
    %scan3A_8 = arith.constant 1 : i32
    scf.for %scan3A_15 = %scan3A to %scan3A_7 step %scan3A_8  : i32 {
      %mul3A_16 = arith.constant 16 : i32
      %mul3A_17 = arith.muli %scan3A_15, %mul3A_16 : i32
      %add3A_18 = vector.broadcast %mul3A_17 : i32 to vector<16xi32>
      %add3A_19 = arith.addi %add3A_18, %iota3A : vector<16xi32>
      %mul3A_20 = arith.constant 24 : i32
      %mul3A_21 = vector.broadcast %mul3A_20 : i32 to vector<16xi32>
      %mul3A_22 = arith.muli %add3A_19, %mul3A_21 : vector<16xi32>
      %add3A_23 = arith.constant 12 : i32
      %add3A_24 = vector.broadcast %add3A_23 : i32 to vector<16xi32>
      %add3A_25 = arith.addi %mul3A_22, %add3A_24 : vector<16xi32>
      tpu.vector_store_idx %arg12[%add3A_25], %broadcast_in_dim3A_1 : memref<3072xf32, #tpu.memory_space<vmem>>[vector<16xi32>], vector<16xf32>,
      %add3A_26 = arith.constant 13 : i32
      %add3A_27 = vector.broadcast %add3A_26 : i32 to vector<16xi32>
      %add3A_28 = arith.addi %mul3A_22, %add3A_27 : vector<16xi32>
      tpu.vector_store_idx %arg12[%add3A_28], %broadcast_in_dim3A_1 : memref<3072xf32, #tpu.memory_space<vmem>>[vector<16xi32>], vector<16xf32>,
      %add3A_29 = arith.constant 14 : i32
      %add3A_30 = vector.broadcast %add3A_29 : i32 to vector<16xi32>
      %add3A_31 = arith.addi %mul3A_22, %add3A_30 : vector<16xi32>
      tpu.vector_store_idx %arg12[%add3A_31], %broadcast_in_dim3A_1 : memref<3072xf32, #tpu.memory_space<vmem>>[vector<16xi32>], vector<16xf32>,
      %add3A_32 = arith.constant 15 : i32
      %add3A_33 = vector.broadcast %add3A_32 : i32 to vector<16xi32>
      %add3A_34 = arith.addi %mul3A_22, %add3A_33 : vector<16xi32>
      tpu.vector_store_idx %arg12[%add3A_34], %broadcast_in_dim3A_1 : memref<3072xf32, #tpu.memory_space<vmem>>[vector<16xi32>], vector<16xf32>,
      %add3A_35 = arith.constant 16 : i32
      %add3A_36 = vector.broadcast %add3A_35 : i32 to vector<16xi32>
      %add3A_37 = arith.addi %mul3A_22, %add3A_36 : vector<16xi32>
      tpu.vector_store_idx %arg12[%add3A_37], %broadcast_in_dim3A_1 : memref<3072xf32, #tpu.memory_space<vmem>>[vector<16xi32>], vector<16xf32>,
      %add3A_38 = arith.constant 17 : i32
      %add3A_39 = vector.broadcast %add3A_38 : i32 to vector<16xi32>
      %add3A_40 = arith.addi %mul3A_22, %add3A_39 : vector<16xi32>
      tpu.vector_store_idx %arg12[%add3A_40], %broadcast_in_dim3A_1 : memref<3072xf32, #tpu.memory_space<vmem>>[vector<16xi32>], vector<16xf32>,
      %add3A_41 = arith.constant 18 : i32
      %add3A_42 = vector.broadcast %add3A_41 : i32 to vector<16xi32>
      %add3A_43 = arith.addi %mul3A_22, %add3A_42 : vector<16xi32>
      tpu.vector_store_idx %arg12[%add3A_43], %broadcast_in_dim3A_1 : memref<3072xf32, #tpu.memory_space<vmem>>[vector<16xi32>], vector<16xf32>,
      %add3A_44 = arith.constant 19 : i32
      %add3A_45 = vector.broadcast %add3A_44 : i32 to vector<16xi32>
      %add3A_46 = arith.addi %mul3A_22, %add3A_45 : vector<16xi32>
      tpu.vector_store_idx %arg12[%add3A_46], %broadcast_in_dim3A_1 : memref<3072xf32, #tpu.memory_space<vmem>>[vector<16xi32>], vector<16xf32>,
      %add3A_47 = arith.constant 20 : i32
      %add3A_48 = vector.broadcast %add3A_47 : i32 to vector<16xi32>
      %add3A_49 = arith.addi %mul3A_22, %add3A_48 : vector<16xi32>
      tpu.vector_store_idx %arg12[%add3A_49], %broadcast_in_dim3A_1 : memref<3072xf32, #tpu.memory_space<vmem>>[vector<16xi32>], vector<16xf32>,
      %add3A_50 = arith.constant 21 : i32
      %add3A_51 = vector.broadcast %add3A_50 : i32 to vector<16xi32>
      %add3A_52 = arith.addi %mul3A_22, %add3A_51 : vector<16xi32>
      tpu.vector_store_idx %arg12[%add3A_52], %broadcast_in_dim3A_1 : memref<3072xf32, #tpu.memory_space<vmem>>[vector<16xi32>], vector<16xf32>,
      %add3A_53 = arith.constant 22 : i32
      %add3A_54 = vector.broadcast %add3A_53 : i32 to vector<16xi32>
      %add3A_55 = arith.addi %mul3A_22, %add3A_54 : vector<16xi32>
      tpu.vector_store_idx %arg12[%add3A_55], %broadcast_in_dim3A_1 : memref<3072xf32, #tpu.memory_space<vmem>>[vector<16xi32>], vector<16xf32>,
      %add3A_56 = arith.constant 23 : i32
      %add3A_57 = vector.broadcast %add3A_56 : i32 to vector<16xi32>
      %add3A_58 = arith.addi %mul3A_22, %add3A_57 : vector<16xi32>
      tpu.vector_store_idx %arg12[%add3A_58], %broadcast_in_dim3A_1 : memref<3072xf32, #tpu.memory_space<vmem>>[vector<16xi32>], vector<16xf32>,
    }
    %scan3A_9 = arith.constant 8 : i32
    "tpu.region"() ({
      %run_scoped3A = tpu.sem_alloc : memref<!tpu.dma_semaphore, #tpu.memory_space<semaphore_mem>>
      %dma_start3A = arith.constant 0 : i32
      %dma_start3A_15 = tpu.memref_slice %arg3[%dma_start3A] : memref<10068134xf32, #tpu.memory_space<hbm>> -> memref<9832xf32, #tpu.memory_space<hbm>>
      %dma_start3A_16 = arith.constant 0 : i32
      %dma_start3A_17 = tpu.memref_slice %arg3[%dma_start3A_16] : memref<10068134xf32, #tpu.memory_space<hbm>> -> memref<9832xf32, #tpu.memory_space<hbm>>
      tpu.enqueue_dma source(%dma_start3A_17 : memref<9832xf32, #tpu.memory_space<hbm>>) target(%arg6 : memref<9832xf32, #tpu.memory_space<vmem>>) target_semaphore(%run_scoped3A : memref<!tpu.dma_semaphore, #tpu.memory_space<semaphore_mem>>)
      %dma_wait3A = arith.constant 0 : i32
      %dma_wait3A_18 = tpu.memref_slice %arg3[%dma_wait3A] : memref<10068134xf32, #tpu.memory_space<hbm>> -> memref<9832xf32, #tpu.memory_space<hbm>>
      %dma_wait3A_19 = arith.constant 0 : i32
      %dma_wait3A_20 = tpu.memref_slice %arg3[%dma_wait3A_19] : memref<10068134xf32, #tpu.memory_space<hbm>> -> memref<9832xf32, #tpu.memory_space<hbm>>
      tpu.wait_dma2 semaphore(%run_scoped3A : memref<!tpu.dma_semaphore, #tpu.memory_space<semaphore_mem>>) src(%dma_wait3A_20 : memref<9832xf32, #tpu.memory_space<hbm>>) dst(%arg6 : memref<9832xf32, #tpu.memory_space<vmem>>)
      tpu.yield
    }) : () -> ()
    %scan3A_10 = arith.constant 0 : i32
    %scan3A_11 = arith.constant 64 : i32
    %scan3A_12 = arith.addi %scan3A_10, %scan3A_11 : i32
    %scan3A_13 = arith.constant 1 : i32
    scf.for %scan3A_15 = %scan3A_10 to %scan3A_12 step %scan3A_13  : i32 {
      %mul3A_16 = arith.constant 8192 : i32
      %mul3A_17 = arith.muli %add3A, %mul3A_16 : i32
      %mul3A_18 = arith.constant 128 : i32
      %mul3A_19 = arith.muli %scan3A_15, %mul3A_18 : i32
      %add3A_20 = arith.addi %mul3A_17, %mul3A_19 : i32
      %mul3A_21 = arith.constant 3 : i32
      %mul3A_22 = arith.muli %add3A_20, %mul3A_21 : i32
      "tpu.region"() ({
        %run_scoped3A = tpu.sem_alloc : memref<!tpu.dma_semaphore, #tpu.memory_space<semaphore_mem>>
        %dma_start3A = tpu.memref_slice %arg2[%mul3A_22] : memref<786432xf32, #tpu.memory_space<hbm>> -> memref<384xf32, #tpu.memory_space<hbm>>
        %dma_start3A_45 = tpu.memref_slice %arg2[%mul3A_22] : memref<786432xf32, #tpu.memory_space<hbm>> -> memref<384xf32, #tpu.memory_space<hbm>>
        tpu.enqueue_dma source(%dma_start3A_45 : memref<384xf32, #tpu.memory_space<hbm>>) target(%arg5 : memref<384xf32, #tpu.memory_space<vmem>>) target_semaphore(%run_scoped3A : memref<!tpu.dma_semaphore, #tpu.memory_space<semaphore_mem>>)
        %dma_wait3A = tpu.memref_slice %arg2[%mul3A_22] : memref<786432xf32, #tpu.memory_space<hbm>> -> memref<384xf32, #tpu.memory_space<hbm>>
        %dma_wait3A_46 = tpu.memref_slice %arg2[%mul3A_22] : memref<786432xf32, #tpu.memory_space<hbm>> -> memref<384xf32, #tpu.memory_space<hbm>>
        tpu.wait_dma2 semaphore(%run_scoped3A : memref<!tpu.dma_semaphore, #tpu.memory_space<semaphore_mem>>) src(%dma_wait3A_46 : memref<384xf32, #tpu.memory_space<hbm>>) dst(%arg5 : memref<384xf32, #tpu.memory_space<vmem>>)
        tpu.yield
      }) : () -> ()
      %scan3A_23 = arith.constant 0 : i32
      %scan3A_24 = arith.constant 8 : i32
      %scan3A_25 = arith.addi %scan3A_23, %scan3A_24 : i32
      %scan3A_26 = arith.constant 1 : i32
      scf.for %scan3A_45 = %scan3A_23 to %scan3A_25 step %scan3A_26  : i32 {
        %mul3A_46 = arith.constant 16 : i32
        %mul3A_47 = arith.muli %scan3A_45, %mul3A_46 : i32
        %add3A_48 = vector.broadcast %mul3A_47 : i32 to vector<16xi32>
        %add3A_49 = arith.addi %add3A_48, %iota3A : vector<16xi32>
        %mul3A_50 = arith.constant 3 : i32
        %mul3A_51 = vector.broadcast %mul3A_50 : i32 to vector<16xi32>
        %mul3A_52 = arith.muli %add3A_49, %mul3A_51 : vector<16xi32>
        %mul3A_53 = arith.constant 16 : i32
        %mul3A_54 = arith.muli %scan3A_45, %mul3A_53 : i32
        %add3A_55 = vector.broadcast %mul3A_54 : i32 to vector<16xi32>
        %add3A_56 = arith.addi %add3A_55, %iota3A : vector<16xi32>
        %mul3A_57 = arith.constant 24 : i32
        %mul3A_58 = vector.broadcast %mul3A_57 : i32 to vector<16xi32>
        %mul3A_59 = arith.muli %add3A_56, %mul3A_58 : vector<16xi32>
        %gather3A = tpu.vector_load_idx %arg5[%mul3A_52] : memref<384xf32, #tpu.memory_space<vmem>>[vector<16xi32>], vector<16xf32>,
        %add3A_60 = arith.constant 1 : i32
        %add3A_61 = vector.broadcast %add3A_60 : i32 to vector<16xi32>
        %add3A_62 = arith.addi %mul3A_52, %add3A_61 : vector<16xi32>
        %gather3A_63 = tpu.vector_load_idx %arg5[%add3A_62] : memref<384xf32, #tpu.memory_space<vmem>>[vector<16xi32>], vector<16xf32>,
        %add3A_64 = arith.constant 2 : i32
        %add3A_65 = vector.broadcast %add3A_64 : i32 to vector<16xi32>
        %add3A_66 = arith.addi %mul3A_52, %add3A_65 : vector<16xi32>
        %gather3A_67 = tpu.vector_load_idx %arg5[%add3A_66] : memref<384xf32, #tpu.memory_space<vmem>>[vector<16xi32>], vector<16xf32>,
        %mul3A_68 = arith.constant 1.500000e+01 : f32
        %mul3A_69 = vector.broadcast %mul3A_68 : f32 to vector<16xf32>
        %mul3A_70 = arith.mulf %gather3A, %mul3A_69 : vector<16xf32>
        %add3A_71 = arith.constant 5.000000e-01 : f32
        %add3A_72 = vector.broadcast %add3A_71 : f32 to vector<16xf32>
        %add3A_73 = arith.addf %mul3A_70, %add3A_72 : vector<16xf32>
        %mul3A_74 = arith.constant 1.500000e+01 : f32
        %mul3A_75 = vector.broadcast %mul3A_74 : f32 to vector<16xf32>
        %mul3A_76 = arith.mulf %gather3A_63, %mul3A_75 : vector<16xf32>
        %add3A_77 = arith.constant 5.000000e-01 : f32
        %add3A_78 = vector.broadcast %add3A_77 : f32 to vector<16xf32>
        %add3A_79 = arith.addf %mul3A_76, %add3A_78 : vector<16xf32>
        %mul3A_80 = arith.constant 1.500000e+01 : f32
        %mul3A_81 = vector.broadcast %mul3A_80 : f32 to vector<16xf32>
        %mul3A_82 = arith.mulf %gather3A_67, %mul3A_81 : vector<16xf32>
        %add3A_83 = arith.constant 5.000000e-01 : f32
        %add3A_84 = vector.broadcast %add3A_83 : f32 to vector<16xf32>
        %add3A_85 = arith.addf %mul3A_82, %add3A_84 : vector<16xf32>
        %convert_element_type3A = arith.fptosi %add3A_73 : vector<16xf32> to vector<16xi32>
        %convert_element_type3A_86 = arith.fptosi %add3A_79 : vector<16xf32> to vector<16xi32>
        %convert_element_type3A_87 = arith.fptosi %add3A_85 : vector<16xf32> to vector<16xi32>
        %convert_element_type3A_88 = arith.sitofp %convert_element_type3A : vector<16xi32> to vector<16xf32>
        %sub3A = arith.subf %add3A_73, %convert_element_type3A_88 : vector<16xf32>
        %convert_element_type3A_89 = arith.sitofp %convert_element_type3A_86 : vector<16xi32> to vector<16xf32>
        %sub3A_90 = arith.subf %add3A_79, %convert_element_type3A_89 : vector<16xf32>
        %convert_element_type3A_91 = arith.sitofp %convert_element_type3A_87 : vector<16xi32> to vector<16xf32>
        %sub3A_92 = arith.subf %add3A_85, %convert_element_type3A_91 : vector<16xf32>
        %sub3A_93 = arith.constant 1.000000e+00 : f32
        %sub3A_94 = vector.broadcast %sub3A_93 : f32 to vector<16xf32>
        %sub3A_95 = arith.subf %sub3A_94, %sub3A : vector<16xf32>
        %sub3A_96 = arith.constant 1.000000e+00 : f32
        %sub3A_97 = vector.broadcast %sub3A_96 : f32 to vector<16xf32>
        %sub3A_98 = arith.subf %sub3A_97, %sub3A_90 : vector<16xf32>
        %sub3A_99 = arith.constant 1.000000e+00 : f32
        %sub3A_100 = vector.broadcast %sub3A_99 : f32 to vector<16xf32>
        %sub3A_101 = arith.subf %sub3A_100, %sub3A_92 : vector<16xf32>
        %mul3A_102 = arith.mulf %sub3A_95, %sub3A_98 : vector<16xf32>
        %mul3A_103 = arith.mulf %sub3A, %sub3A_98 : vector<16xf32>
        %mul3A_104 = arith.mulf %sub3A_95, %sub3A_90 : vector<16xf32>
        %mul3A_105 = arith.mulf %sub3A, %sub3A_90 : vector<16xf32>
        %add3A_106 = arith.constant 1 : i32
        %add3A_107 = vector.broadcast %add3A_106 : i32 to vector<16xi32>
        %add3A_108 = arith.addi %convert_element_type3A, %add3A_107 : vector<16xi32>
        %mul3A_109 = arith.constant 17 : i32
        %mul3A_110 = vector.broadcast %mul3A_109 : i32 to vector<16xi32>
        %mul3A_111 = arith.muli %convert_element_type3A_86, %mul3A_110 : vector<16xi32>
        %mul3A_112 = arith.constant 289 : i32
        %mul3A_113 = vector.broadcast %mul3A_112 : i32 to vector<16xi32>
        %mul3A_114 = arith.muli %convert_element_type3A_87, %mul3A_113 : vector<16xi32>
        %add3A_115 = arith.constant 17 : i32
        %add3A_116 = vector.broadcast %add3A_115 : i32 to vector<16xi32>
        %add3A_117 = arith.addi %mul3A_111, %add3A_116 : vector<16xi32>
        %add3A_118 = arith.constant 289 : i32
        %add3A_119 = vector.broadcast %add3A_118 : i32 to vector<16xi32>
        %add3A_120 = arith.addi %mul3A_114, %add3A_119 : vector<16xi32>
        %add3A_121 = arith.addi %convert_element_type3A, %mul3A_111 : vector<16xi32>
        %add3A_122 = arith.addi %add3A_121, %mul3A_114 : vector<16xi32>
        %mul3A_123 = arith.constant 2 : i32
        %mul3A_124 = vector.broadcast %mul3A_123 : i32 to vector<16xi32>
        %mul3A_125 = arith.muli %add3A_122, %mul3A_124 : vector<16xi32>
        %mul3A_126 = arith.mulf %mul3A_102, %sub3A_101 : vector<16xf32>
        %gather3A_127 = tpu.vector_load_idx %arg6[%mul3A_125] : memref<9832xf32, #tpu.memory_space<vmem>>[vector<16xi32>], vector<16xf32>,
        %mul3A_128 = arith.mulf %mul3A_126, %gather3A_127 : vector<16xf32>
        %add3A_129 = arith.addf %broadcast_in_dim3A_1, %mul3A_128 : vector<16xf32>
        %add3A_130 = arith.constant 1 : i32
        %add3A_131 = vector.broadcast %add3A_130 : i32 to vector<16xi32>
        %add3A_132 = arith.addi %mul3A_125, %add3A_131 : vector<16xi32>
        %gather3A_133 = tpu.vector_load_idx %arg6[%add3A_132] : memref<9832xf32, #tpu.memory_space<vmem>>[vector<16xi32>], vector<16xf32>,
        %mul3A_134 = arith.mulf %mul3A_126, %gather3A_133 : vector<16xf32>
        %add3A_135 = arith.addf %broadcast_in_dim3A_1, %mul3A_134 : vector<16xf32>
        %add3A_136 = arith.addi %add3A_108, %mul3A_111 : vector<16xi32>
        %add3A_137 = arith.addi %add3A_136, %mul3A_114 : vector<16xi32>
        %mul3A_138 = arith.constant 2 : i32
        %mul3A_139 = vector.broadcast %mul3A_138 : i32 to vector<16xi32>
        %mul3A_140 = arith.muli %add3A_137, %mul3A_139 : vector<16xi32>
        %mul3A_141 = arith.mulf %mul3A_103, %sub3A_101 : vector<16xf32>
        %gather3A_142 = tpu.vector_load_idx %arg6[%mul3A_140] : memref<9832xf32, #tpu.memory_space<vmem>>[vector<16xi32>], vector<16xf32>,
        %mul3A_143 = arith.mulf %mul3A_141, %gather3A_142 : vector<16xf32>
        %add3A_144 = arith.addf %add3A_129, %mul3A_143 : vector<16xf32>
        %add3A_145 = arith.constant 1 : i32
        %add3A_146 = vector.broadcast %add3A_145 : i32 to vector<16xi32>
        %add3A_147 = arith.addi %mul3A_140, %add3A_146 : vector<16xi32>
        %gather3A_148 = tpu.vector_load_idx %arg6[%add3A_147] : memref<9832xf32, #tpu.memory_space<vmem>>[vector<16xi32>], vector<16xf32>,
        %mul3A_149 = arith.mulf %mul3A_141, %gather3A_148 : vector<16xf32>
        %add3A_150 = arith.addf %add3A_135, %mul3A_149 : vector<16xf32>
        %add3A_151 = arith.addi %convert_element_type3A, %add3A_117 : vector<16xi32>
        %add3A_152 = arith.addi %add3A_151, %mul3A_114 : vector<16xi32>
        %mul3A_153 = arith.constant 2 : i32
        %mul3A_154 = vector.broadcast %mul3A_153 : i32 to vector<16xi32>
        %mul3A_155 = arith.muli %add3A_152, %mul3A_154 : vector<16xi32>
        %mul3A_156 = arith.mulf %mul3A_104, %sub3A_101 : vector<16xf32>
        %gather3A_157 = tpu.vector_load_idx %arg6[%mul3A_155] : memref<9832xf32, #tpu.memory_space<vmem>>[vector<16xi32>], vector<16xf32>,
        %mul3A_158 = arith.mulf %mul3A_156, %gather3A_157 : vector<16xf32>
        %add3A_159 = arith.addf %add3A_144, %mul3A_158 : vector<16xf32>
        %add3A_160 = arith.constant 1 : i32
        %add3A_161 = vector.broadcast %add3A_160 : i32 to vector<16xi32>
        %add3A_162 = arith.addi %mul3A_155, %add3A_161 : vector<16xi32>
        %gather3A_163 = tpu.vector_load_idx %arg6[%add3A_162] : memref<9832xf32, #tpu.memory_space<vmem>>[vector<16xi32>], vector<16xf32>,
        %mul3A_164 = arith.mulf %mul3A_156, %gather3A_163 : vector<16xf32>
        %add3A_165 = arith.addf %add3A_150, %mul3A_164 : vector<16xf32>
        %add3A_166 = arith.addi %add3A_108, %add3A_117 : vector<16xi32>
        %add3A_167 = arith.addi %add3A_166, %mul3A_114 : vector<16xi32>
        %mul3A_168 = arith.constant 2 : i32
        %mul3A_169 = vector.broadcast %mul3A_168 : i32 to vector<16xi32>
        %mul3A_170 = arith.muli %add3A_167, %mul3A_169 : vector<16xi32>
        %mul3A_171 = arith.mulf %mul3A_105, %sub3A_101 : vector<16xf32>
        %gather3A_172 = tpu.vector_load_idx %arg6[%mul3A_170] : memref<9832xf32, #tpu.memory_space<vmem>>[vector<16xi32>], vector<16xf32>,
        %mul3A_173 = arith.mulf %mul3A_171, %gather3A_172 : vector<16xf32>
        %add3A_174 = arith.addf %add3A_159, %mul3A_173 : vector<16xf32>
        %add3A_175 = arith.constant 1 : i32
        %add3A_176 = vector.broadcast %add3A_175 : i32 to vector<16xi32>
        %add3A_177 = arith.addi %mul3A_170, %add3A_176 : vector<16xi32>
        %gather3A_178 = tpu.vector_load_idx %arg6[%add3A_177] : memref<9832xf32, #tpu.memory_space<vmem>>[vector<16xi32>], vector<16xf32>,
        %mul3A_179 = arith.mulf %mul3A_171, %gather3A_178 : vector<16xf32>
        %add3A_180 = arith.addf %add3A_165, %mul3A_179 : vector<16xf32>
        %add3A_181 = arith.addi %convert_element_type3A, %mul3A_111 : vector<16xi32>
        %add3A_182 = arith.addi %add3A_181, %add3A_120 : vector<16xi32>
        %mul3A_183 = arith.constant 2 : i32
        %mul3A_184 = vector.broadcast %mul3A_183 : i32 to vector<16xi32>
        %mul3A_185 = arith.muli %add3A_182, %mul3A_184 : vector<16xi32>
        %mul3A_186 = arith.mulf %mul3A_102, %sub3A_92 : vector<16xf32>
        %gather3A_187 = tpu.vector_load_idx %arg6[%mul3A_185] : memref<9832xf32, #tpu.memory_space<vmem>>[vector<16xi32>], vector<16xf32>,
        %mul3A_188 = arith.mulf %mul3A_186, %gather3A_187 : vector<16xf32>
        %add3A_189 = arith.addf %add3A_174, %mul3A_188 : vector<16xf32>
        %add3A_190 = arith.constant 1 : i32
        %add3A_191 = vector.broadcast %add3A_190 : i32 to vector<16xi32>
        %add3A_192 = arith.addi %mul3A_185, %add3A_191 : vector<16xi32>
        %gather3A_193 = tpu.vector_load_idx %arg6[%add3A_192] : memref<9832xf32, #tpu.memory_space<vmem>>[vector<16xi32>], vector<16xf32>,
        %mul3A_194 = arith.mulf %mul3A_186, %gather3A_193 : vector<16xf32>
        %add3A_195 = arith.addf %add3A_180, %mul3A_194 : vector<16xf32>
        %add3A_196 = arith.addi %add3A_108, %mul3A_111 : vector<16xi32>
        %add3A_197 = arith.addi %add3A_196, %add3A_120 : vector<16xi32>
        %mul3A_198 = arith.constant 2 : i32
        %mul3A_199 = vector.broadcast %mul3A_198 : i32 to vector<16xi32>
        %mul3A_200 = arith.muli %add3A_197, %mul3A_199 : vector<16xi32>
        %mul3A_201 = arith.mulf %mul3A_103, %sub3A_92 : vector<16xf32>
        %gather3A_202 = tpu.vector_load_idx %arg6[%mul3A_200] : memref<9832xf32, #tpu.memory_space<vmem>>[vector<16xi32>], vector<16xf32>,
        %mul3A_203 = arith.mulf %mul3A_201, %gather3A_202 : vector<16xf32>
        %add3A_204 = arith.addf %add3A_189, %mul3A_203 : vector<16xf32>
        %add3A_205 = arith.constant 1 : i32
        %add3A_206 = vector.broadcast %add3A_205 : i32 to vector<16xi32>
        %add3A_207 = arith.addi %mul3A_200, %add3A_206 : vector<16xi32>
        %gather3A_208 = tpu.vector_load_idx %arg6[%add3A_207] : memref<9832xf32, #tpu.memory_space<vmem>>[vector<16xi32>], vector<16xf32>,
        %mul3A_209 = arith.mulf %mul3A_201, %gather3A_208 : vector<16xf32>
        %add3A_210 = arith.addf %add3A_195, %mul3A_209 : vector<16xf32>
        %add3A_211 = arith.addi %convert_element_type3A, %add3A_117 : vector<16xi32>
        %add3A_212 = arith.addi %add3A_211, %add3A_120 : vector<16xi32>
        %mul3A_213 = arith.constant 2 : i32
        %mul3A_214 = vector.broadcast %mul3A_213 : i32 to vector<16xi32>
        %mul3A_215 = arith.muli %add3A_212, %mul3A_214 : vector<16xi32>
        %mul3A_216 = arith.mulf %mul3A_104, %sub3A_92 : vector<16xf32>
        %gather3A_217 = tpu.vector_load_idx %arg6[%mul3A_215] : memref<9832xf32, #tpu.memory_space<vmem>>[vector<16xi32>], vector<16xf32>,
        %mul3A_218 = arith.mulf %mul3A_216, %gather3A_217 : vector<16xf32>
        %add3A_219 = arith.addf %add3A_204, %mul3A_218 : vector<16xf32>
        %add3A_220 = arith.constant 1 : i32
        %add3A_221 = vector.broadcast %add3A_220 : i32 to vector<16xi32>
        %add3A_222 = arith.addi %mul3A_215, %add3A_221 : vector<16xi32>
        %gather3A_223 = tpu.vector_load_idx %arg6[%add3A_222] : memref<9832xf32, #tpu.memory_space<vmem>>[vector<16xi32>], vector<16xf32>,
        %mul3A_224 = arith.mulf %mul3A_216, %gather3A_223 : vector<16xf32>
        %add3A_225 = arith.addf %add3A_210, %mul3A_224 : vector<16xf32>
        %add3A_226 = arith.addi %add3A_108, %add3A_117 : vector<16xi32>
        %add3A_227 = arith.addi %add3A_226, %add3A_120 : vector<16xi32>
        %mul3A_228 = arith.constant 2 : i32
        %mul3A_229 = vector.broadcast %mul3A_228 : i32 to vector<16xi32>
        %mul3A_230 = arith.muli %add3A_227, %mul3A_229 : vector<16xi32>
        %mul3A_231 = arith.mulf %mul3A_105, %sub3A_92 : vector<16xf32>
        %gather3A_232 = tpu.vector_load_idx %arg6[%mul3A_230] : memref<9832xf32, #tpu.memory_space<vmem>>[vector<16xi32>], vector<16xf32>,
        %mul3A_233 = arith.mulf %mul3A_231, %gather3A_232 : vector<16xf32>
        %add3A_234 = arith.addf %add3A_219, %mul3A_233 : vector<16xf32>
        %add3A_235 = arith.constant 1 : i32
        %add3A_236 = vector.broadcast %add3A_235 : i32 to vector<16xi32>
        %add3A_237 = arith.addi %mul3A_230, %add3A_236 : vector<16xi32>
        %gather3A_238 = tpu.vector_load_idx %arg6[%add3A_237] : memref<9832xf32, #tpu.memory_space<vmem>>[vector<16xi32>], vector<16xf32>,
        %mul3A_239 = arith.mulf %mul3A_231, %gather3A_238 : vector<16xf32>
        %add3A_240 = arith.addf %add3A_225, %mul3A_239 : vector<16xf32>
        tpu.vector_store_idx %arg12[%mul3A_59], %add3A_234 : memref<3072xf32, #tpu.memory_space<vmem>>[vector<16xi32>], vector<16xf32>,
        %add3A_241 = arith.constant 1 : i32
        %add3A_242 = vector.broadcast %add3A_241 : i32 to vector<16xi32>
        %add3A_243 = arith.addi %mul3A_59, %add3A_242 : vector<16xi32>
        tpu.vector_store_idx %arg12[%add3A_243], %add3A_240 : memref<3072xf32, #tpu.memory_space<vmem>>[vector<16xi32>], vector<16xf32>,
        %mul3A_244 = arith.constant 3.100000e+01 : f32
        %mul3A_245 = vector.broadcast %mul3A_244 : f32 to vector<16xf32>
        %mul3A_246 = arith.mulf %gather3A, %mul3A_245 : vector<16xf32>
        %add3A_247 = arith.constant 5.000000e-01 : f32
        %add3A_248 = vector.broadcast %add3A_247 : f32 to vector<16xf32>
        %add3A_249 = arith.addf %mul3A_246, %add3A_248 : vector<16xf32>
        %mul3A_250 = arith.constant 3.100000e+01 : f32
        %mul3A_251 = vector.broadcast %mul3A_250 : f32 to vector<16xf32>
        %mul3A_252 = arith.mulf %gather3A_63, %mul3A_251 : vector<16xf32>
        %add3A_253 = arith.constant 5.000000e-01 : f32
        %add3A_254 = vector.broadcast %add3A_253 : f32 to vector<16xf32>
        %add3A_255 = arith.addf %mul3A_252, %add3A_254 : vector<16xf32>
        %mul3A_256 = arith.constant 3.100000e+01 : f32
        %mul3A_257 = vector.broadcast %mul3A_256 : f32 to vector<16xf32>
        %mul3A_258 = arith.mulf %gather3A_67, %mul3A_257 : vector<16xf32>
        %add3A_259 = arith.constant 5.000000e-01 : f32
        %add3A_260 = vector.broadcast %add3A_259 : f32 to vector<16xf32>
        %add3A_261 = arith.addf %mul3A_258, %add3A_260 : vector<16xf32>
        %convert_element_type3A_262 = arith.fptosi %add3A_249 : vector<16xf32> to vector<16xi32>
        %convert_element_type3A_263 = arith.fptosi %add3A_255 : vector<16xf32> to vector<16xi32>
        %convert_element_type3A_264 = arith.fptosi %add3A_261 : vector<16xf32> to vector<16xi32>
        %convert_element_type3A_265 = arith.sitofp %convert_element_type3A_262 : vector<16xi32> to vector<16xf32>
        %sub3A_266 = arith.subf %add3A_249, %convert_element_type3A_265 : vector<16xf32>
        %convert_element_type3A_267 = arith.sitofp %convert_element_type3A_263 : vector<16xi32> to vector<16xf32>
        %sub3A_268 = arith.subf %add3A_255, %convert_element_type3A_267 : vector<16xf32>
        %convert_element_type3A_269 = arith.sitofp %convert_element_type3A_264 : vector<16xi32> to vector<16xf32>
        %sub3A_270 = arith.subf %add3A_261, %convert_element_type3A_269 : vector<16xf32>
        %sub3A_271 = arith.constant 1.000000e+00 : f32
        %sub3A_272 = vector.broadcast %sub3A_271 : f32 to vector<16xf32>
        %sub3A_273 = arith.subf %sub3A_272, %sub3A_266 : vector<16xf32>
        %sub3A_274 = arith.constant 1.000000e+00 : f32
        %sub3A_275 = vector.broadcast %sub3A_274 : f32 to vector<16xf32>
        %sub3A_276 = arith.subf %sub3A_275, %sub3A_268 : vector<16xf32>
        %sub3A_277 = arith.constant 1.000000e+00 : f32
        %sub3A_278 = vector.broadcast %sub3A_277 : f32 to vector<16xf32>
        %sub3A_279 = arith.subf %sub3A_278, %sub3A_270 : vector<16xf32>
        %mul3A_280 = arith.mulf %sub3A_273, %sub3A_276 : vector<16xf32>
        %mul3A_281 = arith.mulf %sub3A_266, %sub3A_276 : vector<16xf32>
        %mul3A_282 = arith.mulf %sub3A_273, %sub3A_268 : vector<16xf32>
        %mul3A_283 = arith.mulf %sub3A_266, %sub3A_268 : vector<16xf32>
        %add3A_284 = arith.constant 1 : i32
        %add3A_285 = vector.broadcast %add3A_284 : i32 to vector<16xi32>
        %add3A_286 = arith.addi %convert_element_type3A_262, %add3A_285 : vector<16xi32>
        %mul3A_287 = arith.constant 33 : i32
        %mul3A_288 = vector.broadcast %mul3A_287 : i32 to vector<16xi32>
        %mul3A_289 = arith.muli %convert_element_type3A_263, %mul3A_288 : vector<16xi32>
        %mul3A_290 = arith.constant 1089 : i32
        %mul3A_291 = vector.broadcast %mul3A_290 : i32 to vector<16xi32>
        %mul3A_292 = arith.muli %convert_element_type3A_264, %mul3A_291 : vector<16xi32>
        %add3A_293 = arith.constant 33 : i32
        %add3A_294 = vector.broadcast %add3A_293 : i32 to vector<16xi32>
        %add3A_295 = arith.addi %mul3A_289, %add3A_294 : vector<16xi32>
        %add3A_296 = arith.constant 1089 : i32
        %add3A_297 = vector.broadcast %add3A_296 : i32 to vector<16xi32>
        %add3A_298 = arith.addi %mul3A_292, %add3A_297 : vector<16xi32>
        %add3A_299 = arith.addi %convert_element_type3A_262, %mul3A_289 : vector<16xi32>
        %add3A_300 = arith.addi %add3A_299, %mul3A_292 : vector<16xi32>
        %add3A_301 = arith.constant 4913 : i32
        %add3A_302 = vector.broadcast %add3A_301 : i32 to vector<16xi32>
        %add3A_303 = arith.addi %add3A_300, %add3A_302 : vector<16xi32>
        %mul3A_304 = arith.mulf %mul3A_280, %sub3A_279 : vector<16xf32>
        %mul3A_305 = arith.constant 2 : i32
        %mul3A_306 = vector.broadcast %mul3A_305 : i32 to vector<16xi32>
        %mul3A_307 = arith.muli %add3A_303, %mul3A_306 : vector<16xi32>
        %mul3A_308 = arith.constant 16 : i32
        %mul3A_309 = arith.muli %scan3A_45, %mul3A_308 : i32
        %add3A_310 = arith.constant 0 : i32
        %add3A_311 = arith.addi %add3A_310, %mul3A_309 : i32
        %add3A_312 = vector.broadcast %add3A_311 : i32 to vector<16xi32>
        %add3A_313 = arith.addi %add3A_312, %iota3A : vector<16xi32>
        %shift_right_logical3A = arith.constant 7 : i32
        %shift_right_logical3A_314 = vector.broadcast %shift_right_logical3A : i32 to vector<16xi32>
        %shift_right_logical3A_315 = arith.shrui %add3A_313, %shift_right_logical3A_314 : vector<16xi32>
        %and3A = arith.constant 127 : i32
        %and3A_316 = vector.broadcast %and3A : i32 to vector<16xi32>
        %and3A_317 = arith.andi %add3A_313, %and3A_316 : vector<16xi32>
        tpu.vector_store_idx %arg7[%shift_right_logical3A_315, %and3A_317], %mul3A_307 : memref<40x128xi32, #tpu.memory_space<vmem>>[vector<16xi32>, vector<16xi32>], vector<16xi32>,
        %add3A_318 = arith.constant 1 : i32
        %add3A_319 = vector.broadcast %add3A_318 : i32 to vector<16xi32>
        %add3A_320 = arith.addi %mul3A_307, %add3A_319 : vector<16xi32>
        tpu.vector_store_idx %arg8[%shift_right_logical3A_315, %and3A_317], %add3A_320 : memref<40x128xi32, #tpu.memory_space<vmem>>[vector<16xi32>, vector<16xi32>], vector<16xi32>,
        %mul3A_321 = arith.constant 16 : i32
        %mul3A_322 = arith.muli %scan3A_45, %mul3A_321 : i32
        %add3A_323 = arith.constant 0 : i32
        %add3A_324 = arith.addi %add3A_323, %mul3A_322 : i32
        %swap3A = arith.index_cast %add3A_324 : i32 to index
        %swap3A_325 = tpu.vector_load %arg9[%swap3A] {strides = array<i32>} : memref<5120xf32, #tpu.memory_space<vmem>>, vector<16xf32>,
        tpu.vector_store %arg9[%swap3A], %mul3A_304 {strides = array<i32>} : memref<5120xf32, #tpu.memory_space<vmem>>, vector<16xf32>,
        %add3A_326 = arith.addi %add3A_286, %mul3A_289 : vector<16xi32>
        %add3A_327 = arith.addi %add3A_326, %mul3A_292 : vector<16xi32>
        %add3A_328 = arith.constant 4913 : i32
        %add3A_329 = vector.broadcast %add3A_328 : i32 to vector<16xi32>
        %add3A_330 = arith.addi %add3A_327, %add3A_329 : vector<16xi32>
        %mul3A_331 = arith.mulf %mul3A_281, %sub3A_279 : vector<16xf32>
        %mul3A_332 = arith.constant 2 : i32
        %mul3A_333 = vector.broadcast %mul3A_332 : i32 to vector<16xi32>
        %mul3A_334 = arith.muli %add3A_330, %mul3A_333 : vector<16xi32>
        %mul3A_335 = arith.constant 16 : i32
        %mul3A_336 = arith.muli %scan3A_45, %mul3A_335 : i32
        %add3A_337 = arith.constant 128 : i32
        %add3A_338 = arith.addi %add3A_337, %mul3A_336 : i32
        %add3A_339 = vector.broadcast %add3A_338 : i32 to vector<16xi32>
        %add3A_340 = arith.addi %add3A_339, %iota3A : vector<16xi32>
        %shift_right_logical3A_341 = arith.constant 7 : i32
        %shift_right_logical3A_342 = vector.broadcast %shift_right_logical3A_341 : i32 to vector<16xi32>
        %shift_right_logical3A_343 = arith.shrui %add3A_340, %shift_right_logical3A_342 : vector<16xi32>
        %and3A_344 = arith.constant 127 : i32
        %and3A_345 = vector.broadcast %and3A_344 : i32 to vector<16xi32>
        %and3A_346 = arith.andi %add3A_340, %and3A_345 : vector<16xi32>
        tpu.vector_store_idx %arg7[%shift_right_logical3A_343, %and3A_346], %mul3A_334 : memref<40x128xi32, #tpu.memory_space<vmem>>[vector<16xi32>, vector<16xi32>], vector<16xi32>,
        %add3A_347 = arith.constant 1 : i32
        %add3A_348 = vector.broadcast %add3A_347 : i32 to vector<16xi32>
        %add3A_349 = arith.addi %mul3A_334, %add3A_348 : vector<16xi32>
        tpu.vector_store_idx %arg8[%shift_right_logical3A_343, %and3A_346], %add3A_349 : memref<40x128xi32, #tpu.memory_space<vmem>>[vector<16xi32>, vector<16xi32>], vector<16xi32>,
        %mul3A_350 = arith.constant 16 : i32
        %mul3A_351 = arith.muli %scan3A_45, %mul3A_350 : i32
        %add3A_352 = arith.constant 128 : i32
        %add3A_353 = arith.addi %add3A_352, %mul3A_351 : i32
        %swap3A_354 = arith.index_cast %add3A_353 : i32 to index
        %swap3A_355 = tpu.vector_load %arg9[%swap3A_354] {strides = array<i32>} : memref<5120xf32, #tpu.memory_space<vmem>>, vector<16xf32>,
        tpu.vector_store %arg9[%swap3A_354], %mul3A_331 {strides = array<i32>} : memref<5120xf32, #tpu.memory_space<vmem>>, vector<16xf32>,
        %add3A_356 = arith.addi %convert_element_type3A_262, %add3A_295 : vector<16xi32>
        %add3A_357 = arith.addi %add3A_356, %mul3A_292 : vector<16xi32>
        %add3A_358 = arith.constant 4913 : i32
        %add3A_359 = vector.broadcast %add3A_358 : i32 to vector<16xi32>
        %add3A_360 = arith.addi %add3A_357, %add3A_359 : vector<16xi32>
        %mul3A_361 = arith.mulf %mul3A_282, %sub3A_279 : vector<16xf32>
        %mul3A_362 = arith.constant 2 : i32
        %mul3A_363 = vector.broadcast %mul3A_362 : i32 to vector<16xi32>
        %mul3A_364 = arith.muli %add3A_360, %mul3A_363 : vector<16xi32>
        %mul3A_365 = arith.constant 16 : i32
        %mul3A_366 = arith.muli %scan3A_45, %mul3A_365 : i32
        %add3A_367 = arith.constant 256 : i32
        %add3A_368 = arith.addi %add3A_367, %mul3A_366 : i32
        %add3A_369 = vector.broadcast %add3A_368 : i32 to vector<16xi32>
        %add3A_370 = arith.addi %add3A_369, %iota3A : vector<16xi32>
        %shift_right_logical3A_371 = arith.constant 7 : i32
        %shift_right_logical3A_372 = vector.broadcast %shift_right_logical3A_371 : i32 to vector<16xi32>
        %shift_right_logical3A_373 = arith.shrui %add3A_370, %shift_right_logical3A_372 : vector<16xi32>
        %and3A_374 = arith.constant 127 : i32
        %and3A_375 = vector.broadcast %and3A_374 : i32 to vector<16xi32>
        %and3A_376 = arith.andi %add3A_370, %and3A_375 : vector<16xi32>
        tpu.vector_store_idx %arg7[%shift_right_logical3A_373, %and3A_376], %mul3A_364 : memref<40x128xi32, #tpu.memory_space<vmem>>[vector<16xi32>, vector<16xi32>], vector<16xi32>,
        %add3A_377 = arith.constant 1 : i32
        %add3A_378 = vector.broadcast %add3A_377 : i32 to vector<16xi32>
        %add3A_379 = arith.addi %mul3A_364, %add3A_378 : vector<16xi32>
        tpu.vector_store_idx %arg8[%shift_right_logical3A_373, %and3A_376], %add3A_379 : memref<40x128xi32, #tpu.memory_space<vmem>>[vector<16xi32>, vector<16xi32>], vector<16xi32>,
        %mul3A_380 = arith.constant 16 : i32
        %mul3A_381 = arith.muli %scan3A_45, %mul3A_380 : i32
        %add3A_382 = arith.constant 256 : i32
        %add3A_383 = arith.addi %add3A_382, %mul3A_381 : i32
        %swap3A_384 = arith.index_cast %add3A_383 : i32 to index
        %swap3A_385 = tpu.vector_load %arg9[%swap3A_384] {strides = array<i32>} : memref<5120xf32, #tpu.memory_space<vmem>>, vector<16xf32>,
        tpu.vector_store %arg9[%swap3A_384], %mul3A_361 {strides = array<i32>} : memref<5120xf32, #tpu.memory_space<vmem>>, vector<16xf32>,
        %add3A_386 = arith.addi %add3A_286, %add3A_295 : vector<16xi32>
        %add3A_387 = arith.addi %add3A_386, %mul3A_292 : vector<16xi32>
        %add3A_388 = arith.constant 4913 : i32
        %add3A_389 = vector.broadcast %add3A_388 : i32 to vector<16xi32>
        %add3A_390 = arith.addi %add3A_387, %add3A_389 : vector<16xi32>
        %mul3A_391 = arith.mulf %mul3A_283, %sub3A_279 : vector<16xf32>
        %mul3A_392 = arith.constant 2 : i32
        %mul3A_393 = vector.broadcast %mul3A_392 : i32 to vector<16xi32>
        %mul3A_394 = arith.muli %add3A_390, %mul3A_393 : vector<16xi32>
        %mul3A_395 = arith.constant 16 : i32
        %mul3A_396 = arith.muli %scan3A_45, %mul3A_395 : i32
        %add3A_397 = arith.constant 384 : i32
        %add3A_398 = arith.addi %add3A_397, %mul3A_396 : i32
        %add3A_399 = vector.broadcast %add3A_398 : i32 to vector<16xi32>
        %add3A_400 = arith.addi %add3A_399, %iota3A : vector<16xi32>
        %shift_right_logical3A_401 = arith.constant 7 : i32
        %shift_right_logical3A_402 = vector.broadcast %shift_right_logical3A_401 : i32 to vector<16xi32>
        %shift_right_logical3A_403 = arith.shrui %add3A_400, %shift_right_logical3A_402 : vector<16xi32>
        %and3A_404 = arith.constant 127 : i32
        %and3A_405 = vector.broadcast %and3A_404 : i32 to vector<16xi32>
        %and3A_406 = arith.andi %add3A_400, %and3A_405 : vector<16xi32>
        tpu.vector_store_idx %arg7[%shift_right_logical3A_403, %and3A_406], %mul3A_394 : memref<40x128xi32, #tpu.memory_space<vmem>>[vector<16xi32>, vector<16xi32>], vector<16xi32>,
        %add3A_407 = arith.constant 1 : i32
        %add3A_408 = vector.broadcast %add3A_407 : i32 to vector<16xi32>
        %add3A_409 = arith.addi %mul3A_394, %add3A_408 : vector<16xi32>
        tpu.vector_store_idx %arg8[%shift_right_logical3A_403, %and3A_406], %add3A_409 : memref<40x128xi32, #tpu.memory_space<vmem>>[vector<16xi32>, vector<16xi32>], vector<16xi32>,
        %mul3A_410 = arith.constant 16 : i32
        %mul3A_411 = arith.muli %scan3A_45, %mul3A_410 : i32
        %add3A_412 = arith.constant 384 : i32
        %add3A_413 = arith.addi %add3A_412, %mul3A_411 : i32
        %swap3A_414 = arith.index_cast %add3A_413 : i32 to index
        %swap3A_415 = tpu.vector_load %arg9[%swap3A_414] {strides = array<i32>} : memref<5120xf32, #tpu.memory_space<vmem>>, vector<16xf32>,
        tpu.vector_store %arg9[%swap3A_414], %mul3A_391 {strides = array<i32>} : memref<5120xf32, #tpu.memory_space<vmem>>, vector<16xf32>,
        %add3A_416 = arith.addi %convert_element_type3A_262, %mul3A_289 : vector<16xi32>
        %add3A_417 = arith.addi %add3A_416, %add3A_298 : vector<16xi32>
        %add3A_418 = arith.constant 4913 : i32
        %add3A_419 = vector.broadcast %add3A_418 : i32 to vector<16xi32>
        %add3A_420 = arith.addi %add3A_417, %add3A_419 : vector<16xi32>
        %mul3A_421 = arith.mulf %mul3A_280, %sub3A_270 : vector<16xf32>
        %mul3A_422 = arith.constant 2 : i32
        %mul3A_423 = vector.broadcast %mul3A_422 : i32 to vector<16xi32>
        %mul3A_424 = arith.muli %add3A_420, %mul3A_423 : vector<16xi32>
        %mul3A_425 = arith.constant 16 : i32
        %mul3A_426 = arith.muli %scan3A_45, %mul3A_425 : i32
        %add3A_427 = arith.constant 512 : i32
        %add3A_428 = arith.addi %add3A_427, %mul3A_426 : i32
        %add3A_429 = vector.broadcast %add3A_428 : i32 to vector<16xi32>
        %add3A_430 = arith.addi %add3A_429, %iota3A : vector<16xi32>
        %shift_right_logical3A_431 = arith.constant 7 : i32
        %shift_right_logical3A_432 = vector.broadcast %shift_right_logical3A_431 : i32 to vector<16xi32>
        %shift_right_logical3A_433 = arith.shrui %add3A_430, %shift_right_logical3A_432 : vector<16xi32>
        %and3A_434 = arith.constant 127 : i32
        %and3A_435 = vector.broadcast %and3A_434 : i32 to vector<16xi32>
        %and3A_436 = arith.andi %add3A_430, %and3A_435 : vector<16xi32>
        tpu.vector_store_idx %arg7[%shift_right_logical3A_433, %and3A_436], %mul3A_424 : memref<40x128xi32, #tpu.memory_space<vmem>>[vector<16xi32>, vector<16xi32>], vector<16xi32>,
        %add3A_437 = arith.constant 1 : i32
        %add3A_438 = vector.broadcast %add3A_437 : i32 to vector<16xi32>
        %add3A_439 = arith.addi %mul3A_424, %add3A_438 : vector<16xi32>
        tpu.vector_store_idx %arg8[%shift_right_logical3A_433, %and3A_436], %add3A_439 : memref<40x128xi32, #tpu.memory_space<vmem>>[vector<16xi32>, vector<16xi32>], vector<16xi32>,
        %mul3A_440 = arith.constant 16 : i32
        %mul3A_441 = arith.muli %scan3A_45, %mul3A_440 : i32
        %add3A_442 = arith.constant 512 : i32
        %add3A_443 = arith.addi %add3A_442, %mul3A_441 : i32
        %swap3A_444 = arith.index_cast %add3A_443 : i32 to index
        %swap3A_445 = tpu.vector_load %arg9[%swap3A_444] {strides = array<i32>} : memref<5120xf32, #tpu.memory_space<vmem>>, vector<16xf32>,
        tpu.vector_store %arg9[%swap3A_444], %mul3A_421 {strides = array<i32>} : memref<5120xf32, #tpu.memory_space<vmem>>, vector<16xf32>,
        %add3A_446 = arith.addi %add3A_286, %mul3A_289 : vector<16xi32>
        %add3A_447 = arith.addi %add3A_446, %add3A_298 : vector<16xi32>
        %add3A_448 = arith.constant 4913 : i32
        %add3A_449 = vector.broadcast %add3A_448 : i32 to vector<16xi32>
        %add3A_450 = arith.addi %add3A_447, %add3A_449 : vector<16xi32>
        %mul3A_451 = arith.mulf %mul3A_281, %sub3A_270 : vector<16xf32>
        %mul3A_452 = arith.constant 2 : i32
        %mul3A_453 = vector.broadcast %mul3A_452 : i32 to vector<16xi32>
        %mul3A_454 = arith.muli %add3A_450, %mul3A_453 : vector<16xi32>
        %mul3A_455 = arith.constant 16 : i32
        %mul3A_456 = arith.muli %scan3A_45, %mul3A_455 : i32
        %add3A_457 = arith.constant 640 : i32
        %add3A_458 = arith.addi %add3A_457, %mul3A_456 : i32
        %add3A_459 = vector.broadcast %add3A_458 : i32 to vector<16xi32>
        %add3A_460 = arith.addi %add3A_459, %iota3A : vector<16xi32>
        %shift_right_logical3A_461 = arith.constant 7 : i32
        %shift_right_logical3A_462 = vector.broadcast %shift_right_logical3A_461 : i32 to vector<16xi32>
        %shift_right_logical3A_463 = arith.shrui %add3A_460, %shift_right_logical3A_462 : vector<16xi32>
        %and3A_464 = arith.constant 127 : i32
        %and3A_465 = vector.broadcast %and3A_464 : i32 to vector<16xi32>
        %and3A_466 = arith.andi %add3A_460, %and3A_465 : vector<16xi32>
        tpu.vector_store_idx %arg7[%shift_right_logical3A_463, %and3A_466], %mul3A_454 : memref<40x128xi32, #tpu.memory_space<vmem>>[vector<16xi32>, vector<16xi32>], vector<16xi32>,
        %add3A_467 = arith.constant 1 : i32
        %add3A_468 = vector.broadcast %add3A_467 : i32 to vector<16xi32>
        %add3A_469 = arith.addi %mul3A_454, %add3A_468 : vector<16xi32>
        tpu.vector_store_idx %arg8[%shift_right_logical3A_463, %and3A_466], %add3A_469 : memref<40x128xi32, #tpu.memory_space<vmem>>[vector<16xi32>, vector<16xi32>], vector<16xi32>,
        %mul3A_470 = arith.constant 16 : i32
        %mul3A_471 = arith.muli %scan3A_45, %mul3A_470 : i32
        %add3A_472 = arith.constant 640 : i32
        %add3A_473 = arith.addi %add3A_472, %mul3A_471 : i32
        %swap3A_474 = arith.index_cast %add3A_473 : i32 to index
        %swap3A_475 = tpu.vector_load %arg9[%swap3A_474] {strides = array<i32>} : memref<5120xf32, #tpu.memory_space<vmem>>, vector<16xf32>,
        tpu.vector_store %arg9[%swap3A_474], %mul3A_451 {strides = array<i32>} : memref<5120xf32, #tpu.memory_space<vmem>>, vector<16xf32>,
        %add3A_476 = arith.addi %convert_element_type3A_262, %add3A_295 : vector<16xi32>
        %add3A_477 = arith.addi %add3A_476, %add3A_298 : vector<16xi32>
        %add3A_478 = arith.constant 4913 : i32
        %add3A_479 = vector.broadcast %add3A_478 : i32 to vector<16xi32>
        %add3A_480 = arith.addi %add3A_477, %add3A_479 : vector<16xi32>
        %mul3A_481 = arith.mulf %mul3A_282, %sub3A_270 : vector<16xf32>
        %mul3A_482 = arith.constant 2 : i32
        %mul3A_483 = vector.broadcast %mul3A_482 : i32 to vector<16xi32>
        %mul3A_484 = arith.muli %add3A_480, %mul3A_483 : vector<16xi32>
        %mul3A_485 = arith.constant 16 : i32
        %mul3A_486 = arith.muli %scan3A_45, %mul3A_485 : i32
        %add3A_487 = arith.constant 768 : i32
        %add3A_488 = arith.addi %add3A_487, %mul3A_486 : i32
        %add3A_489 = vector.broadcast %add3A_488 : i32 to vector<16xi32>
        %add3A_490 = arith.addi %add3A_489, %iota3A : vector<16xi32>
        %shift_right_logical3A_491 = arith.constant 7 : i32
        %shift_right_logical3A_492 = vector.broadcast %shift_right_logical3A_491 : i32 to vector<16xi32>
        %shift_right_logical3A_493 = arith.shrui %add3A_490, %shift_right_logical3A_492 : vector<16xi32>
        %and3A_494 = arith.constant 127 : i32
        %and3A_495 = vector.broadcast %and3A_494 : i32 to vector<16xi32>
        %and3A_496 = arith.andi %add3A_490, %and3A_495 : vector<16xi32>
        tpu.vector_store_idx %arg7[%shift_right_logical3A_493, %and3A_496], %mul3A_484 : memref<40x128xi32, #tpu.memory_space<vmem>>[vector<16xi32>, vector<16xi32>], vector<16xi32>,
        %add3A_497 = arith.constant 1 : i32
        %add3A_498 = vector.broadcast %add3A_497 : i32 to vector<16xi32>
        %add3A_499 = arith.addi %mul3A_484, %add3A_498 : vector<16xi32>
        tpu.vector_store_idx %arg8[%shift_right_logical3A_493, %and3A_496], %add3A_499 : memref<40x128xi32, #tpu.memory_space<vmem>>[vector<16xi32>, vector<16xi32>], vector<16xi32>,
        %mul3A_500 = arith.constant 16 : i32
        %mul3A_501 = arith.muli %scan3A_45, %mul3A_500 : i32
        %add3A_502 = arith.constant 768 : i32
        %add3A_503 = arith.addi %add3A_502, %mul3A_501 : i32
        %swap3A_504 = arith.index_cast %add3A_503 : i32 to index
        %swap3A_505 = tpu.vector_load %arg9[%swap3A_504] {strides = array<i32>} : memref<5120xf32, #tpu.memory_space<vmem>>, vector<16xf32>,
        tpu.vector_store %arg9[%swap3A_504], %mul3A_481 {strides = array<i32>} : memref<5120xf32, #tpu.memory_space<vmem>>, vector<16xf32>,
        %add3A_506 = arith.addi %add3A_286, %add3A_295 : vector<16xi32>
        %add3A_507 = arith.addi %add3A_506, %add3A_298 : vector<16xi32>
        %add3A_508 = arith.constant 4913 : i32
        %add3A_509 = vector.broadcast %add3A_508 : i32 to vector<16xi32>
        %add3A_510 = arith.addi %add3A_507, %add3A_509 : vector<16xi32>
        %mul3A_511 = arith.mulf %mul3A_283, %sub3A_270 : vector<16xf32>
        %mul3A_512 = arith.constant 2 : i32
        %mul3A_513 = vector.broadcast %mul3A_512 : i32 to vector<16xi32>
        %mul3A_514 = arith.muli %add3A_510, %mul3A_513 : vector<16xi32>
        %mul3A_515 = arith.constant 16 : i32
        %mul3A_516 = arith.muli %scan3A_45, %mul3A_515 : i32
        %add3A_517 = arith.constant 896 : i32
        %add3A_518 = arith.addi %add3A_517, %mul3A_516 : i32
        %add3A_519 = vector.broadcast %add3A_518 : i32 to vector<16xi32>
        %add3A_520 = arith.addi %add3A_519, %iota3A : vector<16xi32>
        %shift_right_logical3A_521 = arith.constant 7 : i32
        %shift_right_logical3A_522 = vector.broadcast %shift_right_logical3A_521 : i32 to vector<16xi32>
        %shift_right_logical3A_523 = arith.shrui %add3A_520, %shift_right_logical3A_522 : vector<16xi32>
        %and3A_524 = arith.constant 127 : i32
        %and3A_525 = vector.broadcast %and3A_524 : i32 to vector<16xi32>
        %and3A_526 = arith.andi %add3A_520, %and3A_525 : vector<16xi32>
        tpu.vector_store_idx %arg7[%shift_right_logical3A_523, %and3A_526], %mul3A_514 : memref<40x128xi32, #tpu.memory_space<vmem>>[vector<16xi32>, vector<16xi32>], vector<16xi32>,
        %add3A_527 = arith.constant 1 : i32
        %add3A_528 = vector.broadcast %add3A_527 : i32 to vector<16xi32>
        %add3A_529 = arith.addi %mul3A_514, %add3A_528 : vector<16xi32>
        tpu.vector_store_idx %arg8[%shift_right_logical3A_523, %and3A_526], %add3A_529 : memref<40x128xi32, #tpu.memory_space<vmem>>[vector<16xi32>, vector<16xi32>], vector<16xi32>,
        %mul3A_530 = arith.constant 16 : i32
        %mul3A_531 = arith.muli %scan3A_45, %mul3A_530 : i32
        %add3A_532 = arith.constant 896 : i32
        %add3A_533 = arith.addi %add3A_532, %mul3A_531 : i32
        %swap3A_534 = arith.index_cast %add3A_533 : i32 to index
        %swap3A_535 = tpu.vector_load %arg9[%swap3A_534] {strides = array<i32>} : memref<5120xf32, #tpu.memory_space<vmem>>, vector<16xf32>,
        tpu.vector_store %arg9[%swap3A_534], %mul3A_511 {strides = array<i32>} : memref<5120xf32, #tpu.memory_space<vmem>>, vector<16xf32>,
        %mul3A_536 = arith.constant 6.300000e+01 : f32
        %mul3A_537 = vector.broadcast %mul3A_536 : f32 to vector<16xf32>
        %mul3A_538 = arith.mulf %gather3A, %mul3A_537 : vector<16xf32>
        %add3A_539 = arith.constant 5.000000e-01 : f32
        %add3A_540 = vector.broadcast %add3A_539 : f32 to vector<16xf32>
        %add3A_541 = arith.addf %mul3A_538, %add3A_540 : vector<16xf32>
        %mul3A_542 = arith.constant 6.300000e+01 : f32
        %mul3A_543 = vector.broadcast %mul3A_542 : f32 to vector<16xf32>
        %mul3A_544 = arith.mulf %gather3A_63, %mul3A_543 : vector<16xf32>
        %add3A_545 = arith.constant 5.000000e-01 : f32
        %add3A_546 = vector.broadcast %add3A_545 : f32 to vector<16xf32>
        %add3A_547 = arith.addf %mul3A_544, %add3A_546 : vector<16xf32>
        %mul3A_548 = arith.constant 6.300000e+01 : f32
        %mul3A_549 = vector.broadcast %mul3A_548 : f32 to vector<16xf32>
        %mul3A_550 = arith.mulf %gather3A_67, %mul3A_549 : vector<16xf32>
        %add3A_551 = arith.constant 5.000000e-01 : f32
        %add3A_552 = vector.broadcast %add3A_551 : f32 to vector<16xf32>
        %add3A_553 = arith.addf %mul3A_550, %add3A_552 : vector<16xf32>
        %convert_element_type3A_554 = arith.fptosi %add3A_541 : vector<16xf32> to vector<16xi32>
        %convert_element_type3A_555 = arith.fptosi %add3A_547 : vector<16xf32> to vector<16xi32>
        %convert_element_type3A_556 = arith.fptosi %add3A_553 : vector<16xf32> to vector<16xi32>
        %convert_element_type3A_557 = arith.sitofp %convert_element_type3A_554 : vector<16xi32> to vector<16xf32>
        %sub3A_558 = arith.subf %add3A_541, %convert_element_type3A_557 : vector<16xf32>
        %convert_element_type3A_559 = arith.sitofp %convert_element_type3A_555 : vector<16xi32> to vector<16xf32>
        %sub3A_560 = arith.subf %add3A_547, %convert_element_type3A_559 : vector<16xf32>
        %convert_element_type3A_561 = arith.sitofp %convert_element_type3A_556 : vector<16xi32> to vector<16xf32>
        %sub3A_562 = arith.subf %add3A_553, %convert_element_type3A_561 : vector<16xf32>
        %sub3A_563 = arith.constant 1.000000e+00 : f32
        %sub3A_564 = vector.broadcast %sub3A_563 : f32 to vector<16xf32>
        %sub3A_565 = arith.subf %sub3A_564, %sub3A_558 : vector<16xf32>
        %sub3A_566 = arith.constant 1.000000e+00 : f32
        %sub3A_567 = vector.broadcast %sub3A_566 : f32 to vector<16xf32>
        %sub3A_568 = arith.subf %sub3A_567, %sub3A_560 : vector<16xf32>
        %sub3A_569 = arith.constant 1.000000e+00 : f32
        %sub3A_570 = vector.broadcast %sub3A_569 : f32 to vector<16xf32>
        %sub3A_571 = arith.subf %sub3A_570, %sub3A_562 : vector<16xf32>
        %mul3A_572 = arith.mulf %sub3A_565, %sub3A_568 : vector<16xf32>
        %mul3A_573 = arith.mulf %sub3A_558, %sub3A_568 : vector<16xf32>
        %mul3A_574 = arith.mulf %sub3A_565, %sub3A_560 : vector<16xf32>
        %mul3A_575 = arith.mulf %sub3A_558, %sub3A_560 : vector<16xf32>
        %add3A_576 = arith.constant 1 : i32
        %add3A_577 = vector.broadcast %add3A_576 : i32 to vector<16xi32>
        %add3A_578 = arith.addi %convert_element_type3A_554, %add3A_577 : vector<16xi32>
        %mul3A_579 = arith.constant 65 : i32
        %mul3A_580 = vector.broadcast %mul3A_579 : i32 to vector<16xi32>
        %mul3A_581 = arith.muli %convert_element_type3A_555, %mul3A_580 : vector<16xi32>
        %mul3A_582 = arith.constant 4225 : i32
        %mul3A_583 = vector.broadcast %mul3A_582 : i32 to vector<16xi32>
        %mul3A_584 = arith.muli %convert_element_type3A_556, %mul3A_583 : vector<16xi32>
        %add3A_585 = arith.constant 65 : i32
        %add3A_586 = vector.broadcast %add3A_585 : i32 to vector<16xi32>
        %add3A_587 = arith.addi %mul3A_581, %add3A_586 : vector<16xi32>
        %add3A_588 = arith.constant 4225 : i32
        %add3A_589 = vector.broadcast %add3A_588 : i32 to vector<16xi32>
        %add3A_590 = arith.addi %mul3A_584, %add3A_589 : vector<16xi32>
        %add3A_591 = arith.addi %convert_element_type3A_554, %mul3A_581 : vector<16xi32>
        %add3A_592 = arith.addi %add3A_591, %mul3A_584 : vector<16xi32>
        %add3A_593 = arith.constant 40850 : i32
        %add3A_594 = vector.broadcast %add3A_593 : i32 to vector<16xi32>
        %add3A_595 = arith.addi %add3A_592, %add3A_594 : vector<16xi32>
        %mul3A_596 = arith.mulf %mul3A_572, %sub3A_571 : vector<16xf32>
        %mul3A_597 = arith.constant 2 : i32
        %mul3A_598 = vector.broadcast %mul3A_597 : i32 to vector<16xi32>
        %mul3A_599 = arith.muli %add3A_595, %mul3A_598 : vector<16xi32>
        %mul3A_600 = arith.constant 16 : i32
        %mul3A_601 = arith.muli %scan3A_45, %mul3A_600 : i32
        %add3A_602 = arith.constant 1024 : i32
        %add3A_603 = arith.addi %add3A_602, %mul3A_601 : i32
        %add3A_604 = vector.broadcast %add3A_603 : i32 to vector<16xi32>
        %add3A_605 = arith.addi %add3A_604, %iota3A : vector<16xi32>
        %shift_right_logical3A_606 = arith.constant 7 : i32
        %shift_right_logical3A_607 = vector.broadcast %shift_right_logical3A_606 : i32 to vector<16xi32>
        %shift_right_logical3A_608 = arith.shrui %add3A_605, %shift_right_logical3A_607 : vector<16xi32>
        %and3A_609 = arith.constant 127 : i32
        %and3A_610 = vector.broadcast %and3A_609 : i32 to vector<16xi32>
        %and3A_611 = arith.andi %add3A_605, %and3A_610 : vector<16xi32>
        tpu.vector_store_idx %arg7[%shift_right_logical3A_608, %and3A_611], %mul3A_599 : memref<40x128xi32, #tpu.memory_space<vmem>>[vector<16xi32>, vector<16xi32>], vector<16xi32>,
        %add3A_612 = arith.constant 1 : i32
        %add3A_613 = vector.broadcast %add3A_612 : i32 to vector<16xi32>
        %add3A_614 = arith.addi %mul3A_599, %add3A_613 : vector<16xi32>
        tpu.vector_store_idx %arg8[%shift_right_logical3A_608, %and3A_611], %add3A_614 : memref<40x128xi32, #tpu.memory_space<vmem>>[vector<16xi32>, vector<16xi32>], vector<16xi32>,
        %mul3A_615 = arith.constant 16 : i32
        %mul3A_616 = arith.muli %scan3A_45, %mul3A_615 : i32
        %add3A_617 = arith.constant 1024 : i32
        %add3A_618 = arith.addi %add3A_617, %mul3A_616 : i32
        %swap3A_619 = arith.index_cast %add3A_618 : i32 to index
        %swap3A_620 = tpu.vector_load %arg9[%swap3A_619] {strides = array<i32>} : memref<5120xf32, #tpu.memory_space<vmem>>, vector<16xf32>,
        tpu.vector_store %arg9[%swap3A_619], %mul3A_596 {strides = array<i32>} : memref<5120xf32, #tpu.memory_space<vmem>>, vector<16xf32>,
        %add3A_621 = arith.addi %add3A_578, %mul3A_581 : vector<16xi32>
        %add3A_622 = arith.addi %add3A_621, %mul3A_584 : vector<16xi32>
        %add3A_623 = arith.constant 40850 : i32
        %add3A_624 = vector.broadcast %add3A_623 : i32 to vector<16xi32>
        %add3A_625 = arith.addi %add3A_622, %add3A_624 : vector<16xi32>
        %mul3A_626 = arith.mulf %mul3A_573, %sub3A_571 : vector<16xf32>
        %mul3A_627 = arith.constant 2 : i32
        %mul3A_628 = vector.broadcast %mul3A_627 : i32 to vector<16xi32>
        %mul3A_629 = arith.muli %add3A_625, %mul3A_628 : vector<16xi32>
        %mul3A_630 = arith.constant 16 : i32
        %mul3A_631 = arith.muli %scan3A_45, %mul3A_630 : i32
        %add3A_632 = arith.constant 1152 : i32
        %add3A_633 = arith.addi %add3A_632, %mul3A_631 : i32
        %add3A_634 = vector.broadcast %add3A_633 : i32 to vector<16xi32>
        %add3A_635 = arith.addi %add3A_634, %iota3A : vector<16xi32>
        %shift_right_logical3A_636 = arith.constant 7 : i32
        %shift_right_logical3A_637 = vector.broadcast %shift_right_logical3A_636 : i32 to vector<16xi32>
        %shift_right_logical3A_638 = arith.shrui %add3A_635, %shift_right_logical3A_637 : vector<16xi32>
        %and3A_639 = arith.constant 127 : i32
        %and3A_640 = vector.broadcast %and3A_639 : i32 to vector<16xi32>
        %and3A_641 = arith.andi %add3A_635, %and3A_640 : vector<16xi32>
        tpu.vector_store_idx %arg7[%shift_right_logical3A_638, %and3A_641], %mul3A_629 : memref<40x128xi32, #tpu.memory_space<vmem>>[vector<16xi32>, vector<16xi32>], vector<16xi32>,
        %add3A_642 = arith.constant 1 : i32
        %add3A_643 = vector.broadcast %add3A_642 : i32 to vector<16xi32>
        %add3A_644 = arith.addi %mul3A_629, %add3A_643 : vector<16xi32>
        tpu.vector_store_idx %arg8[%shift_right_logical3A_638, %and3A_641], %add3A_644 : memref<40x128xi32, #tpu.memory_space<vmem>>[vector<16xi32>, vector<16xi32>], vector<16xi32>,
        %mul3A_645 = arith.constant 16 : i32
        %mul3A_646 = arith.muli %scan3A_45, %mul3A_645 : i32
        %add3A_647 = arith.constant 1152 : i32
        %add3A_648 = arith.addi %add3A_647, %mul3A_646 : i32
        %swap3A_649 = arith.index_cast %add3A_648 : i32 to index
        %swap3A_650 = tpu.vector_load %arg9[%swap3A_649] {strides = array<i32>} : memref<5120xf32, #tpu.memory_space<vmem>>, vector<16xf32>,
        tpu.vector_store %arg9[%swap3A_649], %mul3A_626 {strides = array<i32>} : memref<5120xf32, #tpu.memory_space<vmem>>, vector<16xf32>,
        %add3A_651 = arith.addi %convert_element_type3A_554, %add3A_587 : vector<16xi32>
        %add3A_652 = arith.addi %add3A_651, %mul3A_584 : vector<16xi32>
        %add3A_653 = arith.constant 40850 : i32
        %add3A_654 = vector.broadcast %add3A_653 : i32 to vector<16xi32>
        %add3A_655 = arith.addi %add3A_652, %add3A_654 : vector<16xi32>
        %mul3A_656 = arith.mulf %mul3A_574, %sub3A_571 : vector<16xf32>
        %mul3A_657 = arith.constant 2 : i32
        %mul3A_658 = vector.broadcast %mul3A_657 : i32 to vector<16xi32>
        %mul3A_659 = arith.muli %add3A_655, %mul3A_658 : vector<16xi32>
        %mul3A_660 = arith.constant 16 : i32
        %mul3A_661 = arith.muli %scan3A_45, %mul3A_660 : i32
        %add3A_662 = arith.constant 1280 : i32
        %add3A_663 = arith.addi %add3A_662, %mul3A_661 : i32
        %add3A_664 = vector.broadcast %add3A_663 : i32 to vector<16xi32>
        %add3A_665 = arith.addi %add3A_664, %iota3A : vector<16xi32>
        %shift_right_logical3A_666 = arith.constant 7 : i32
        %shift_right_logical3A_667 = vector.broadcast %shift_right_logical3A_666 : i32 to vector<16xi32>
        %shift_right_logical3A_668 = arith.shrui %add3A_665, %shift_right_logical3A_667 : vector<16xi32>
        %and3A_669 = arith.constant 127 : i32
        %and3A_670 = vector.broadcast %and3A_669 : i32 to vector<16xi32>
        %and3A_671 = arith.andi %add3A_665, %and3A_670 : vector<16xi32>
        tpu.vector_store_idx %arg7[%shift_right_logical3A_668, %and3A_671], %mul3A_659 : memref<40x128xi32, #tpu.memory_space<vmem>>[vector<16xi32>, vector<16xi32>], vector<16xi32>,
        %add3A_672 = arith.constant 1 : i32
        %add3A_673 = vector.broadcast %add3A_672 : i32 to vector<16xi32>
        %add3A_674 = arith.addi %mul3A_659, %add3A_673 : vector<16xi32>
        tpu.vector_store_idx %arg8[%shift_right_logical3A_668, %and3A_671], %add3A_674 : memref<40x128xi32, #tpu.memory_space<vmem>>[vector<16xi32>, vector<16xi32>], vector<16xi32>,
        %mul3A_675 = arith.constant 16 : i32
        %mul3A_676 = arith.muli %scan3A_45, %mul3A_675 : i32
        %add3A_677 = arith.constant 1280 : i32
        %add3A_678 = arith.addi %add3A_677, %mul3A_676 : i32
        %swap3A_679 = arith.index_cast %add3A_678 : i32 to index
        %swap3A_680 = tpu.vector_load %arg9[%swap3A_679] {strides = array<i32>} : memref<5120xf32, #tpu.memory_space<vmem>>, vector<16xf32>,
        tpu.vector_store %arg9[%swap3A_679], %mul3A_656 {strides = array<i32>} : memref<5120xf32, #tpu.memory_space<vmem>>, vector<16xf32>,
        %add3A_681 = arith.addi %add3A_578, %add3A_587 : vector<16xi32>
        %add3A_682 = arith.addi %add3A_681, %mul3A_584 : vector<16xi32>
        %add3A_683 = arith.constant 40850 : i32
        %add3A_684 = vector.broadcast %add3A_683 : i32 to vector<16xi32>
        %add3A_685 = arith.addi %add3A_682, %add3A_684 : vector<16xi32>
        %mul3A_686 = arith.mulf %mul3A_575, %sub3A_571 : vector<16xf32>
        %mul3A_687 = arith.constant 2 : i32
        %mul3A_688 = vector.broadcast %mul3A_687 : i32 to vector<16xi32>
        %mul3A_689 = arith.muli %add3A_685, %mul3A_688 : vector<16xi32>
        %mul3A_690 = arith.constant 16 : i32
        %mul3A_691 = arith.muli %scan3A_45, %mul3A_690 : i32
        %add3A_692 = arith.constant 1408 : i32
        %add3A_693 = arith.addi %add3A_692, %mul3A_691 : i32
        %add3A_694 = vector.broadcast %add3A_693 : i32 to vector<16xi32>
        %add3A_695 = arith.addi %add3A_694, %iota3A : vector<16xi32>
        %shift_right_logical3A_696 = arith.constant 7 : i32
        %shift_right_logical3A_697 = vector.broadcast %shift_right_logical3A_696 : i32 to vector<16xi32>
        %shift_right_logical3A_698 = arith.shrui %add3A_695, %shift_right_logical3A_697 : vector<16xi32>
        %and3A_699 = arith.constant 127 : i32
        %and3A_700 = vector.broadcast %and3A_699 : i32 to vector<16xi32>
        %and3A_701 = arith.andi %add3A_695, %and3A_700 : vector<16xi32>
        tpu.vector_store_idx %arg7[%shift_right_logical3A_698, %and3A_701], %mul3A_689 : memref<40x128xi32, #tpu.memory_space<vmem>>[vector<16xi32>, vector<16xi32>], vector<16xi32>,
        %add3A_702 = arith.constant 1 : i32
        %add3A_703 = vector.broadcast %add3A_702 : i32 to vector<16xi32>
        %add3A_704 = arith.addi %mul3A_689, %add3A_703 : vector<16xi32>
        tpu.vector_store_idx %arg8[%shift_right_logical3A_698, %and3A_701], %add3A_704 : memref<40x128xi32, #tpu.memory_space<vmem>>[vector<16xi32>, vector<16xi32>], vector<16xi32>,
        %mul3A_705 = arith.constant 16 : i32
        %mul3A_706 = arith.muli %scan3A_45, %mul3A_705 : i32
        %add3A_707 = arith.constant 1408 : i32
        %add3A_708 = arith.addi %add3A_707, %mul3A_706 : i32
        %swap3A_709 = arith.index_cast %add3A_708 : i32 to index
        %swap3A_710 = tpu.vector_load %arg9[%swap3A_709] {strides = array<i32>} : memref<5120xf32, #tpu.memory_space<vmem>>, vector<16xf32>,
        tpu.vector_store %arg9[%swap3A_709], %mul3A_686 {strides = array<i32>} : memref<5120xf32, #tpu.memory_space<vmem>>, vector<16xf32>,
        %add3A_711 = arith.addi %convert_element_type3A_554, %mul3A_581 : vector<16xi32>
        %add3A_712 = arith.addi %add3A_711, %add3A_590 : vector<16xi32>
        %add3A_713 = arith.constant 40850 : i32
        %add3A_714 = vector.broadcast %add3A_713 : i32 to vector<16xi32>
        %add3A_715 = arith.addi %add3A_712, %add3A_714 : vector<16xi32>
        %mul3A_716 = arith.mulf %mul3A_572, %sub3A_562 : vector<16xf32>
        %mul3A_717 = arith.constant 2 : i32
        %mul3A_718 = vector.broadcast %mul3A_717 : i32 to vector<16xi32>
        %mul3A_719 = arith.muli %add3A_715, %mul3A_718 : vector<16xi32>
        %mul3A_720 = arith.constant 16 : i32
        %mul3A_721 = arith.muli %scan3A_45, %mul3A_720 : i32
        %add3A_722 = arith.constant 1536 : i32
        %add3A_723 = arith.addi %add3A_722, %mul3A_721 : i32
        %add3A_724 = vector.broadcast %add3A_723 : i32 to vector<16xi32>
        %add3A_725 = arith.addi %add3A_724, %iota3A : vector<16xi32>
        %shift_right_logical3A_726 = arith.constant 7 : i32
        %shift_right_logical3A_727 = vector.broadcast %shift_right_logical3A_726 : i32 to vector<16xi32>
        %shift_right_logical3A_728 = arith.shrui %add3A_725, %shift_right_logical3A_727 : vector<16xi32>
        %and3A_729 = arith.constant 127 : i32
        %and3A_730 = vector.broadcast %and3A_729 : i32 to vector<16xi32>
        %and3A_731 = arith.andi %add3A_725, %and3A_730 : vector<16xi32>
        tpu.vector_store_idx %arg7[%shift_right_logical3A_728, %and3A_731], %mul3A_719 : memref<40x128xi32, #tpu.memory_space<vmem>>[vector<16xi32>, vector<16xi32>], vector<16xi32>,
        %add3A_732 = arith.constant 1 : i32
        %add3A_733 = vector.broadcast %add3A_732 : i32 to vector<16xi32>
        %add3A_734 = arith.addi %mul3A_719, %add3A_733 : vector<16xi32>
        tpu.vector_store_idx %arg8[%shift_right_logical3A_728, %and3A_731], %add3A_734 : memref<40x128xi32, #tpu.memory_space<vmem>>[vector<16xi32>, vector<16xi32>], vector<16xi32>,
        %mul3A_735 = arith.constant 16 : i32
        %mul3A_736 = arith.muli %scan3A_45, %mul3A_735 : i32
        %add3A_737 = arith.constant 1536 : i32
        %add3A_738 = arith.addi %add3A_737, %mul3A_736 : i32
        %swap3A_739 = arith.index_cast %add3A_738 : i32 to index
        %swap3A_740 = tpu.vector_load %arg9[%swap3A_739] {strides = array<i32>} : memref<5120xf32, #tpu.memory_space<vmem>>, vector<16xf32>,
        tpu.vector_store %arg9[%swap3A_739], %mul3A_716 {strides = array<i32>} : memref<5120xf32, #tpu.memory_space<vmem>>, vector<16xf32>,
        %add3A_741 = arith.addi %add3A_578, %mul3A_581 : vector<16xi32>
        %add3A_742 = arith.addi %add3A_741, %add3A_590 : vector<16xi32>
        %add3A_743 = arith.constant 40850 : i32
        %add3A_744 = vector.broadcast %add3A_743 : i32 to vector<16xi32>
        %add3A_745 = arith.addi %add3A_742, %add3A_744 : vector<16xi32>
        %mul3A_746 = arith.mulf %mul3A_573, %sub3A_562 : vector<16xf32>
        %mul3A_747 = arith.constant 2 : i32
        %mul3A_748 = vector.broadcast %mul3A_747 : i32 to vector<16xi32>
        %mul3A_749 = arith.muli %add3A_745, %mul3A_748 : vector<16xi32>
        %mul3A_750 = arith.constant 16 : i32
        %mul3A_751 = arith.muli %scan3A_45, %mul3A_750 : i32
        %add3A_752 = arith.constant 1664 : i32
        %add3A_753 = arith.addi %add3A_752, %mul3A_751 : i32
        %add3A_754 = vector.broadcast %add3A_753 : i32 to vector<16xi32>
        %add3A_755 = arith.addi %add3A_754, %iota3A : vector<16xi32>
        %shift_right_logical3A_756 = arith.constant 7 : i32
        %shift_right_logical3A_757 = vector.broadcast %shift_right_logical3A_756 : i32 to vector<16xi32>
        %shift_right_logical3A_758 = arith.shrui %add3A_755, %shift_right_logical3A_757 : vector<16xi32>
        %and3A_759 = arith.constant 127 : i32
        %and3A_760 = vector.broadcast %and3A_759 : i32 to vector<16xi32>
        %and3A_761 = arith.andi %add3A_755, %and3A_760 : vector<16xi32>
        tpu.vector_store_idx %arg7[%shift_right_logical3A_758, %and3A_761], %mul3A_749 : memref<40x128xi32, #tpu.memory_space<vmem>>[vector<16xi32>, vector<16xi32>], vector<16xi32>,
        %add3A_762 = arith.constant 1 : i32
        %add3A_763 = vector.broadcast %add3A_762 : i32 to vector<16xi32>
        %add3A_764 = arith.addi %mul3A_749, %add3A_763 : vector<16xi32>
        tpu.vector_store_idx %arg8[%shift_right_logical3A_758, %and3A_761], %add3A_764 : memref<40x128xi32, #tpu.memory_space<vmem>>[vector<16xi32>, vector<16xi32>], vector<16xi32>,
        %mul3A_765 = arith.constant 16 : i32
        %mul3A_766 = arith.muli %scan3A_45, %mul3A_765 : i32
        %add3A_767 = arith.constant 1664 : i32
        %add3A_768 = arith.addi %add3A_767, %mul3A_766 : i32
        %swap3A_769 = arith.index_cast %add3A_768 : i32 to index
        %swap3A_770 = tpu.vector_load %arg9[%swap3A_769] {strides = array<i32>} : memref<5120xf32, #tpu.memory_space<vmem>>, vector<16xf32>,
        tpu.vector_store %arg9[%swap3A_769], %mul3A_746 {strides = array<i32>} : memref<5120xf32, #tpu.memory_space<vmem>>, vector<16xf32>,
        %add3A_771 = arith.addi %convert_element_type3A_554, %add3A_587 : vector<16xi32>
        %add3A_772 = arith.addi %add3A_771, %add3A_590 : vector<16xi32>
        %add3A_773 = arith.constant 40850 : i32
        %add3A_774 = vector.broadcast %add3A_773 : i32 to vector<16xi32>
        %add3A_775 = arith.addi %add3A_772, %add3A_774 : vector<16xi32>
        %mul3A_776 = arith.mulf %mul3A_574, %sub3A_562 : vector<16xf32>
        %mul3A_777 = arith.constant 2 : i32
        %mul3A_778 = vector.broadcast %mul3A_777 : i32 to vector<16xi32>
        %mul3A_779 = arith.muli %add3A_775, %mul3A_778 : vector<16xi32>
        %mul3A_780 = arith.constant 16 : i32
        %mul3A_781 = arith.muli %scan3A_45, %mul3A_780 : i32
        %add3A_782 = arith.constant 1792 : i32
        %add3A_783 = arith.addi %add3A_782, %mul3A_781 : i32
        %add3A_784 = vector.broadcast %add3A_783 : i32 to vector<16xi32>
        %add3A_785 = arith.addi %add3A_784, %iota3A : vector<16xi32>
        %shift_right_logical3A_786 = arith.constant 7 : i32
        %shift_right_logical3A_787 = vector.broadcast %shift_right_logical3A_786 : i32 to vector<16xi32>
        %shift_right_logical3A_788 = arith.shrui %add3A_785, %shift_right_logical3A_787 : vector<16xi32>
        %and3A_789 = arith.constant 127 : i32
        %and3A_790 = vector.broadcast %and3A_789 : i32 to vector<16xi32>
        %and3A_791 = arith.andi %add3A_785, %and3A_790 : vector<16xi32>
        tpu.vector_store_idx %arg7[%shift_right_logical3A_788, %and3A_791], %mul3A_779 : memref<40x128xi32, #tpu.memory_space<vmem>>[vector<16xi32>, vector<16xi32>], vector<16xi32>,
        %add3A_792 = arith.constant 1 : i32
        %add3A_793 = vector.broadcast %add3A_792 : i32 to vector<16xi32>
        %add3A_794 = arith.addi %mul3A_779, %add3A_793 : vector<16xi32>
        tpu.vector_store_idx %arg8[%shift_right_logical3A_788, %and3A_791], %add3A_794 : memref<40x128xi32, #tpu.memory_space<vmem>>[vector<16xi32>, vector<16xi32>], vector<16xi32>,
        %mul3A_795 = arith.constant 16 : i32
        %mul3A_796 = arith.muli %scan3A_45, %mul3A_795 : i32
        %add3A_797 = arith.constant 1792 : i32
        %add3A_798 = arith.addi %add3A_797, %mul3A_796 : i32
        %swap3A_799 = arith.index_cast %add3A_798 : i32 to index
        %swap3A_800 = tpu.vector_load %arg9[%swap3A_799] {strides = array<i32>} : memref<5120xf32, #tpu.memory_space<vmem>>, vector<16xf32>,
        tpu.vector_store %arg9[%swap3A_799], %mul3A_776 {strides = array<i32>} : memref<5120xf32, #tpu.memory_space<vmem>>, vector<16xf32>,
        %add3A_801 = arith.addi %add3A_578, %add3A_587 : vector<16xi32>
        %add3A_802 = arith.addi %add3A_801, %add3A_590 : vector<16xi32>
        %add3A_803 = arith.constant 40850 : i32
        %add3A_804 = vector.broadcast %add3A_803 : i32 to vector<16xi32>
        %add3A_805 = arith.addi %add3A_802, %add3A_804 : vector<16xi32>
        %mul3A_806 = arith.mulf %mul3A_575, %sub3A_562 : vector<16xf32>
        %mul3A_807 = arith.constant 2 : i32
        %mul3A_808 = vector.broadcast %mul3A_807 : i32 to vector<16xi32>
        %mul3A_809 = arith.muli %add3A_805, %mul3A_808 : vector<16xi32>
        %mul3A_810 = arith.constant 16 : i32
        %mul3A_811 = arith.muli %scan3A_45, %mul3A_810 : i32
        %add3A_812 = arith.constant 1920 : i32
        %add3A_813 = arith.addi %add3A_812, %mul3A_811 : i32
        %add3A_814 = vector.broadcast %add3A_813 : i32 to vector<16xi32>
        %add3A_815 = arith.addi %add3A_814, %iota3A : vector<16xi32>
        %shift_right_logical3A_816 = arith.constant 7 : i32
        %shift_right_logical3A_817 = vector.broadcast %shift_right_logical3A_816 : i32 to vector<16xi32>
        %shift_right_logical3A_818 = arith.shrui %add3A_815, %shift_right_logical3A_817 : vector<16xi32>
        %and3A_819 = arith.constant 127 : i32
        %and3A_820 = vector.broadcast %and3A_819 : i32 to vector<16xi32>
        %and3A_821 = arith.andi %add3A_815, %and3A_820 : vector<16xi32>
        tpu.vector_store_idx %arg7[%shift_right_logical3A_818, %and3A_821], %mul3A_809 : memref<40x128xi32, #tpu.memory_space<vmem>>[vector<16xi32>, vector<16xi32>], vector<16xi32>,
        %add3A_822 = arith.constant 1 : i32
        %add3A_823 = vector.broadcast %add3A_822 : i32 to vector<16xi32>
        %add3A_824 = arith.addi %mul3A_809, %add3A_823 : vector<16xi32>
        tpu.vector_store_idx %arg8[%shift_right_logical3A_818, %and3A_821], %add3A_824 : memref<40x128xi32, #tpu.memory_space<vmem>>[vector<16xi32>, vector<16xi32>], vector<16xi32>,
        %mul3A_825 = arith.constant 16 : i32
        %mul3A_826 = arith.muli %scan3A_45, %mul3A_825 : i32
        %add3A_827 = arith.constant 1920 : i32
        %add3A_828 = arith.addi %add3A_827, %mul3A_826 : i32
        %swap3A_829 = arith.index_cast %add3A_828 : i32 to index
        %swap3A_830 = tpu.vector_load %arg9[%swap3A_829] {strides = array<i32>} : memref<5120xf32, #tpu.memory_space<vmem>>, vector<16xf32>,
        tpu.vector_store %arg9[%swap3A_829], %mul3A_806 {strides = array<i32>} : memref<5120xf32, #tpu.memory_space<vmem>>, vector<16xf32>,
        %mul3A_831 = arith.constant 1.270000e+02 : f32
        %mul3A_832 = vector.broadcast %mul3A_831 : f32 to vector<16xf32>
        %mul3A_833 = arith.mulf %gather3A, %mul3A_832 : vector<16xf32>
        %add3A_834 = arith.constant 5.000000e-01 : f32
        %add3A_835 = vector.broadcast %add3A_834 : f32 to vector<16xf32>
        %add3A_836 = arith.addf %mul3A_833, %add3A_835 : vector<16xf32>
        %mul3A_837 = arith.constant 1.270000e+02 : f32
        %mul3A_838 = vector.broadcast %mul3A_837 : f32 to vector<16xf32>
        %mul3A_839 = arith.mulf %gather3A_63, %mul3A_838 : vector<16xf32>
        %add3A_840 = arith.constant 5.000000e-01 : f32
        %add3A_841 = vector.broadcast %add3A_840 : f32 to vector<16xf32>
        %add3A_842 = arith.addf %mul3A_839, %add3A_841 : vector<16xf32>
        %mul3A_843 = arith.constant 1.270000e+02 : f32
        %mul3A_844 = vector.broadcast %mul3A_843 : f32 to vector<16xf32>
        %mul3A_845 = arith.mulf %gather3A_67, %mul3A_844 : vector<16xf32>
        %add3A_846 = arith.constant 5.000000e-01 : f32
        %add3A_847 = vector.broadcast %add3A_846 : f32 to vector<16xf32>
        %add3A_848 = arith.addf %mul3A_845, %add3A_847 : vector<16xf32>
        %convert_element_type3A_849 = arith.fptosi %add3A_836 : vector<16xf32> to vector<16xi32>
        %convert_element_type3A_850 = arith.fptosi %add3A_842 : vector<16xf32> to vector<16xi32>
        %convert_element_type3A_851 = arith.fptosi %add3A_848 : vector<16xf32> to vector<16xi32>
        %convert_element_type3A_852 = arith.sitofp %convert_element_type3A_849 : vector<16xi32> to vector<16xf32>
        %sub3A_853 = arith.subf %add3A_836, %convert_element_type3A_852 : vector<16xf32>
        %convert_element_type3A_854 = arith.sitofp %convert_element_type3A_850 : vector<16xi32> to vector<16xf32>
        %sub3A_855 = arith.subf %add3A_842, %convert_element_type3A_854 : vector<16xf32>
        %convert_element_type3A_856 = arith.sitofp %convert_element_type3A_851 : vector<16xi32> to vector<16xf32>
        %sub3A_857 = arith.subf %add3A_848, %convert_element_type3A_856 : vector<16xf32>
        %sub3A_858 = arith.constant 1.000000e+00 : f32
        %sub3A_859 = vector.broadcast %sub3A_858 : f32 to vector<16xf32>
        %sub3A_860 = arith.subf %sub3A_859, %sub3A_853 : vector<16xf32>
        %sub3A_861 = arith.constant 1.000000e+00 : f32
        %sub3A_862 = vector.broadcast %sub3A_861 : f32 to vector<16xf32>
        %sub3A_863 = arith.subf %sub3A_862, %sub3A_855 : vector<16xf32>
        %sub3A_864 = arith.constant 1.000000e+00 : f32
        %sub3A_865 = vector.broadcast %sub3A_864 : f32 to vector<16xf32>
        %sub3A_866 = arith.subf %sub3A_865, %sub3A_857 : vector<16xf32>
        %mul3A_867 = arith.mulf %sub3A_860, %sub3A_863 : vector<16xf32>
        %mul3A_868 = arith.mulf %sub3A_853, %sub3A_863 : vector<16xf32>
        %mul3A_869 = arith.mulf %sub3A_860, %sub3A_855 : vector<16xf32>
        %mul3A_870 = arith.mulf %sub3A_853, %sub3A_855 : vector<16xf32>
        %add3A_871 = arith.constant 1 : i32
        %add3A_872 = vector.broadcast %add3A_871 : i32 to vector<16xi32>
        %add3A_873 = arith.addi %convert_element_type3A_849, %add3A_872 : vector<16xi32>
        %mul3A_874 = arith.constant -1640531535 : i32
        %mul3A_875 = vector.broadcast %mul3A_874 : i32 to vector<16xi32>
        %mul3A_876 = arith.muli %convert_element_type3A_850, %mul3A_875 : vector<16xi32>
        %mul3A_877 = arith.constant 805459861 : i32
        %mul3A_878 = vector.broadcast %mul3A_877 : i32 to vector<16xi32>
        %mul3A_879 = arith.muli %convert_element_type3A_851, %mul3A_878 : vector<16xi32>
        %add3A_880 = arith.constant -1640531535 : i32
        %add3A_881 = vector.broadcast %add3A_880 : i32 to vector<16xi32>
        %add3A_882 = arith.addi %mul3A_876, %add3A_881 : vector<16xi32>
        %add3A_883 = arith.constant 805459861 : i32
        %add3A_884 = vector.broadcast %add3A_883 : i32 to vector<16xi32>
        %add3A_885 = arith.addi %mul3A_879, %add3A_884 : vector<16xi32>
        %xor3A = arith.xori %convert_element_type3A_849, %mul3A_876 : vector<16xi32>
        %xor3A_886 = arith.xori %xor3A, %mul3A_879 : vector<16xi32>
        %and3A_887 = arith.constant 524287 : i32
        %and3A_888 = vector.broadcast %and3A_887 : i32 to vector<16xi32>
        %and3A_889 = arith.andi %xor3A_886, %and3A_888 : vector<16xi32>
        %add3A_890 = arith.constant 315475 : i32
        %add3A_891 = vector.broadcast %add3A_890 : i32 to vector<16xi32>
        %add3A_892 = arith.addi %and3A_889, %add3A_891 : vector<16xi32>
        %mul3A_893 = arith.mulf %mul3A_867, %sub3A_866 : vector<16xf32>
        %mul3A_894 = arith.constant 2 : i32
        %mul3A_895 = vector.broadcast %mul3A_894 : i32 to vector<16xi32>
        %mul3A_896 = arith.muli %add3A_892, %mul3A_895 : vector<16xi32>
        %mul3A_897 = arith.constant 16 : i32
        %mul3A_898 = arith.muli %scan3A_45, %mul3A_897 : i32
        %add3A_899 = arith.constant 2048 : i32
        %add3A_900 = arith.addi %add3A_899, %mul3A_898 : i32
        %add3A_901 = vector.broadcast %add3A_900 : i32 to vector<16xi32>
        %add3A_902 = arith.addi %add3A_901, %iota3A : vector<16xi32>
        %shift_right_logical3A_903 = arith.constant 7 : i32
        %shift_right_logical3A_904 = vector.broadcast %shift_right_logical3A_903 : i32 to vector<16xi32>
        %shift_right_logical3A_905 = arith.shrui %add3A_902, %shift_right_logical3A_904 : vector<16xi32>
        %and3A_906 = arith.constant 127 : i32
        %and3A_907 = vector.broadcast %and3A_906 : i32 to vector<16xi32>
        %and3A_908 = arith.andi %add3A_902, %and3A_907 : vector<16xi32>
        tpu.vector_store_idx %arg7[%shift_right_logical3A_905, %and3A_908], %mul3A_896 : memref<40x128xi32, #tpu.memory_space<vmem>>[vector<16xi32>, vector<16xi32>], vector<16xi32>,
        %add3A_909 = arith.constant 1 : i32
        %add3A_910 = vector.broadcast %add3A_909 : i32 to vector<16xi32>
        %add3A_911 = arith.addi %mul3A_896, %add3A_910 : vector<16xi32>
        tpu.vector_store_idx %arg8[%shift_right_logical3A_905, %and3A_908], %add3A_911 : memref<40x128xi32, #tpu.memory_space<vmem>>[vector<16xi32>, vector<16xi32>], vector<16xi32>,
        %mul3A_912 = arith.constant 16 : i32
        %mul3A_913 = arith.muli %scan3A_45, %mul3A_912 : i32
        %add3A_914 = arith.constant 2048 : i32
        %add3A_915 = arith.addi %add3A_914, %mul3A_913 : i32
        %swap3A_916 = arith.index_cast %add3A_915 : i32 to index
        %swap3A_917 = tpu.vector_load %arg9[%swap3A_916] {strides = array<i32>} : memref<5120xf32, #tpu.memory_space<vmem>>, vector<16xf32>,
        tpu.vector_store %arg9[%swap3A_916], %mul3A_893 {strides = array<i32>} : memref<5120xf32, #tpu.memory_space<vmem>>, vector<16xf32>,
        %xor3A_918 = arith.xori %add3A_873, %mul3A_876 : vector<16xi32>
        %xor3A_919 = arith.xori %xor3A_918, %mul3A_879 : vector<16xi32>
        %and3A_920 = arith.constant 524287 : i32
        %and3A_921 = vector.broadcast %and3A_920 : i32 to vector<16xi32>
        %and3A_922 = arith.andi %xor3A_919, %and3A_921 : vector<16xi32>
        %add3A_923 = arith.constant 315475 : i32
        %add3A_924 = vector.broadcast %add3A_923 : i32 to vector<16xi32>
        %add3A_925 = arith.addi %and3A_922, %add3A_924 : vector<16xi32>
        %mul3A_926 = arith.mulf %mul3A_868, %sub3A_866 : vector<16xf32>
        %mul3A_927 = arith.constant 2 : i32
        %mul3A_928 = vector.broadcast %mul3A_927 : i32 to vector<16xi32>
        %mul3A_929 = arith.muli %add3A_925, %mul3A_928 : vector<16xi32>
        %mul3A_930 = arith.constant 16 : i32
        %mul3A_931 = arith.muli %scan3A_45, %mul3A_930 : i32
        %add3A_932 = arith.constant 2176 : i32
        %add3A_933 = arith.addi %add3A_932, %mul3A_931 : i32
        %add3A_934 = vector.broadcast %add3A_933 : i32 to vector<16xi32>
        %add3A_935 = arith.addi %add3A_934, %iota3A : vector<16xi32>
        %shift_right_logical3A_936 = arith.constant 7 : i32
        %shift_right_logical3A_937 = vector.broadcast %shift_right_logical3A_936 : i32 to vector<16xi32>
        %shift_right_logical3A_938 = arith.shrui %add3A_935, %shift_right_logical3A_937 : vector<16xi32>
        %and3A_939 = arith.constant 127 : i32
        %and3A_940 = vector.broadcast %and3A_939 : i32 to vector<16xi32>
        %and3A_941 = arith.andi %add3A_935, %and3A_940 : vector<16xi32>
        tpu.vector_store_idx %arg7[%shift_right_logical3A_938, %and3A_941], %mul3A_929 : memref<40x128xi32, #tpu.memory_space<vmem>>[vector<16xi32>, vector<16xi32>], vector<16xi32>,
        %add3A_942 = arith.constant 1 : i32
        %add3A_943 = vector.broadcast %add3A_942 : i32 to vector<16xi32>
        %add3A_944 = arith.addi %mul3A_929, %add3A_943 : vector<16xi32>
        tpu.vector_store_idx %arg8[%shift_right_logical3A_938, %and3A_941], %add3A_944 : memref<40x128xi32, #tpu.memory_space<vmem>>[vector<16xi32>, vector<16xi32>], vector<16xi32>,
        %mul3A_945 = arith.constant 16 : i32
        %mul3A_946 = arith.muli %scan3A_45, %mul3A_945 : i32
        %add3A_947 = arith.constant 2176 : i32
        %add3A_948 = arith.addi %add3A_947, %mul3A_946 : i32
        %swap3A_949 = arith.index_cast %add3A_948 : i32 to index
        %swap3A_950 = tpu.vector_load %arg9[%swap3A_949] {strides = array<i32>} : memref<5120xf32, #tpu.memory_space<vmem>>, vector<16xf32>,
        tpu.vector_store %arg9[%swap3A_949], %mul3A_926 {strides = array<i32>} : memref<5120xf32, #tpu.memory_space<vmem>>, vector<16xf32>,
        %xor3A_951 = arith.xori %convert_element_type3A_849, %add3A_882 : vector<16xi32>
        %xor3A_952 = arith.xori %xor3A_951, %mul3A_879 : vector<16xi32>
        %and3A_953 = arith.constant 524287 : i32
        %and3A_954 = vector.broadcast %and3A_953 : i32 to vector<16xi32>
        %and3A_955 = arith.andi %xor3A_952, %and3A_954 : vector<16xi32>
        %add3A_956 = arith.constant 315475 : i32
        %add3A_957 = vector.broadcast %add3A_956 : i32 to vector<16xi32>
        %add3A_958 = arith.addi %and3A_955, %add3A_957 : vector<16xi32>
        %mul3A_959 = arith.mulf %mul3A_869, %sub3A_866 : vector<16xf32>
        %mul3A_960 = arith.constant 2 : i32
        %mul3A_961 = vector.broadcast %mul3A_960 : i32 to vector<16xi32>
        %mul3A_962 = arith.muli %add3A_958, %mul3A_961 : vector<16xi32>
        %mul3A_963 = arith.constant 16 : i32
        %mul3A_964 = arith.muli %scan3A_45, %mul3A_963 : i32
        %add3A_965 = arith.constant 2304 : i32
        %add3A_966 = arith.addi %add3A_965, %mul3A_964 : i32
        %add3A_967 = vector.broadcast %add3A_966 : i32 to vector<16xi32>
        %add3A_968 = arith.addi %add3A_967, %iota3A : vector<16xi32>
        %shift_right_logical3A_969 = arith.constant 7 : i32
        %shift_right_logical3A_970 = vector.broadcast %shift_right_logical3A_969 : i32 to vector<16xi32>
        %shift_right_logical3A_971 = arith.shrui %add3A_968, %shift_right_logical3A_970 : vector<16xi32>
        %and3A_972 = arith.constant 127 : i32
        %and3A_973 = vector.broadcast %and3A_972 : i32 to vector<16xi32>
        %and3A_974 = arith.andi %add3A_968, %and3A_973 : vector<16xi32>
        tpu.vector_store_idx %arg7[%shift_right_logical3A_971, %and3A_974], %mul3A_962 : memref<40x128xi32, #tpu.memory_space<vmem>>[vector<16xi32>, vector<16xi32>], vector<16xi32>,
        %add3A_975 = arith.constant 1 : i32
        %add3A_976 = vector.broadcast %add3A_975 : i32 to vector<16xi32>
        %add3A_977 = arith.addi %mul3A_962, %add3A_976 : vector<16xi32>
        tpu.vector_store_idx %arg8[%shift_right_logical3A_971, %and3A_974], %add3A_977 : memref<40x128xi32, #tpu.memory_space<vmem>>[vector<16xi32>, vector<16xi32>], vector<16xi32>,
        %mul3A_978 = arith.constant 16 : i32
        %mul3A_979 = arith.muli %scan3A_45, %mul3A_978 : i32
        %add3A_980 = arith.constant 2304 : i32
        %add3A_981 = arith.addi %add3A_980, %mul3A_979 : i32
        %swap3A_982 = arith.index_cast %add3A_981 : i32 to index
        %swap3A_983 = tpu.vector_load %arg9[%swap3A_982] {strides = array<i32>} : memref<5120xf32, #tpu.memory_space<vmem>>, vector<16xf32>,
        tpu.vector_store %arg9[%swap3A_982], %mul3A_959 {strides = array<i32>} : memref<5120xf32, #tpu.memory_space<vmem>>, vector<16xf32>,
        %xor3A_984 = arith.xori %add3A_873, %add3A_882 : vector<16xi32>
        %xor3A_985 = arith.xori %xor3A_984, %mul3A_879 : vector<16xi32>
        %and3A_986 = arith.constant 524287 : i32
        %and3A_987 = vector.broadcast %and3A_986 : i32 to vector<16xi32>
        %and3A_988 = arith.andi %xor3A_985, %and3A_987 : vector<16xi32>
        %add3A_989 = arith.constant 315475 : i32
        %add3A_990 = vector.broadcast %add3A_989 : i32 to vector<16xi32>
        %add3A_991 = arith.addi %and3A_988, %add3A_990 : vector<16xi32>
        %mul3A_992 = arith.mulf %mul3A_870, %sub3A_866 : vector<16xf32>
        %mul3A_993 = arith.constant 2 : i32
        %mul3A_994 = vector.broadcast %mul3A_993 : i32 to vector<16xi32>
        %mul3A_995 = arith.muli %add3A_991, %mul3A_994 : vector<16xi32>
        %mul3A_996 = arith.constant 16 : i32
        %mul3A_997 = arith.muli %scan3A_45, %mul3A_996 : i32
        %add3A_998 = arith.constant 2432 : i32
        %add3A_999 = arith.addi %add3A_998, %mul3A_997 : i32
        %add3A_1000 = vector.broadcast %add3A_999 : i32 to vector<16xi32>
        %add3A_1001 = arith.addi %add3A_1000, %iota3A : vector<16xi32>
        %shift_right_logical3A_1002 = arith.constant 7 : i32
        %shift_right_logical3A_1003 = vector.broadcast %shift_right_logical3A_1002 : i32 to vector<16xi32>
        %shift_right_logical3A_1004 = arith.shrui %add3A_1001, %shift_right_logical3A_1003 : vector<16xi32>
        %and3A_1005 = arith.constant 127 : i32
        %and3A_1006 = vector.broadcast %and3A_1005 : i32 to vector<16xi32>
        %and3A_1007 = arith.andi %add3A_1001, %and3A_1006 : vector<16xi32>
        tpu.vector_store_idx %arg7[%shift_right_logical3A_1004, %and3A_1007], %mul3A_995 : memref<40x128xi32, #tpu.memory_space<vmem>>[vector<16xi32>, vector<16xi32>], vector<16xi32>,
        %add3A_1008 = arith.constant 1 : i32
        %add3A_1009 = vector.broadcast %add3A_1008 : i32 to vector<16xi32>
        %add3A_1010 = arith.addi %mul3A_995, %add3A_1009 : vector<16xi32>
        tpu.vector_store_idx %arg8[%shift_right_logical3A_1004, %and3A_1007], %add3A_1010 : memref<40x128xi32, #tpu.memory_space<vmem>>[vector<16xi32>, vector<16xi32>], vector<16xi32>,
        %mul3A_1011 = arith.constant 16 : i32
        %mul3A_1012 = arith.muli %scan3A_45, %mul3A_1011 : i32
        %add3A_1013 = arith.constant 2432 : i32
        %add3A_1014 = arith.addi %add3A_1013, %mul3A_1012 : i32
        %swap3A_1015 = arith.index_cast %add3A_1014 : i32 to index
        %swap3A_1016 = tpu.vector_load %arg9[%swap3A_1015] {strides = array<i32>} : memref<5120xf32, #tpu.memory_space<vmem>>, vector<16xf32>,
        tpu.vector_store %arg9[%swap3A_1015], %mul3A_992 {strides = array<i32>} : memref<5120xf32, #tpu.memory_space<vmem>>, vector<16xf32>,
        %xor3A_1017 = arith.xori %convert_element_type3A_849, %mul3A_876 : vector<16xi32>
        %xor3A_1018 = arith.xori %xor3A_1017, %add3A_885 : vector<16xi32>
        %and3A_1019 = arith.constant 524287 : i32
        %and3A_1020 = vector.broadcast %and3A_1019 : i32 to vector<16xi32>
        %and3A_1021 = arith.andi %xor3A_1018, %and3A_1020 : vector<16xi32>
        %add3A_1022 = arith.constant 315475 : i32
        %add3A_1023 = vector.broadcast %add3A_1022 : i32 to vector<16xi32>
        %add3A_1024 = arith.addi %and3A_1021, %add3A_1023 : vector<16xi32>
        %mul3A_1025 = arith.mulf %mul3A_867, %sub3A_857 : vector<16xf32>
        %mul3A_1026 = arith.constant 2 : i32
        %mul3A_1027 = vector.broadcast %mul3A_1026 : i32 to vector<16xi32>
        %mul3A_1028 = arith.muli %add3A_1024, %mul3A_1027 : vector<16xi32>
        %mul3A_1029 = arith.constant 16 : i32
        %mul3A_1030 = arith.muli %scan3A_45, %mul3A_1029 : i32
        %add3A_1031 = arith.constant 2560 : i32
        %add3A_1032 = arith.addi %add3A_1031, %mul3A_1030 : i32
        %add3A_1033 = vector.broadcast %add3A_1032 : i32 to vector<16xi32>
        %add3A_1034 = arith.addi %add3A_1033, %iota3A : vector<16xi32>
        %shift_right_logical3A_1035 = arith.constant 7 : i32
        %shift_right_logical3A_1036 = vector.broadcast %shift_right_logical3A_1035 : i32 to vector<16xi32>
        %shift_right_logical3A_1037 = arith.shrui %add3A_1034, %shift_right_logical3A_1036 : vector<16xi32>
        %and3A_1038 = arith.constant 127 : i32
        %and3A_1039 = vector.broadcast %and3A_1038 : i32 to vector<16xi32>
        %and3A_1040 = arith.andi %add3A_1034, %and3A_1039 : vector<16xi32>
        tpu.vector_store_idx %arg7[%shift_right_logical3A_1037, %and3A_1040], %mul3A_1028 : memref<40x128xi32, #tpu.memory_space<vmem>>[vector<16xi32>, vector<16xi32>], vector<16xi32>,
        %add3A_1041 = arith.constant 1 : i32
        %add3A_1042 = vector.broadcast %add3A_1041 : i32 to vector<16xi32>
        %add3A_1043 = arith.addi %mul3A_1028, %add3A_1042 : vector<16xi32>
        tpu.vector_store_idx %arg8[%shift_right_logical3A_1037, %and3A_1040], %add3A_1043 : memref<40x128xi32, #tpu.memory_space<vmem>>[vector<16xi32>, vector<16xi32>], vector<16xi32>,
        %mul3A_1044 = arith.constant 16 : i32
        %mul3A_1045 = arith.muli %scan3A_45, %mul3A_1044 : i32
        %add3A_1046 = arith.constant 2560 : i32
        %add3A_1047 = arith.addi %add3A_1046, %mul3A_1045 : i32
        %swap3A_1048 = arith.index_cast %add3A_1047 : i32 to index
        %swap3A_1049 = tpu.vector_load %arg9[%swap3A_1048] {strides = array<i32>} : memref<5120xf32, #tpu.memory_space<vmem>>, vector<16xf32>,
        tpu.vector_store %arg9[%swap3A_1048], %mul3A_1025 {strides = array<i32>} : memref<5120xf32, #tpu.memory_space<vmem>>, vector<16xf32>,
        %xor3A_1050 = arith.xori %add3A_873, %mul3A_876 : vector<16xi32>
        %xor3A_1051 = arith.xori %xor3A_1050, %add3A_885 : vector<16xi32>
        %and3A_1052 = arith.constant 524287 : i32
        %and3A_1053 = vector.broadcast %and3A_1052 : i32 to vector<16xi32>
        %and3A_1054 = arith.andi %xor3A_1051, %and3A_1053 : vector<16xi32>
        %add3A_1055 = arith.constant 315475 : i32
        %add3A_1056 = vector.broadcast %add3A_1055 : i32 to vector<16xi32>
        %add3A_1057 = arith.addi %and3A_1054, %add3A_1056 : vector<16xi32>
        %mul3A_1058 = arith.mulf %mul3A_868, %sub3A_857 : vector<16xf32>
        %mul3A_1059 = arith.constant 2 : i32
        %mul3A_1060 = vector.broadcast %mul3A_1059 : i32 to vector<16xi32>
        %mul3A_1061 = arith.muli %add3A_1057, %mul3A_1060 : vector<16xi32>
        %mul3A_1062 = arith.constant 16 : i32
        %mul3A_1063 = arith.muli %scan3A_45, %mul3A_1062 : i32
        %add3A_1064 = arith.constant 2688 : i32
        %add3A_1065 = arith.addi %add3A_1064, %mul3A_1063 : i32
        %add3A_1066 = vector.broadcast %add3A_1065 : i32 to vector<16xi32>
        %add3A_1067 = arith.addi %add3A_1066, %iota3A : vector<16xi32>
        %shift_right_logical3A_1068 = arith.constant 7 : i32
        %shift_right_logical3A_1069 = vector.broadcast %shift_right_logical3A_1068 : i32 to vector<16xi32>
        %shift_right_logical3A_1070 = arith.shrui %add3A_1067, %shift_right_logical3A_1069 : vector<16xi32>
        %and3A_1071 = arith.constant 127 : i32
        %and3A_1072 = vector.broadcast %and3A_1071 : i32 to vector<16xi32>
        %and3A_1073 = arith.andi %add3A_1067, %and3A_1072 : vector<16xi32>
        tpu.vector_store_idx %arg7[%shift_right_logical3A_1070, %and3A_1073], %mul3A_1061 : memref<40x128xi32, #tpu.memory_space<vmem>>[vector<16xi32>, vector<16xi32>], vector<16xi32>,
        %add3A_1074 = arith.constant 1 : i32
        %add3A_1075 = vector.broadcast %add3A_1074 : i32 to vector<16xi32>
        %add3A_1076 = arith.addi %mul3A_1061, %add3A_1075 : vector<16xi32>
        tpu.vector_store_idx %arg8[%shift_right_logical3A_1070, %and3A_1073], %add3A_1076 : memref<40x128xi32, #tpu.memory_space<vmem>>[vector<16xi32>, vector<16xi32>], vector<16xi32>,
        %mul3A_1077 = arith.constant 16 : i32
        %mul3A_1078 = arith.muli %scan3A_45, %mul3A_1077 : i32
        %add3A_1079 = arith.constant 2688 : i32
        %add3A_1080 = arith.addi %add3A_1079, %mul3A_1078 : i32
        %swap3A_1081 = arith.index_cast %add3A_1080 : i32 to index
        %swap3A_1082 = tpu.vector_load %arg9[%swap3A_1081] {strides = array<i32>} : memref<5120xf32, #tpu.memory_space<vmem>>, vector<16xf32>,
        tpu.vector_store %arg9[%swap3A_1081], %mul3A_1058 {strides = array<i32>} : memref<5120xf32, #tpu.memory_space<vmem>>, vector<16xf32>,
        %xor3A_1083 = arith.xori %convert_element_type3A_849, %add3A_882 : vector<16xi32>
        %xor3A_1084 = arith.xori %xor3A_1083, %add3A_885 : vector<16xi32>
        %and3A_1085 = arith.constant 524287 : i32
        %and3A_1086 = vector.broadcast %and3A_1085 : i32 to vector<16xi32>
        %and3A_1087 = arith.andi %xor3A_1084, %and3A_1086 : vector<16xi32>
        %add3A_1088 = arith.constant 315475 : i32
        %add3A_1089 = vector.broadcast %add3A_1088 : i32 to vector<16xi32>
        %add3A_1090 = arith.addi %and3A_1087, %add3A_1089 : vector<16xi32>
        %mul3A_1091 = arith.mulf %mul3A_869, %sub3A_857 : vector<16xf32>
        %mul3A_1092 = arith.constant 2 : i32
        %mul3A_1093 = vector.broadcast %mul3A_1092 : i32 to vector<16xi32>
        %mul3A_1094 = arith.muli %add3A_1090, %mul3A_1093 : vector<16xi32>
        %mul3A_1095 = arith.constant 16 : i32
        %mul3A_1096 = arith.muli %scan3A_45, %mul3A_1095 : i32
        %add3A_1097 = arith.constant 2816 : i32
        %add3A_1098 = arith.addi %add3A_1097, %mul3A_1096 : i32
        %add3A_1099 = vector.broadcast %add3A_1098 : i32 to vector<16xi32>
        %add3A_1100 = arith.addi %add3A_1099, %iota3A : vector<16xi32>
        %shift_right_logical3A_1101 = arith.constant 7 : i32
        %shift_right_logical3A_1102 = vector.broadcast %shift_right_logical3A_1101 : i32 to vector<16xi32>
        %shift_right_logical3A_1103 = arith.shrui %add3A_1100, %shift_right_logical3A_1102 : vector<16xi32>
        %and3A_1104 = arith.constant 127 : i32
        %and3A_1105 = vector.broadcast %and3A_1104 : i32 to vector<16xi32>
        %and3A_1106 = arith.andi %add3A_1100, %and3A_1105 : vector<16xi32>
        tpu.vector_store_idx %arg7[%shift_right_logical3A_1103, %and3A_1106], %mul3A_1094 : memref<40x128xi32, #tpu.memory_space<vmem>>[vector<16xi32>, vector<16xi32>], vector<16xi32>,
        %add3A_1107 = arith.constant 1 : i32
        %add3A_1108 = vector.broadcast %add3A_1107 : i32 to vector<16xi32>
        %add3A_1109 = arith.addi %mul3A_1094, %add3A_1108 : vector<16xi32>
        tpu.vector_store_idx %arg8[%shift_right_logical3A_1103, %and3A_1106], %add3A_1109 : memref<40x128xi32, #tpu.memory_space<vmem>>[vector<16xi32>, vector<16xi32>], vector<16xi32>,
        %mul3A_1110 = arith.constant 16 : i32
        %mul3A_1111 = arith.muli %scan3A_45, %mul3A_1110 : i32
        %add3A_1112 = arith.constant 2816 : i32
        %add3A_1113 = arith.addi %add3A_1112, %mul3A_1111 : i32
        %swap3A_1114 = arith.index_cast %add3A_1113 : i32 to index
        %swap3A_1115 = tpu.vector_load %arg9[%swap3A_1114] {strides = array<i32>} : memref<5120xf32, #tpu.memory_space<vmem>>, vector<16xf32>,
        tpu.vector_store %arg9[%swap3A_1114], %mul3A_1091 {strides = array<i32>} : memref<5120xf32, #tpu.memory_space<vmem>>, vector<16xf32>,
        %xor3A_1116 = arith.xori %add3A_873, %add3A_882 : vector<16xi32>
        %xor3A_1117 = arith.xori %xor3A_1116, %add3A_885 : vector<16xi32>
        %and3A_1118 = arith.constant 524287 : i32
        %and3A_1119 = vector.broadcast %and3A_1118 : i32 to vector<16xi32>
        %and3A_1120 = arith.andi %xor3A_1117, %and3A_1119 : vector<16xi32>
        %add3A_1121 = arith.constant 315475 : i32
        %add3A_1122 = vector.broadcast %add3A_1121 : i32 to vector<16xi32>
        %add3A_1123 = arith.addi %and3A_1120, %add3A_1122 : vector<16xi32>
        %mul3A_1124 = arith.mulf %mul3A_870, %sub3A_857 : vector<16xf32>
        %mul3A_1125 = arith.constant 2 : i32
        %mul3A_1126 = vector.broadcast %mul3A_1125 : i32 to vector<16xi32>
        %mul3A_1127 = arith.muli %add3A_1123, %mul3A_1126 : vector<16xi32>
        %mul3A_1128 = arith.constant 16 : i32
        %mul3A_1129 = arith.muli %scan3A_45, %mul3A_1128 : i32
        %add3A_1130 = arith.constant 2944 : i32
        %add3A_1131 = arith.addi %add3A_1130, %mul3A_1129 : i32
        %add3A_1132 = vector.broadcast %add3A_1131 : i32 to vector<16xi32>
        %add3A_1133 = arith.addi %add3A_1132, %iota3A : vector<16xi32>
        %shift_right_logical3A_1134 = arith.constant 7 : i32
        %shift_right_logical3A_1135 = vector.broadcast %shift_right_logical3A_1134 : i32 to vector<16xi32>
        %shift_right_logical3A_1136 = arith.shrui %add3A_1133, %shift_right_logical3A_1135 : vector<16xi32>
        %and3A_1137 = arith.constant 127 : i32
        %and3A_1138 = vector.broadcast %and3A_1137 : i32 to vector<16xi32>
        %and3A_1139 = arith.andi %add3A_1133, %and3A_1138 : vector<16xi32>
        tpu.vector_store_idx %arg7[%shift_right_logical3A_1136, %and3A_1139], %mul3A_1127 : memref<40x128xi32, #tpu.memory_space<vmem>>[vector<16xi32>, vector<16xi32>], vector<16xi32>,
        %add3A_1140 = arith.constant 1 : i32
        %add3A_1141 = vector.broadcast %add3A_1140 : i32 to vector<16xi32>
        %add3A_1142 = arith.addi %mul3A_1127, %add3A_1141 : vector<16xi32>
        tpu.vector_store_idx %arg8[%shift_right_logical3A_1136, %and3A_1139], %add3A_1142 : memref<40x128xi32, #tpu.memory_space<vmem>>[vector<16xi32>, vector<16xi32>], vector<16xi32>,
        %mul3A_1143 = arith.constant 16 : i32
        %mul3A_1144 = arith.muli %scan3A_45, %mul3A_1143 : i32
        %add3A_1145 = arith.constant 2944 : i32
        %add3A_1146 = arith.addi %add3A_1145, %mul3A_1144 : i32
        %swap3A_1147 = arith.index_cast %add3A_1146 : i32 to index
        %swap3A_1148 = tpu.vector_load %arg9[%swap3A_1147] {strides = array<i32>} : memref<5120xf32, #tpu.memory_space<vmem>>, vector<16xf32>,
        tpu.vector_store %arg9[%swap3A_1147], %mul3A_1124 {strides = array<i32>} : memref<5120xf32, #tpu.memory_space<vmem>>, vector<16xf32>,
        %mul3A_1149 = arith.constant 2.550000e+02 : f32
        %mul3A_1150 = vector.broadcast %mul3A_1149 : f32 to vector<16xf32>
        %mul3A_1151 = arith.mulf %gather3A, %mul3A_1150 : vector<16xf32>
        %add3A_1152 = arith.constant 5.000000e-01 : f32
        %add3A_1153 = vector.broadcast %add3A_1152 : f32 to vector<16xf32>
        %add3A_1154 = arith.addf %mul3A_1151, %add3A_1153 : vector<16xf32>
        %mul3A_1155 = arith.constant 2.550000e+02 : f32
        %mul3A_1156 = vector.broadcast %mul3A_1155 : f32 to vector<16xf32>
        %mul3A_1157 = arith.mulf %gather3A_63, %mul3A_1156 : vector<16xf32>
        %add3A_1158 = arith.constant 5.000000e-01 : f32
        %add3A_1159 = vector.broadcast %add3A_1158 : f32 to vector<16xf32>
        %add3A_1160 = arith.addf %mul3A_1157, %add3A_1159 : vector<16xf32>
        %mul3A_1161 = arith.constant 2.550000e+02 : f32
        %mul3A_1162 = vector.broadcast %mul3A_1161 : f32 to vector<16xf32>
        %mul3A_1163 = arith.mulf %gather3A_67, %mul3A_1162 : vector<16xf32>
        %add3A_1164 = arith.constant 5.000000e-01 : f32
        %add3A_1165 = vector.broadcast %add3A_1164 : f32 to vector<16xf32>
        %add3A_1166 = arith.addf %mul3A_1163, %add3A_1165 : vector<16xf32>
        %convert_element_type3A_1167 = arith.fptosi %add3A_1154 : vector<16xf32> to vector<16xi32>
        %convert_element_type3A_1168 = arith.fptosi %add3A_1160 : vector<16xf32> to vector<16xi32>
        %convert_element_type3A_1169 = arith.fptosi %add3A_1166 : vector<16xf32> to vector<16xi32>
        %convert_element_type3A_1170 = arith.sitofp %convert_element_type3A_1167 : vector<16xi32> to vector<16xf32>
        %sub3A_1171 = arith.subf %add3A_1154, %convert_element_type3A_1170 : vector<16xf32>
        %convert_element_type3A_1172 = arith.sitofp %convert_element_type3A_1168 : vector<16xi32> to vector<16xf32>
        %sub3A_1173 = arith.subf %add3A_1160, %convert_element_type3A_1172 : vector<16xf32>
        %convert_element_type3A_1174 = arith.sitofp %convert_element_type3A_1169 : vector<16xi32> to vector<16xf32>
        %sub3A_1175 = arith.subf %add3A_1166, %convert_element_type3A_1174 : vector<16xf32>
        %sub3A_1176 = arith.constant 1.000000e+00 : f32
        %sub3A_1177 = vector.broadcast %sub3A_1176 : f32 to vector<16xf32>
        %sub3A_1178 = arith.subf %sub3A_1177, %sub3A_1171 : vector<16xf32>
        %sub3A_1179 = arith.constant 1.000000e+00 : f32
        %sub3A_1180 = vector.broadcast %sub3A_1179 : f32 to vector<16xf32>
        %sub3A_1181 = arith.subf %sub3A_1180, %sub3A_1173 : vector<16xf32>
        %sub3A_1182 = arith.constant 1.000000e+00 : f32
        %sub3A_1183 = vector.broadcast %sub3A_1182 : f32 to vector<16xf32>
        %sub3A_1184 = arith.subf %sub3A_1183, %sub3A_1175 : vector<16xf32>
        %mul3A_1185 = arith.mulf %sub3A_1178, %sub3A_1181 : vector<16xf32>
        %mul3A_1186 = arith.mulf %sub3A_1171, %sub3A_1181 : vector<16xf32>
        %mul3A_1187 = arith.mulf %sub3A_1178, %sub3A_1173 : vector<16xf32>
        %mul3A_1188 = arith.mulf %sub3A_1171, %sub3A_1173 : vector<16xf32>
        %add3A_1189 = arith.constant 1 : i32
        %add3A_1190 = vector.broadcast %add3A_1189 : i32 to vector<16xi32>
        %add3A_1191 = arith.addi %convert_element_type3A_1167, %add3A_1190 : vector<16xi32>
        %mul3A_1192 = arith.constant -1640531535 : i32
        %mul3A_1193 = vector.broadcast %mul3A_1192 : i32 to vector<16xi32>
        %mul3A_1194 = arith.muli %convert_element_type3A_1168, %mul3A_1193 : vector<16xi32>
        %mul3A_1195 = arith.constant 805459861 : i32
        %mul3A_1196 = vector.broadcast %mul3A_1195 : i32 to vector<16xi32>
        %mul3A_1197 = arith.muli %convert_element_type3A_1169, %mul3A_1196 : vector<16xi32>
        %add3A_1198 = arith.constant -1640531535 : i32
        %add3A_1199 = vector.broadcast %add3A_1198 : i32 to vector<16xi32>
        %add3A_1200 = arith.addi %mul3A_1194, %add3A_1199 : vector<16xi32>
        %add3A_1201 = arith.constant 805459861 : i32
        %add3A_1202 = vector.broadcast %add3A_1201 : i32 to vector<16xi32>
        %add3A_1203 = arith.addi %mul3A_1197, %add3A_1202 : vector<16xi32>
        %xor3A_1204 = arith.xori %convert_element_type3A_1167, %mul3A_1194 : vector<16xi32>
        %xor3A_1205 = arith.xori %xor3A_1204, %mul3A_1197 : vector<16xi32>
        %and3A_1206 = arith.constant 524287 : i32
        %and3A_1207 = vector.broadcast %and3A_1206 : i32 to vector<16xi32>
        %and3A_1208 = arith.andi %xor3A_1205, %and3A_1207 : vector<16xi32>
        %add3A_1209 = arith.constant 839763 : i32
        %add3A_1210 = vector.broadcast %add3A_1209 : i32 to vector<16xi32>
        %add3A_1211 = arith.addi %and3A_1208, %add3A_1210 : vector<16xi32>
        %mul3A_1212 = arith.mulf %mul3A_1185, %sub3A_1184 : vector<16xf32>
        %mul3A_1213 = arith.constant 2 : i32
        %mul3A_1214 = vector.broadcast %mul3A_1213 : i32 to vector<16xi32>
        %mul3A_1215 = arith.muli %add3A_1211, %mul3A_1214 : vector<16xi32>
        %mul3A_1216 = arith.constant 16 : i32
        %mul3A_1217 = arith.muli %scan3A_45, %mul3A_1216 : i32
        %add3A_1218 = arith.constant 3072 : i32
        %add3A_1219 = arith.addi %add3A_1218, %mul3A_1217 : i32
        %add3A_1220 = vector.broadcast %add3A_1219 : i32 to vector<16xi32>
        %add3A_1221 = arith.addi %add3A_1220, %iota3A : vector<16xi32>
        %shift_right_logical3A_1222 = arith.constant 7 : i32
        %shift_right_logical3A_1223 = vector.broadcast %shift_right_logical3A_1222 : i32 to vector<16xi32>
        %shift_right_logical3A_1224 = arith.shrui %add3A_1221, %shift_right_logical3A_1223 : vector<16xi32>
        %and3A_1225 = arith.constant 127 : i32
        %and3A_1226 = vector.broadcast %and3A_1225 : i32 to vector<16xi32>
        %and3A_1227 = arith.andi %add3A_1221, %and3A_1226 : vector<16xi32>
        tpu.vector_store_idx %arg7[%shift_right_logical3A_1224, %and3A_1227], %mul3A_1215 : memref<40x128xi32, #tpu.memory_space<vmem>>[vector<16xi32>, vector<16xi32>], vector<16xi32>,
        %add3A_1228 = arith.constant 1 : i32
        %add3A_1229 = vector.broadcast %add3A_1228 : i32 to vector<16xi32>
        %add3A_1230 = arith.addi %mul3A_1215, %add3A_1229 : vector<16xi32>
        tpu.vector_store_idx %arg8[%shift_right_logical3A_1224, %and3A_1227], %add3A_1230 : memref<40x128xi32, #tpu.memory_space<vmem>>[vector<16xi32>, vector<16xi32>], vector<16xi32>,
        %mul3A_1231 = arith.constant 16 : i32
        %mul3A_1232 = arith.muli %scan3A_45, %mul3A_1231 : i32
        %add3A_1233 = arith.constant 3072 : i32
        %add3A_1234 = arith.addi %add3A_1233, %mul3A_1232 : i32
        %swap3A_1235 = arith.index_cast %add3A_1234 : i32 to index
        %swap3A_1236 = tpu.vector_load %arg9[%swap3A_1235] {strides = array<i32>} : memref<5120xf32, #tpu.memory_space<vmem>>, vector<16xf32>,
        tpu.vector_store %arg9[%swap3A_1235], %mul3A_1212 {strides = array<i32>} : memref<5120xf32, #tpu.memory_space<vmem>>, vector<16xf32>,
        %xor3A_1237 = arith.xori %add3A_1191, %mul3A_1194 : vector<16xi32>
        %xor3A_1238 = arith.xori %xor3A_1237, %mul3A_1197 : vector<16xi32>
        %and3A_1239 = arith.constant 524287 : i32
        %and3A_1240 = vector.broadcast %and3A_1239 : i32 to vector<16xi32>
        %and3A_1241 = arith.andi %xor3A_1238, %and3A_1240 : vector<16xi32>
        %add3A_1242 = arith.constant 839763 : i32
        %add3A_1243 = vector.broadcast %add3A_1242 : i32 to vector<16xi32>
        %add3A_1244 = arith.addi %and3A_1241, %add3A_1243 : vector<16xi32>
        %mul3A_1245 = arith.mulf %mul3A_1186, %sub3A_1184 : vector<16xf32>
        %mul3A_1246 = arith.constant 2 : i32
        %mul3A_1247 = vector.broadcast %mul3A_1246 : i32 to vector<16xi32>
        %mul3A_1248 = arith.muli %add3A_1244, %mul3A_1247 : vector<16xi32>
        %mul3A_1249 = arith.constant 16 : i32
        %mul3A_1250 = arith.muli %scan3A_45, %mul3A_1249 : i32
        %add3A_1251 = arith.constant 3200 : i32
        %add3A_1252 = arith.addi %add3A_1251, %mul3A_1250 : i32
        %add3A_1253 = vector.broadcast %add3A_1252 : i32 to vector<16xi32>
        %add3A_1254 = arith.addi %add3A_1253, %iota3A : vector<16xi32>
        %shift_right_logical3A_1255 = arith.constant 7 : i32
        %shift_right_logical3A_1256 = vector.broadcast %shift_right_logical3A_1255 : i32 to vector<16xi32>
        %shift_right_logical3A_1257 = arith.shrui %add3A_1254, %shift_right_logical3A_1256 : vector<16xi32>
        %and3A_1258 = arith.constant 127 : i32
        %and3A_1259 = vector.broadcast %and3A_1258 : i32 to vector<16xi32>
        %and3A_1260 = arith.andi %add3A_1254, %and3A_1259 : vector<16xi32>
        tpu.vector_store_idx %arg7[%shift_right_logical3A_1257, %and3A_1260], %mul3A_1248 : memref<40x128xi32, #tpu.memory_space<vmem>>[vector<16xi32>, vector<16xi32>], vector<16xi32>,
        %add3A_1261 = arith.constant 1 : i32
        %add3A_1262 = vector.broadcast %add3A_1261 : i32 to vector<16xi32>
        %add3A_1263 = arith.addi %mul3A_1248, %add3A_1262 : vector<16xi32>
        tpu.vector_store_idx %arg8[%shift_right_logical3A_1257, %and3A_1260], %add3A_1263 : memref<40x128xi32, #tpu.memory_space<vmem>>[vector<16xi32>, vector<16xi32>], vector<16xi32>,
        %mul3A_1264 = arith.constant 16 : i32
        %mul3A_1265 = arith.muli %scan3A_45, %mul3A_1264 : i32
        %add3A_1266 = arith.constant 3200 : i32
        %add3A_1267 = arith.addi %add3A_1266, %mul3A_1265 : i32
        %swap3A_1268 = arith.index_cast %add3A_1267 : i32 to index
        %swap3A_1269 = tpu.vector_load %arg9[%swap3A_1268] {strides = array<i32>} : memref<5120xf32, #tpu.memory_space<vmem>>, vector<16xf32>,
        tpu.vector_store %arg9[%swap3A_1268], %mul3A_1245 {strides = array<i32>} : memref<5120xf32, #tpu.memory_space<vmem>>, vector<16xf32>,
        %xor3A_1270 = arith.xori %convert_element_type3A_1167, %add3A_1200 : vector<16xi32>
        %xor3A_1271 = arith.xori %xor3A_1270, %mul3A_1197 : vector<16xi32>
        %and3A_1272 = arith.constant 524287 : i32
        %and3A_1273 = vector.broadcast %and3A_1272 : i32 to vector<16xi32>
        %and3A_1274 = arith.andi %xor3A_1271, %and3A_1273 : vector<16xi32>
        %add3A_1275 = arith.constant 839763 : i32
        %add3A_1276 = vector.broadcast %add3A_1275 : i32 to vector<16xi32>
        %add3A_1277 = arith.addi %and3A_1274, %add3A_1276 : vector<16xi32>
        %mul3A_1278 = arith.mulf %mul3A_1187, %sub3A_1184 : vector<16xf32>
        %mul3A_1279 = arith.constant 2 : i32
        %mul3A_1280 = vector.broadcast %mul3A_1279 : i32 to vector<16xi32>
        %mul3A_1281 = arith.muli %add3A_1277, %mul3A_1280 : vector<16xi32>
        %mul3A_1282 = arith.constant 16 : i32
        %mul3A_1283 = arith.muli %scan3A_45, %mul3A_1282 : i32
        %add3A_1284 = arith.constant 3328 : i32
        %add3A_1285 = arith.addi %add3A_1284, %mul3A_1283 : i32
        %add3A_1286 = vector.broadcast %add3A_1285 : i32 to vector<16xi32>
        %add3A_1287 = arith.addi %add3A_1286, %iota3A : vector<16xi32>
        %shift_right_logical3A_1288 = arith.constant 7 : i32
        %shift_right_logical3A_1289 = vector.broadcast %shift_right_logical3A_1288 : i32 to vector<16xi32>
        %shift_right_logical3A_1290 = arith.shrui %add3A_1287, %shift_right_logical3A_1289 : vector<16xi32>
        %and3A_1291 = arith.constant 127 : i32
        %and3A_1292 = vector.broadcast %and3A_1291 : i32 to vector<16xi32>
        %and3A_1293 = arith.andi %add3A_1287, %and3A_1292 : vector<16xi32>
        tpu.vector_store_idx %arg7[%shift_right_logical3A_1290, %and3A_1293], %mul3A_1281 : memref<40x128xi32, #tpu.memory_space<vmem>>[vector<16xi32>, vector<16xi32>], vector<16xi32>,
        %add3A_1294 = arith.constant 1 : i32
        %add3A_1295 = vector.broadcast %add3A_1294 : i32 to vector<16xi32>
        %add3A_1296 = arith.addi %mul3A_1281, %add3A_1295 : vector<16xi32>
        tpu.vector_store_idx %arg8[%shift_right_logical3A_1290, %and3A_1293], %add3A_1296 : memref<40x128xi32, #tpu.memory_space<vmem>>[vector<16xi32>, vector<16xi32>], vector<16xi32>,
        %mul3A_1297 = arith.constant 16 : i32
        %mul3A_1298 = arith.muli %scan3A_45, %mul3A_1297 : i32
        %add3A_1299 = arith.constant 3328 : i32
        %add3A_1300 = arith.addi %add3A_1299, %mul3A_1298 : i32
        %swap3A_1301 = arith.index_cast %add3A_1300 : i32 to index
        %swap3A_1302 = tpu.vector_load %arg9[%swap3A_1301] {strides = array<i32>} : memref<5120xf32, #tpu.memory_space<vmem>>, vector<16xf32>,
        tpu.vector_store %arg9[%swap3A_1301], %mul3A_1278 {strides = array<i32>} : memref<5120xf32, #tpu.memory_space<vmem>>, vector<16xf32>,
        %xor3A_1303 = arith.xori %add3A_1191, %add3A_1200 : vector<16xi32>
        %xor3A_1304 = arith.xori %xor3A_1303, %mul3A_1197 : vector<16xi32>
        %and3A_1305 = arith.constant 524287 : i32
        %and3A_1306 = vector.broadcast %and3A_1305 : i32 to vector<16xi32>
        %and3A_1307 = arith.andi %xor3A_1304, %and3A_1306 : vector<16xi32>
        %add3A_1308 = arith.constant 839763 : i32
        %add3A_1309 = vector.broadcast %add3A_1308 : i32 to vector<16xi32>
        %add3A_1310 = arith.addi %and3A_1307, %add3A_1309 : vector<16xi32>
        %mul3A_1311 = arith.mulf %mul3A_1188, %sub3A_1184 : vector<16xf32>
        %mul3A_1312 = arith.constant 2 : i32
        %mul3A_1313 = vector.broadcast %mul3A_1312 : i32 to vector<16xi32>
        %mul3A_1314 = arith.muli %add3A_1310, %mul3A_1313 : vector<16xi32>
        %mul3A_1315 = arith.constant 16 : i32
        %mul3A_1316 = arith.muli %scan3A_45, %mul3A_1315 : i32
        %add3A_1317 = arith.constant 3456 : i32
        %add3A_1318 = arith.addi %add3A_1317, %mul3A_1316 : i32
        %add3A_1319 = vector.broadcast %add3A_1318 : i32 to vector<16xi32>
        %add3A_1320 = arith.addi %add3A_1319, %iota3A : vector<16xi32>
        %shift_right_logical3A_1321 = arith.constant 7 : i32
        %shift_right_logical3A_1322 = vector.broadcast %shift_right_logical3A_1321 : i32 to vector<16xi32>
        %shift_right_logical3A_1323 = arith.shrui %add3A_1320, %shift_right_logical3A_1322 : vector<16xi32>
        %and3A_1324 = arith.constant 127 : i32
        %and3A_1325 = vector.broadcast %and3A_1324 : i32 to vector<16xi32>
        %and3A_1326 = arith.andi %add3A_1320, %and3A_1325 : vector<16xi32>
        tpu.vector_store_idx %arg7[%shift_right_logical3A_1323, %and3A_1326], %mul3A_1314 : memref<40x128xi32, #tpu.memory_space<vmem>>[vector<16xi32>, vector<16xi32>], vector<16xi32>,
        %add3A_1327 = arith.constant 1 : i32
        %add3A_1328 = vector.broadcast %add3A_1327 : i32 to vector<16xi32>
        %add3A_1329 = arith.addi %mul3A_1314, %add3A_1328 : vector<16xi32>
        tpu.vector_store_idx %arg8[%shift_right_logical3A_1323, %and3A_1326], %add3A_1329 : memref<40x128xi32, #tpu.memory_space<vmem>>[vector<16xi32>, vector<16xi32>], vector<16xi32>,
        %mul3A_1330 = arith.constant 16 : i32
        %mul3A_1331 = arith.muli %scan3A_45, %mul3A_1330 : i32
        %add3A_1332 = arith.constant 3456 : i32
        %add3A_1333 = arith.addi %add3A_1332, %mul3A_1331 : i32
        %swap3A_1334 = arith.index_cast %add3A_1333 : i32 to index
        %swap3A_1335 = tpu.vector_load %arg9[%swap3A_1334] {strides = array<i32>} : memref<5120xf32, #tpu.memory_space<vmem>>, vector<16xf32>,
        tpu.vector_store %arg9[%swap3A_1334], %mul3A_1311 {strides = array<i32>} : memref<5120xf32, #tpu.memory_space<vmem>>, vector<16xf32>,
        %xor3A_1336 = arith.xori %convert_element_type3A_1167, %mul3A_1194 : vector<16xi32>
        %xor3A_1337 = arith.xori %xor3A_1336, %add3A_1203 : vector<16xi32>
        %and3A_1338 = arith.constant 524287 : i32
        %and3A_1339 = vector.broadcast %and3A_1338 : i32 to vector<16xi32>
        %and3A_1340 = arith.andi %xor3A_1337, %and3A_1339 : vector<16xi32>
        %add3A_1341 = arith.constant 839763 : i32
        %add3A_1342 = vector.broadcast %add3A_1341 : i32 to vector<16xi32>
        %add3A_1343 = arith.addi %and3A_1340, %add3A_1342 : vector<16xi32>
        %mul3A_1344 = arith.mulf %mul3A_1185, %sub3A_1175 : vector<16xf32>
        %mul3A_1345 = arith.constant 2 : i32
        %mul3A_1346 = vector.broadcast %mul3A_1345 : i32 to vector<16xi32>
        %mul3A_1347 = arith.muli %add3A_1343, %mul3A_1346 : vector<16xi32>
        %mul3A_1348 = arith.constant 16 : i32
        %mul3A_1349 = arith.muli %scan3A_45, %mul3A_1348 : i32
        %add3A_1350 = arith.constant 3584 : i32
        %add3A_1351 = arith.addi %add3A_1350, %mul3A_1349 : i32
        %add3A_1352 = vector.broadcast %add3A_1351 : i32 to vector<16xi32>
        %add3A_1353 = arith.addi %add3A_1352, %iota3A : vector<16xi32>
        %shift_right_logical3A_1354 = arith.constant 7 : i32
        %shift_right_logical3A_1355 = vector.broadcast %shift_right_logical3A_1354 : i32 to vector<16xi32>
        %shift_right_logical3A_1356 = arith.shrui %add3A_1353, %shift_right_logical3A_1355 : vector<16xi32>
        %and3A_1357 = arith.constant 127 : i32
        %and3A_1358 = vector.broadcast %and3A_1357 : i32 to vector<16xi32>
        %and3A_1359 = arith.andi %add3A_1353, %and3A_1358 : vector<16xi32>
        tpu.vector_store_idx %arg7[%shift_right_logical3A_1356, %and3A_1359], %mul3A_1347 : memref<40x128xi32, #tpu.memory_space<vmem>>[vector<16xi32>, vector<16xi32>], vector<16xi32>,
        %add3A_1360 = arith.constant 1 : i32
        %add3A_1361 = vector.broadcast %add3A_1360 : i32 to vector<16xi32>
        %add3A_1362 = arith.addi %mul3A_1347, %add3A_1361 : vector<16xi32>
        tpu.vector_store_idx %arg8[%shift_right_logical3A_1356, %and3A_1359], %add3A_1362 : memref<40x128xi32, #tpu.memory_space<vmem>>[vector<16xi32>, vector<16xi32>], vector<16xi32>,
        %mul3A_1363 = arith.constant 16 : i32
        %mul3A_1364 = arith.muli %scan3A_45, %mul3A_1363 : i32
        %add3A_1365 = arith.constant 3584 : i32
        %add3A_1366 = arith.addi %add3A_1365, %mul3A_1364 : i32
        %swap3A_1367 = arith.index_cast %add3A_1366 : i32 to index
        %swap3A_1368 = tpu.vector_load %arg9[%swap3A_1367] {strides = array<i32>} : memref<5120xf32, #tpu.memory_space<vmem>>, vector<16xf32>,
        tpu.vector_store %arg9[%swap3A_1367], %mul3A_1344 {strides = array<i32>} : memref<5120xf32, #tpu.memory_space<vmem>>, vector<16xf32>,
        %xor3A_1369 = arith.xori %add3A_1191, %mul3A_1194 : vector<16xi32>
        %xor3A_1370 = arith.xori %xor3A_1369, %add3A_1203 : vector<16xi32>
        %and3A_1371 = arith.constant 524287 : i32
        %and3A_1372 = vector.broadcast %and3A_1371 : i32 to vector<16xi32>
        %and3A_1373 = arith.andi %xor3A_1370, %and3A_1372 : vector<16xi32>
        %add3A_1374 = arith.constant 839763 : i32
        %add3A_1375 = vector.broadcast %add3A_1374 : i32 to vector<16xi32>
        %add3A_1376 = arith.addi %and3A_1373, %add3A_1375 : vector<16xi32>
        %mul3A_1377 = arith.mulf %mul3A_1186, %sub3A_1175 : vector<16xf32>
        %mul3A_1378 = arith.constant 2 : i32
        %mul3A_1379 = vector.broadcast %mul3A_1378 : i32 to vector<16xi32>
        %mul3A_1380 = arith.muli %add3A_1376, %mul3A_1379 : vector<16xi32>
        %mul3A_1381 = arith.constant 16 : i32
        %mul3A_1382 = arith.muli %scan3A_45, %mul3A_1381 : i32
        %add3A_1383 = arith.constant 3712 : i32
        %add3A_1384 = arith.addi %add3A_1383, %mul3A_1382 : i32
        %add3A_1385 = vector.broadcast %add3A_1384 : i32 to vector<16xi32>
        %add3A_1386 = arith.addi %add3A_1385, %iota3A : vector<16xi32>
        %shift_right_logical3A_1387 = arith.constant 7 : i32
        %shift_right_logical3A_1388 = vector.broadcast %shift_right_logical3A_1387 : i32 to vector<16xi32>
        %shift_right_logical3A_1389 = arith.shrui %add3A_1386, %shift_right_logical3A_1388 : vector<16xi32>
        %and3A_1390 = arith.constant 127 : i32
        %and3A_1391 = vector.broadcast %and3A_1390 : i32 to vector<16xi32>
        %and3A_1392 = arith.andi %add3A_1386, %and3A_1391 : vector<16xi32>
        tpu.vector_store_idx %arg7[%shift_right_logical3A_1389, %and3A_1392], %mul3A_1380 : memref<40x128xi32, #tpu.memory_space<vmem>>[vector<16xi32>, vector<16xi32>], vector<16xi32>,
        %add3A_1393 = arith.constant 1 : i32
        %add3A_1394 = vector.broadcast %add3A_1393 : i32 to vector<16xi32>
        %add3A_1395 = arith.addi %mul3A_1380, %add3A_1394 : vector<16xi32>
        tpu.vector_store_idx %arg8[%shift_right_logical3A_1389, %and3A_1392], %add3A_1395 : memref<40x128xi32, #tpu.memory_space<vmem>>[vector<16xi32>, vector<16xi32>], vector<16xi32>,
        %mul3A_1396 = arith.constant 16 : i32
        %mul3A_1397 = arith.muli %scan3A_45, %mul3A_1396 : i32
        %add3A_1398 = arith.constant 3712 : i32
        %add3A_1399 = arith.addi %add3A_1398, %mul3A_1397 : i32
        %swap3A_1400 = arith.index_cast %add3A_1399 : i32 to index
        %swap3A_1401 = tpu.vector_load %arg9[%swap3A_1400] {strides = array<i32>} : memref<5120xf32, #tpu.memory_space<vmem>>, vector<16xf32>,
        tpu.vector_store %arg9[%swap3A_1400], %mul3A_1377 {strides = array<i32>} : memref<5120xf32, #tpu.memory_space<vmem>>, vector<16xf32>,
        %xor3A_1402 = arith.xori %convert_element_type3A_1167, %add3A_1200 : vector<16xi32>
        %xor3A_1403 = arith.xori %xor3A_1402, %add3A_1203 : vector<16xi32>
        %and3A_1404 = arith.constant 524287 : i32
        %and3A_1405 = vector.broadcast %and3A_1404 : i32 to vector<16xi32>
        %and3A_1406 = arith.andi %xor3A_1403, %and3A_1405 : vector<16xi32>
        %add3A_1407 = arith.constant 839763 : i32
        %add3A_1408 = vector.broadcast %add3A_1407 : i32 to vector<16xi32>
        %add3A_1409 = arith.addi %and3A_1406, %add3A_1408 : vector<16xi32>
        %mul3A_1410 = arith.mulf %mul3A_1187, %sub3A_1175 : vector<16xf32>
        %mul3A_1411 = arith.constant 2 : i32
        %mul3A_1412 = vector.broadcast %mul3A_1411 : i32 to vector<16xi32>
        %mul3A_1413 = arith.muli %add3A_1409, %mul3A_1412 : vector<16xi32>
        %mul3A_1414 = arith.constant 16 : i32
        %mul3A_1415 = arith.muli %scan3A_45, %mul3A_1414 : i32
        %add3A_1416 = arith.constant 3840 : i32
        %add3A_1417 = arith.addi %add3A_1416, %mul3A_1415 : i32
        %add3A_1418 = vector.broadcast %add3A_1417 : i32 to vector<16xi32>
        %add3A_1419 = arith.addi %add3A_1418, %iota3A : vector<16xi32>
        %shift_right_logical3A_1420 = arith.constant 7 : i32
        %shift_right_logical3A_1421 = vector.broadcast %shift_right_logical3A_1420 : i32 to vector<16xi32>
        %shift_right_logical3A_1422 = arith.shrui %add3A_1419, %shift_right_logical3A_1421 : vector<16xi32>
        %and3A_1423 = arith.constant 127 : i32
        %and3A_1424 = vector.broadcast %and3A_1423 : i32 to vector<16xi32>
        %and3A_1425 = arith.andi %add3A_1419, %and3A_1424 : vector<16xi32>
        tpu.vector_store_idx %arg7[%shift_right_logical3A_1422, %and3A_1425], %mul3A_1413 : memref<40x128xi32, #tpu.memory_space<vmem>>[vector<16xi32>, vector<16xi32>], vector<16xi32>,
        %add3A_1426 = arith.constant 1 : i32
        %add3A_1427 = vector.broadcast %add3A_1426 : i32 to vector<16xi32>
        %add3A_1428 = arith.addi %mul3A_1413, %add3A_1427 : vector<16xi32>
        tpu.vector_store_idx %arg8[%shift_right_logical3A_1422, %and3A_1425], %add3A_1428 : memref<40x128xi32, #tpu.memory_space<vmem>>[vector<16xi32>, vector<16xi32>], vector<16xi32>,
        %mul3A_1429 = arith.constant 16 : i32
        %mul3A_1430 = arith.muli %scan3A_45, %mul3A_1429 : i32
        %add3A_1431 = arith.constant 3840 : i32
        %add3A_1432 = arith.addi %add3A_1431, %mul3A_1430 : i32
        %swap3A_1433 = arith.index_cast %add3A_1432 : i32 to index
        %swap3A_1434 = tpu.vector_load %arg9[%swap3A_1433] {strides = array<i32>} : memref<5120xf32, #tpu.memory_space<vmem>>, vector<16xf32>,
        tpu.vector_store %arg9[%swap3A_1433], %mul3A_1410 {strides = array<i32>} : memref<5120xf32, #tpu.memory_space<vmem>>, vector<16xf32>,
        %xor3A_1435 = arith.xori %add3A_1191, %add3A_1200 : vector<16xi32>
        %xor3A_1436 = arith.xori %xor3A_1435, %add3A_1203 : vector<16xi32>
        %and3A_1437 = arith.constant 524287 : i32
        %and3A_1438 = vector.broadcast %and3A_1437 : i32 to vector<16xi32>
        %and3A_1439 = arith.andi %xor3A_1436, %and3A_1438 : vector<16xi32>
        %add3A_1440 = arith.constant 839763 : i32
        %add3A_1441 = vector.broadcast %add3A_1440 : i32 to vector<16xi32>
        %add3A_1442 = arith.addi %and3A_1439, %add3A_1441 : vector<16xi32>
        %mul3A_1443 = arith.mulf %mul3A_1188, %sub3A_1175 : vector<16xf32>
        %mul3A_1444 = arith.constant 2 : i32
        %mul3A_1445 = vector.broadcast %mul3A_1444 : i32 to vector<16xi32>
        %mul3A_1446 = arith.muli %add3A_1442, %mul3A_1445 : vector<16xi32>
        %mul3A_1447 = arith.constant 16 : i32
        %mul3A_1448 = arith.muli %scan3A_45, %mul3A_1447 : i32
        %add3A_1449 = arith.constant 3968 : i32
        %add3A_1450 = arith.addi %add3A_1449, %mul3A_1448 : i32
        %add3A_1451 = vector.broadcast %add3A_1450 : i32 to vector<16xi32>
        %add3A_1452 = arith.addi %add3A_1451, %iota3A : vector<16xi32>
        %shift_right_logical3A_1453 = arith.constant 7 : i32
        %shift_right_logical3A_1454 = vector.broadcast %shift_right_logical3A_1453 : i32 to vector<16xi32>
        %shift_right_logical3A_1455 = arith.shrui %add3A_1452, %shift_right_logical3A_1454 : vector<16xi32>
        %and3A_1456 = arith.constant 127 : i32
        %and3A_1457 = vector.broadcast %and3A_1456 : i32 to vector<16xi32>
        %and3A_1458 = arith.andi %add3A_1452, %and3A_1457 : vector<16xi32>
        tpu.vector_store_idx %arg7[%shift_right_logical3A_1455, %and3A_1458], %mul3A_1446 : memref<40x128xi32, #tpu.memory_space<vmem>>[vector<16xi32>, vector<16xi32>], vector<16xi32>,
        %add3A_1459 = arith.constant 1 : i32
        %add3A_1460 = vector.broadcast %add3A_1459 : i32 to vector<16xi32>
        %add3A_1461 = arith.addi %mul3A_1446, %add3A_1460 : vector<16xi32>
        tpu.vector_store_idx %arg8[%shift_right_logical3A_1455, %and3A_1458], %add3A_1461 : memref<40x128xi32, #tpu.memory_space<vmem>>[vector<16xi32>, vector<16xi32>], vector<16xi32>,
        %mul3A_1462 = arith.constant 16 : i32
        %mul3A_1463 = arith.muli %scan3A_45, %mul3A_1462 : i32
        %add3A_1464 = arith.constant 3968 : i32
        %add3A_1465 = arith.addi %add3A_1464, %mul3A_1463 : i32
        %swap3A_1466 = arith.index_cast %add3A_1465 : i32 to index
        %swap3A_1467 = tpu.vector_load %arg9[%swap3A_1466] {strides = array<i32>} : memref<5120xf32, #tpu.memory_space<vmem>>, vector<16xf32>,
        tpu.vector_store %arg9[%swap3A_1466], %mul3A_1443 {strides = array<i32>} : memref<5120xf32, #tpu.memory_space<vmem>>, vector<16xf32>,
        %mul3A_1468 = arith.constant 5.110000e+02 : f32
        %mul3A_1469 = vector.broadcast %mul3A_1468 : f32 to vector<16xf32>
        %mul3A_1470 = arith.mulf %gather3A, %mul3A_1469 : vector<16xf32>
        %add3A_1471 = arith.constant 5.000000e-01 : f32
        %add3A_1472 = vector.broadcast %add3A_1471 : f32 to vector<16xf32>
        %add3A_1473 = arith.addf %mul3A_1470, %add3A_1472 : vector<16xf32>
        %mul3A_1474 = arith.constant 5.110000e+02 : f32
        %mul3A_1475 = vector.broadcast %mul3A_1474 : f32 to vector<16xf32>
        %mul3A_1476 = arith.mulf %gather3A_63, %mul3A_1475 : vector<16xf32>
        %add3A_1477 = arith.constant 5.000000e-01 : f32
        %add3A_1478 = vector.broadcast %add3A_1477 : f32 to vector<16xf32>
        %add3A_1479 = arith.addf %mul3A_1476, %add3A_1478 : vector<16xf32>
        %mul3A_1480 = arith.constant 5.110000e+02 : f32
        %mul3A_1481 = vector.broadcast %mul3A_1480 : f32 to vector<16xf32>
        %mul3A_1482 = arith.mulf %gather3A_67, %mul3A_1481 : vector<16xf32>
        %add3A_1483 = arith.constant 5.000000e-01 : f32
        %add3A_1484 = vector.broadcast %add3A_1483 : f32 to vector<16xf32>
        %add3A_1485 = arith.addf %mul3A_1482, %add3A_1484 : vector<16xf32>
        %convert_element_type3A_1486 = arith.fptosi %add3A_1473 : vector<16xf32> to vector<16xi32>
        %convert_element_type3A_1487 = arith.fptosi %add3A_1479 : vector<16xf32> to vector<16xi32>
        %convert_element_type3A_1488 = arith.fptosi %add3A_1485 : vector<16xf32> to vector<16xi32>
        %convert_element_type3A_1489 = arith.sitofp %convert_element_type3A_1486 : vector<16xi32> to vector<16xf32>
        %sub3A_1490 = arith.subf %add3A_1473, %convert_element_type3A_1489 : vector<16xf32>
        %convert_element_type3A_1491 = arith.sitofp %convert_element_type3A_1487 : vector<16xi32> to vector<16xf32>
        %sub3A_1492 = arith.subf %add3A_1479, %convert_element_type3A_1491 : vector<16xf32>
        %convert_element_type3A_1493 = arith.sitofp %convert_element_type3A_1488 : vector<16xi32> to vector<16xf32>
        %sub3A_1494 = arith.subf %add3A_1485, %convert_element_type3A_1493 : vector<16xf32>
        %sub3A_1495 = arith.constant 1.000000e+00 : f32
        %sub3A_1496 = vector.broadcast %sub3A_1495 : f32 to vector<16xf32>
        %sub3A_1497 = arith.subf %sub3A_1496, %sub3A_1490 : vector<16xf32>
        %sub3A_1498 = arith.constant 1.000000e+00 : f32
        %sub3A_1499 = vector.broadcast %sub3A_1498 : f32 to vector<16xf32>
        %sub3A_1500 = arith.subf %sub3A_1499, %sub3A_1492 : vector<16xf32>
        %sub3A_1501 = arith.constant 1.000000e+00 : f32
        %sub3A_1502 = vector.broadcast %sub3A_1501 : f32 to vector<16xf32>
        %sub3A_1503 = arith.subf %sub3A_1502, %sub3A_1494 : vector<16xf32>
        %mul3A_1504 = arith.mulf %sub3A_1497, %sub3A_1500 : vector<16xf32>
        %mul3A_1505 = arith.mulf %sub3A_1490, %sub3A_1500 : vector<16xf32>
        %mul3A_1506 = arith.mulf %sub3A_1497, %sub3A_1492 : vector<16xf32>
        %mul3A_1507 = arith.mulf %sub3A_1490, %sub3A_1492 : vector<16xf32>
        %add3A_1508 = arith.constant 1 : i32
        %add3A_1509 = vector.broadcast %add3A_1508 : i32 to vector<16xi32>
        %add3A_1510 = arith.addi %convert_element_type3A_1486, %add3A_1509 : vector<16xi32>
        %mul3A_1511 = arith.constant -1640531535 : i32
        %mul3A_1512 = vector.broadcast %mul3A_1511 : i32 to vector<16xi32>
        %mul3A_1513 = arith.muli %convert_element_type3A_1487, %mul3A_1512 : vector<16xi32>
        %mul3A_1514 = arith.constant 805459861 : i32
        %mul3A_1515 = vector.broadcast %mul3A_1514 : i32 to vector<16xi32>
        %mul3A_1516 = arith.muli %convert_element_type3A_1488, %mul3A_1515 : vector<16xi32>
        %add3A_1517 = arith.constant -1640531535 : i32
        %add3A_1518 = vector.broadcast %add3A_1517 : i32 to vector<16xi32>
        %add3A_1519 = arith.addi %mul3A_1513, %add3A_1518 : vector<16xi32>
        %add3A_1520 = arith.constant 805459861 : i32
        %add3A_1521 = vector.broadcast %add3A_1520 : i32 to vector<16xi32>
        %add3A_1522 = arith.addi %mul3A_1516, %add3A_1521 : vector<16xi32>
        %xor3A_1523 = arith.xori %convert_element_type3A_1486, %mul3A_1513 : vector<16xi32>
        %xor3A_1524 = arith.xori %xor3A_1523, %mul3A_1516 : vector<16xi32>
        %and3A_1525 = arith.constant 524287 : i32
        %and3A_1526 = vector.broadcast %and3A_1525 : i32 to vector<16xi32>
        %and3A_1527 = arith.andi %xor3A_1524, %and3A_1526 : vector<16xi32>
        %add3A_1528 = arith.constant 1364051 : i32
        %add3A_1529 = vector.broadcast %add3A_1528 : i32 to vector<16xi32>
        %add3A_1530 = arith.addi %and3A_1527, %add3A_1529 : vector<16xi32>
        %mul3A_1531 = arith.mulf %mul3A_1504, %sub3A_1503 : vector<16xf32>
        %mul3A_1532 = arith.constant 2 : i32
        %mul3A_1533 = vector.broadcast %mul3A_1532 : i32 to vector<16xi32>
        %mul3A_1534 = arith.muli %add3A_1530, %mul3A_1533 : vector<16xi32>
        %mul3A_1535 = arith.constant 16 : i32
        %mul3A_1536 = arith.muli %scan3A_45, %mul3A_1535 : i32
        %add3A_1537 = arith.constant 4096 : i32
        %add3A_1538 = arith.addi %add3A_1537, %mul3A_1536 : i32
        %add3A_1539 = vector.broadcast %add3A_1538 : i32 to vector<16xi32>
        %add3A_1540 = arith.addi %add3A_1539, %iota3A : vector<16xi32>
        %shift_right_logical3A_1541 = arith.constant 7 : i32
        %shift_right_logical3A_1542 = vector.broadcast %shift_right_logical3A_1541 : i32 to vector<16xi32>
        %shift_right_logical3A_1543 = arith.shrui %add3A_1540, %shift_right_logical3A_1542 : vector<16xi32>
        %and3A_1544 = arith.constant 127 : i32
        %and3A_1545 = vector.broadcast %and3A_1544 : i32 to vector<16xi32>
        %and3A_1546 = arith.andi %add3A_1540, %and3A_1545 : vector<16xi32>
        tpu.vector_store_idx %arg7[%shift_right_logical3A_1543, %and3A_1546], %mul3A_1534 : memref<40x128xi32, #tpu.memory_space<vmem>>[vector<16xi32>, vector<16xi32>], vector<16xi32>,
        %add3A_1547 = arith.constant 1 : i32
        %add3A_1548 = vector.broadcast %add3A_1547 : i32 to vector<16xi32>
        %add3A_1549 = arith.addi %mul3A_1534, %add3A_1548 : vector<16xi32>
        tpu.vector_store_idx %arg8[%shift_right_logical3A_1543, %and3A_1546], %add3A_1549 : memref<40x128xi32, #tpu.memory_space<vmem>>[vector<16xi32>, vector<16xi32>], vector<16xi32>,
        %mul3A_1550 = arith.constant 16 : i32
        %mul3A_1551 = arith.muli %scan3A_45, %mul3A_1550 : i32
        %add3A_1552 = arith.constant 4096 : i32
        %add3A_1553 = arith.addi %add3A_1552, %mul3A_1551 : i32
        %swap3A_1554 = arith.index_cast %add3A_1553 : i32 to index
        %swap3A_1555 = tpu.vector_load %arg9[%swap3A_1554] {strides = array<i32>} : memref<5120xf32, #tpu.memory_space<vmem>>, vector<16xf32>,
        tpu.vector_store %arg9[%swap3A_1554], %mul3A_1531 {strides = array<i32>} : memref<5120xf32, #tpu.memory_space<vmem>>, vector<16xf32>,
        %xor3A_1556 = arith.xori %add3A_1510, %mul3A_1513 : vector<16xi32>
        %xor3A_1557 = arith.xori %xor3A_1556, %mul3A_1516 : vector<16xi32>
        %and3A_1558 = arith.constant 524287 : i32
        %and3A_1559 = vector.broadcast %and3A_1558 : i32 to vector<16xi32>
        %and3A_1560 = arith.andi %xor3A_1557, %and3A_1559 : vector<16xi32>
        %add3A_1561 = arith.constant 1364051 : i32
        %add3A_1562 = vector.broadcast %add3A_1561 : i32 to vector<16xi32>
        %add3A_1563 = arith.addi %and3A_1560, %add3A_1562 : vector<16xi32>
        %mul3A_1564 = arith.mulf %mul3A_1505, %sub3A_1503 : vector<16xf32>
        %mul3A_1565 = arith.constant 2 : i32
        %mul3A_1566 = vector.broadcast %mul3A_1565 : i32 to vector<16xi32>
        %mul3A_1567 = arith.muli %add3A_1563, %mul3A_1566 : vector<16xi32>
        %mul3A_1568 = arith.constant 16 : i32
        %mul3A_1569 = arith.muli %scan3A_45, %mul3A_1568 : i32
        %add3A_1570 = arith.constant 4224 : i32
        %add3A_1571 = arith.addi %add3A_1570, %mul3A_1569 : i32
        %add3A_1572 = vector.broadcast %add3A_1571 : i32 to vector<16xi32>
        %add3A_1573 = arith.addi %add3A_1572, %iota3A : vector<16xi32>
        %shift_right_logical3A_1574 = arith.constant 7 : i32
        %shift_right_logical3A_1575 = vector.broadcast %shift_right_logical3A_1574 : i32 to vector<16xi32>
        %shift_right_logical3A_1576 = arith.shrui %add3A_1573, %shift_right_logical3A_1575 : vector<16xi32>
        %and3A_1577 = arith.constant 127 : i32
        %and3A_1578 = vector.broadcast %and3A_1577 : i32 to vector<16xi32>
        %and3A_1579 = arith.andi %add3A_1573, %and3A_1578 : vector<16xi32>
        tpu.vector_store_idx %arg7[%shift_right_logical3A_1576, %and3A_1579], %mul3A_1567 : memref<40x128xi32, #tpu.memory_space<vmem>>[vector<16xi32>, vector<16xi32>], vector<16xi32>,
        %add3A_1580 = arith.constant 1 : i32
        %add3A_1581 = vector.broadcast %add3A_1580 : i32 to vector<16xi32>
        %add3A_1582 = arith.addi %mul3A_1567, %add3A_1581 : vector<16xi32>
        tpu.vector_store_idx %arg8[%shift_right_logical3A_1576, %and3A_1579], %add3A_1582 : memref<40x128xi32, #tpu.memory_space<vmem>>[vector<16xi32>, vector<16xi32>], vector<16xi32>,
        %mul3A_1583 = arith.constant 16 : i32
        %mul3A_1584 = arith.muli %scan3A_45, %mul3A_1583 : i32
        %add3A_1585 = arith.constant 4224 : i32
        %add3A_1586 = arith.addi %add3A_1585, %mul3A_1584 : i32
        %swap3A_1587 = arith.index_cast %add3A_1586 : i32 to index
        %swap3A_1588 = tpu.vector_load %arg9[%swap3A_1587] {strides = array<i32>} : memref<5120xf32, #tpu.memory_space<vmem>>, vector<16xf32>,
        tpu.vector_store %arg9[%swap3A_1587], %mul3A_1564 {strides = array<i32>} : memref<5120xf32, #tpu.memory_space<vmem>>, vector<16xf32>,
        %xor3A_1589 = arith.xori %convert_element_type3A_1486, %add3A_1519 : vector<16xi32>
        %xor3A_1590 = arith.xori %xor3A_1589, %mul3A_1516 : vector<16xi32>
        %and3A_1591 = arith.constant 524287 : i32
        %and3A_1592 = vector.broadcast %and3A_1591 : i32 to vector<16xi32>
        %and3A_1593 = arith.andi %xor3A_1590, %and3A_1592 : vector<16xi32>
        %add3A_1594 = arith.constant 1364051 : i32
        %add3A_1595 = vector.broadcast %add3A_1594 : i32 to vector<16xi32>
        %add3A_1596 = arith.addi %and3A_1593, %add3A_1595 : vector<16xi32>
        %mul3A_1597 = arith.mulf %mul3A_1506, %sub3A_1503 : vector<16xf32>
        %mul3A_1598 = arith.constant 2 : i32
        %mul3A_1599 = vector.broadcast %mul3A_1598 : i32 to vector<16xi32>
        %mul3A_1600 = arith.muli %add3A_1596, %mul3A_1599 : vector<16xi32>
        %mul3A_1601 = arith.constant 16 : i32
        %mul3A_1602 = arith.muli %scan3A_45, %mul3A_1601 : i32
        %add3A_1603 = arith.constant 4352 : i32
        %add3A_1604 = arith.addi %add3A_1603, %mul3A_1602 : i32
        %add3A_1605 = vector.broadcast %add3A_1604 : i32 to vector<16xi32>
        %add3A_1606 = arith.addi %add3A_1605, %iota3A : vector<16xi32>
        %shift_right_logical3A_1607 = arith.constant 7 : i32
        %shift_right_logical3A_1608 = vector.broadcast %shift_right_logical3A_1607 : i32 to vector<16xi32>
        %shift_right_logical3A_1609 = arith.shrui %add3A_1606, %shift_right_logical3A_1608 : vector<16xi32>
        %and3A_1610 = arith.constant 127 : i32
        %and3A_1611 = vector.broadcast %and3A_1610 : i32 to vector<16xi32>
        %and3A_1612 = arith.andi %add3A_1606, %and3A_1611 : vector<16xi32>
        tpu.vector_store_idx %arg7[%shift_right_logical3A_1609, %and3A_1612], %mul3A_1600 : memref<40x128xi32, #tpu.memory_space<vmem>>[vector<16xi32>, vector<16xi32>], vector<16xi32>,
        %add3A_1613 = arith.constant 1 : i32
        %add3A_1614 = vector.broadcast %add3A_1613 : i32 to vector<16xi32>
        %add3A_1615 = arith.addi %mul3A_1600, %add3A_1614 : vector<16xi32>
        tpu.vector_store_idx %arg8[%shift_right_logical3A_1609, %and3A_1612], %add3A_1615 : memref<40x128xi32, #tpu.memory_space<vmem>>[vector<16xi32>, vector<16xi32>], vector<16xi32>,
        %mul3A_1616 = arith.constant 16 : i32
        %mul3A_1617 = arith.muli %scan3A_45, %mul3A_1616 : i32
        %add3A_1618 = arith.constant 4352 : i32
        %add3A_1619 = arith.addi %add3A_1618, %mul3A_1617 : i32
        %swap3A_1620 = arith.index_cast %add3A_1619 : i32 to index
        %swap3A_1621 = tpu.vector_load %arg9[%swap3A_1620] {strides = array<i32>} : memref<5120xf32, #tpu.memory_space<vmem>>, vector<16xf32>,
        tpu.vector_store %arg9[%swap3A_1620], %mul3A_1597 {strides = array<i32>} : memref<5120xf32, #tpu.memory_space<vmem>>, vector<16xf32>,
        %xor3A_1622 = arith.xori %add3A_1510, %add3A_1519 : vector<16xi32>
        %xor3A_1623 = arith.xori %xor3A_1622, %mul3A_1516 : vector<16xi32>
        %and3A_1624 = arith.constant 524287 : i32
        %and3A_1625 = vector.broadcast %and3A_1624 : i32 to vector<16xi32>
        %and3A_1626 = arith.andi %xor3A_1623, %and3A_1625 : vector<16xi32>
        %add3A_1627 = arith.constant 1364051 : i32
        %add3A_1628 = vector.broadcast %add3A_1627 : i32 to vector<16xi32>
        %add3A_1629 = arith.addi %and3A_1626, %add3A_1628 : vector<16xi32>
        %mul3A_1630 = arith.mulf %mul3A_1507, %sub3A_1503 : vector<16xf32>
        %mul3A_1631 = arith.constant 2 : i32
        %mul3A_1632 = vector.broadcast %mul3A_1631 : i32 to vector<16xi32>
        %mul3A_1633 = arith.muli %add3A_1629, %mul3A_1632 : vector<16xi32>
        %mul3A_1634 = arith.constant 16 : i32
        %mul3A_1635 = arith.muli %scan3A_45, %mul3A_1634 : i32
        %add3A_1636 = arith.constant 4480 : i32
        %add3A_1637 = arith.addi %add3A_1636, %mul3A_1635 : i32
        %add3A_1638 = vector.broadcast %add3A_1637 : i32 to vector<16xi32>
        %add3A_1639 = arith.addi %add3A_1638, %iota3A : vector<16xi32>
        %shift_right_logical3A_1640 = arith.constant 7 : i32
        %shift_right_logical3A_1641 = vector.broadcast %shift_right_logical3A_1640 : i32 to vector<16xi32>
        %shift_right_logical3A_1642 = arith.shrui %add3A_1639, %shift_right_logical3A_1641 : vector<16xi32>
        %and3A_1643 = arith.constant 127 : i32
        %and3A_1644 = vector.broadcast %and3A_1643 : i32 to vector<16xi32>
        %and3A_1645 = arith.andi %add3A_1639, %and3A_1644 : vector<16xi32>
        tpu.vector_store_idx %arg7[%shift_right_logical3A_1642, %and3A_1645], %mul3A_1633 : memref<40x128xi32, #tpu.memory_space<vmem>>[vector<16xi32>, vector<16xi32>], vector<16xi32>,
        %add3A_1646 = arith.constant 1 : i32
        %add3A_1647 = vector.broadcast %add3A_1646 : i32 to vector<16xi32>
        %add3A_1648 = arith.addi %mul3A_1633, %add3A_1647 : vector<16xi32>
        tpu.vector_store_idx %arg8[%shift_right_logical3A_1642, %and3A_1645], %add3A_1648 : memref<40x128xi32, #tpu.memory_space<vmem>>[vector<16xi32>, vector<16xi32>], vector<16xi32>,
        %mul3A_1649 = arith.constant 16 : i32
        %mul3A_1650 = arith.muli %scan3A_45, %mul3A_1649 : i32
        %add3A_1651 = arith.constant 4480 : i32
        %add3A_1652 = arith.addi %add3A_1651, %mul3A_1650 : i32
        %swap3A_1653 = arith.index_cast %add3A_1652 : i32 to index
        %swap3A_1654 = tpu.vector_load %arg9[%swap3A_1653] {strides = array<i32>} : memref<5120xf32, #tpu.memory_space<vmem>>, vector<16xf32>,
        tpu.vector_store %arg9[%swap3A_1653], %mul3A_1630 {strides = array<i32>} : memref<5120xf32, #tpu.memory_space<vmem>>, vector<16xf32>,
        %xor3A_1655 = arith.xori %convert_element_type3A_1486, %mul3A_1513 : vector<16xi32>
        %xor3A_1656 = arith.xori %xor3A_1655, %add3A_1522 : vector<16xi32>
        %and3A_1657 = arith.constant 524287 : i32
        %and3A_1658 = vector.broadcast %and3A_1657 : i32 to vector<16xi32>
        %and3A_1659 = arith.andi %xor3A_1656, %and3A_1658 : vector<16xi32>
        %add3A_1660 = arith.constant 1364051 : i32
        %add3A_1661 = vector.broadcast %add3A_1660 : i32 to vector<16xi32>
        %add3A_1662 = arith.addi %and3A_1659, %add3A_1661 : vector<16xi32>
        %mul3A_1663 = arith.mulf %mul3A_1504, %sub3A_1494 : vector<16xf32>
        %mul3A_1664 = arith.constant 2 : i32
        %mul3A_1665 = vector.broadcast %mul3A_1664 : i32 to vector<16xi32>
        %mul3A_1666 = arith.muli %add3A_1662, %mul3A_1665 : vector<16xi32>
        %mul3A_1667 = arith.constant 16 : i32
        %mul3A_1668 = arith.muli %scan3A_45, %mul3A_1667 : i32
        %add3A_1669 = arith.constant 4608 : i32
        %add3A_1670 = arith.addi %add3A_1669, %mul3A_1668 : i32
        %add3A_1671 = vector.broadcast %add3A_1670 : i32 to vector<16xi32>
        %add3A_1672 = arith.addi %add3A_1671, %iota3A : vector<16xi32>
        %shift_right_logical3A_1673 = arith.constant 7 : i32
        %shift_right_logical3A_1674 = vector.broadcast %shift_right_logical3A_1673 : i32 to vector<16xi32>
        %shift_right_logical3A_1675 = arith.shrui %add3A_1672, %shift_right_logical3A_1674 : vector<16xi32>
        %and3A_1676 = arith.constant 127 : i32
        %and3A_1677 = vector.broadcast %and3A_1676 : i32 to vector<16xi32>
        %and3A_1678 = arith.andi %add3A_1672, %and3A_1677 : vector<16xi32>
        tpu.vector_store_idx %arg7[%shift_right_logical3A_1675, %and3A_1678], %mul3A_1666 : memref<40x128xi32, #tpu.memory_space<vmem>>[vector<16xi32>, vector<16xi32>], vector<16xi32>,
        %add3A_1679 = arith.constant 1 : i32
        %add3A_1680 = vector.broadcast %add3A_1679 : i32 to vector<16xi32>
        %add3A_1681 = arith.addi %mul3A_1666, %add3A_1680 : vector<16xi32>
        tpu.vector_store_idx %arg8[%shift_right_logical3A_1675, %and3A_1678], %add3A_1681 : memref<40x128xi32, #tpu.memory_space<vmem>>[vector<16xi32>, vector<16xi32>], vector<16xi32>,
        %mul3A_1682 = arith.constant 16 : i32
        %mul3A_1683 = arith.muli %scan3A_45, %mul3A_1682 : i32
        %add3A_1684 = arith.constant 4608 : i32
        %add3A_1685 = arith.addi %add3A_1684, %mul3A_1683 : i32
        %swap3A_1686 = arith.index_cast %add3A_1685 : i32 to index
        %swap3A_1687 = tpu.vector_load %arg9[%swap3A_1686] {strides = array<i32>} : memref<5120xf32, #tpu.memory_space<vmem>>, vector<16xf32>,
        tpu.vector_store %arg9[%swap3A_1686], %mul3A_1663 {strides = array<i32>} : memref<5120xf32, #tpu.memory_space<vmem>>, vector<16xf32>,
        %xor3A_1688 = arith.xori %add3A_1510, %mul3A_1513 : vector<16xi32>
        %xor3A_1689 = arith.xori %xor3A_1688, %add3A_1522 : vector<16xi32>
        %and3A_1690 = arith.constant 524287 : i32
        %and3A_1691 = vector.broadcast %and3A_1690 : i32 to vector<16xi32>
        %and3A_1692 = arith.andi %xor3A_1689, %and3A_1691 : vector<16xi32>
        %add3A_1693 = arith.constant 1364051 : i32
        %add3A_1694 = vector.broadcast %add3A_1693 : i32 to vector<16xi32>
        %add3A_1695 = arith.addi %and3A_1692, %add3A_1694 : vector<16xi32>
        %mul3A_1696 = arith.mulf %mul3A_1505, %sub3A_1494 : vector<16xf32>
        %mul3A_1697 = arith.constant 2 : i32
        %mul3A_1698 = vector.broadcast %mul3A_1697 : i32 to vector<16xi32>
        %mul3A_1699 = arith.muli %add3A_1695, %mul3A_1698 : vector<16xi32>
        %mul3A_1700 = arith.constant 16 : i32
        %mul3A_1701 = arith.muli %scan3A_45, %mul3A_1700 : i32
        %add3A_1702 = arith.constant 4736 : i32
        %add3A_1703 = arith.addi %add3A_1702, %mul3A_1701 : i32
        %add3A_1704 = vector.broadcast %add3A_1703 : i32 to vector<16xi32>
        %add3A_1705 = arith.addi %add3A_1704, %iota3A : vector<16xi32>
        %shift_right_logical3A_1706 = arith.constant 7 : i32
        %shift_right_logical3A_1707 = vector.broadcast %shift_right_logical3A_1706 : i32 to vector<16xi32>
        %shift_right_logical3A_1708 = arith.shrui %add3A_1705, %shift_right_logical3A_1707 : vector<16xi32>
        %and3A_1709 = arith.constant 127 : i32
        %and3A_1710 = vector.broadcast %and3A_1709 : i32 to vector<16xi32>
        %and3A_1711 = arith.andi %add3A_1705, %and3A_1710 : vector<16xi32>
        tpu.vector_store_idx %arg7[%shift_right_logical3A_1708, %and3A_1711], %mul3A_1699 : memref<40x128xi32, #tpu.memory_space<vmem>>[vector<16xi32>, vector<16xi32>], vector<16xi32>,
        %add3A_1712 = arith.constant 1 : i32
        %add3A_1713 = vector.broadcast %add3A_1712 : i32 to vector<16xi32>
        %add3A_1714 = arith.addi %mul3A_1699, %add3A_1713 : vector<16xi32>
        tpu.vector_store_idx %arg8[%shift_right_logical3A_1708, %and3A_1711], %add3A_1714 : memref<40x128xi32, #tpu.memory_space<vmem>>[vector<16xi32>, vector<16xi32>], vector<16xi32>,
        %mul3A_1715 = arith.constant 16 : i32
        %mul3A_1716 = arith.muli %scan3A_45, %mul3A_1715 : i32
        %add3A_1717 = arith.constant 4736 : i32
        %add3A_1718 = arith.addi %add3A_1717, %mul3A_1716 : i32
        %swap3A_1719 = arith.index_cast %add3A_1718 : i32 to index
        %swap3A_1720 = tpu.vector_load %arg9[%swap3A_1719] {strides = array<i32>} : memref<5120xf32, #tpu.memory_space<vmem>>, vector<16xf32>,
        tpu.vector_store %arg9[%swap3A_1719], %mul3A_1696 {strides = array<i32>} : memref<5120xf32, #tpu.memory_space<vmem>>, vector<16xf32>,
        %xor3A_1721 = arith.xori %convert_element_type3A_1486, %add3A_1519 : vector<16xi32>
        %xor3A_1722 = arith.xori %xor3A_1721, %add3A_1522 : vector<16xi32>
        %and3A_1723 = arith.constant 524287 : i32
        %and3A_1724 = vector.broadcast %and3A_1723 : i32 to vector<16xi32>
        %and3A_1725 = arith.andi %xor3A_1722, %and3A_1724 : vector<16xi32>
        %add3A_1726 = arith.constant 1364051 : i32
        %add3A_1727 = vector.broadcast %add3A_1726 : i32 to vector<16xi32>
        %add3A_1728 = arith.addi %and3A_1725, %add3A_1727 : vector<16xi32>
        %mul3A_1729 = arith.mulf %mul3A_1506, %sub3A_1494 : vector<16xf32>
        %mul3A_1730 = arith.constant 2 : i32
        %mul3A_1731 = vector.broadcast %mul3A_1730 : i32 to vector<16xi32>
        %mul3A_1732 = arith.muli %add3A_1728, %mul3A_1731 : vector<16xi32>
        %mul3A_1733 = arith.constant 16 : i32
        %mul3A_1734 = arith.muli %scan3A_45, %mul3A_1733 : i32
        %add3A_1735 = arith.constant 4864 : i32
        %add3A_1736 = arith.addi %add3A_1735, %mul3A_1734 : i32
        %add3A_1737 = vector.broadcast %add3A_1736 : i32 to vector<16xi32>
        %add3A_1738 = arith.addi %add3A_1737, %iota3A : vector<16xi32>
        %shift_right_logical3A_1739 = arith.constant 7 : i32
        %shift_right_logical3A_1740 = vector.broadcast %shift_right_logical3A_1739 : i32 to vector<16xi32>
        %shift_right_logical3A_1741 = arith.shrui %add3A_1738, %shift_right_logical3A_1740 : vector<16xi32>
        %and3A_1742 = arith.constant 127 : i32
        %and3A_1743 = vector.broadcast %and3A_1742 : i32 to vector<16xi32>
        %and3A_1744 = arith.andi %add3A_1738, %and3A_1743 : vector<16xi32>
        tpu.vector_store_idx %arg7[%shift_right_logical3A_1741, %and3A_1744], %mul3A_1732 : memref<40x128xi32, #tpu.memory_space<vmem>>[vector<16xi32>, vector<16xi32>], vector<16xi32>,
        %add3A_1745 = arith.constant 1 : i32
        %add3A_1746 = vector.broadcast %add3A_1745 : i32 to vector<16xi32>
        %add3A_1747 = arith.addi %mul3A_1732, %add3A_1746 : vector<16xi32>
        tpu.vector_store_idx %arg8[%shift_right_logical3A_1741, %and3A_1744], %add3A_1747 : memref<40x128xi32, #tpu.memory_space<vmem>>[vector<16xi32>, vector<16xi32>], vector<16xi32>,
        %mul3A_1748 = arith.constant 16 : i32
        %mul3A_1749 = arith.muli %scan3A_45, %mul3A_1748 : i32
        %add3A_1750 = arith.constant 4864 : i32
        %add3A_1751 = arith.addi %add3A_1750, %mul3A_1749 : i32
        %swap3A_1752 = arith.index_cast %add3A_1751 : i32 to index
        %swap3A_1753 = tpu.vector_load %arg9[%swap3A_1752] {strides = array<i32>} : memref<5120xf32, #tpu.memory_space<vmem>>, vector<16xf32>,
        tpu.vector_store %arg9[%swap3A_1752], %mul3A_1729 {strides = array<i32>} : memref<5120xf32, #tpu.memory_space<vmem>>, vector<16xf32>,
        %xor3A_1754 = arith.xori %add3A_1510, %add3A_1519 : vector<16xi32>
        %xor3A_1755 = arith.xori %xor3A_1754, %add3A_1522 : vector<16xi32>
        %and3A_1756 = arith.constant 524287 : i32
        %and3A_1757 = vector.broadcast %and3A_1756 : i32 to vector<16xi32>
        %and3A_1758 = arith.andi %xor3A_1755, %and3A_1757 : vector<16xi32>
        %add3A_1759 = arith.constant 1364051 : i32
        %add3A_1760 = vector.broadcast %add3A_1759 : i32 to vector<16xi32>
        %add3A_1761 = arith.addi %and3A_1758, %add3A_1760 : vector<16xi32>
        %mul3A_1762 = arith.mulf %mul3A_1507, %sub3A_1494 : vector<16xf32>
        %mul3A_1763 = arith.constant 2 : i32
        %mul3A_1764 = vector.broadcast %mul3A_1763 : i32 to vector<16xi32>
        %mul3A_1765 = arith.muli %add3A_1761, %mul3A_1764 : vector<16xi32>
        %mul3A_1766 = arith.constant 16 : i32
        %mul3A_1767 = arith.muli %scan3A_45, %mul3A_1766 : i32
        %add3A_1768 = arith.constant 4992 : i32
        %add3A_1769 = arith.addi %add3A_1768, %mul3A_1767 : i32
        %add3A_1770 = vector.broadcast %add3A_1769 : i32 to vector<16xi32>
        %add3A_1771 = arith.addi %add3A_1770, %iota3A : vector<16xi32>
        %shift_right_logical3A_1772 = arith.constant 7 : i32
        %shift_right_logical3A_1773 = vector.broadcast %shift_right_logical3A_1772 : i32 to vector<16xi32>
        %shift_right_logical3A_1774 = arith.shrui %add3A_1771, %shift_right_logical3A_1773 : vector<16xi32>
        %and3A_1775 = arith.constant 127 : i32
        %and3A_1776 = vector.broadcast %and3A_1775 : i32 to vector<16xi32>
        %and3A_1777 = arith.andi %add3A_1771, %and3A_1776 : vector<16xi32>
        tpu.vector_store_idx %arg7[%shift_right_logical3A_1774, %and3A_1777], %mul3A_1765 : memref<40x128xi32, #tpu.memory_space<vmem>>[vector<16xi32>, vector<16xi32>], vector<16xi32>,
        %add3A_1778 = arith.constant 1 : i32
        %add3A_1779 = vector.broadcast %add3A_1778 : i32 to vector<16xi32>
        %add3A_1780 = arith.addi %mul3A_1765, %add3A_1779 : vector<16xi32>
        tpu.vector_store_idx %arg8[%shift_right_logical3A_1774, %and3A_1777], %add3A_1780 : memref<40x128xi32, #tpu.memory_space<vmem>>[vector<16xi32>, vector<16xi32>], vector<16xi32>,
        %mul3A_1781 = arith.constant 16 : i32
        %mul3A_1782 = arith.muli %scan3A_45, %mul3A_1781 : i32
        %add3A_1783 = arith.constant 4992 : i32
        %add3A_1784 = arith.addi %add3A_1783, %mul3A_1782 : i32
        %swap3A_1785 = arith.index_cast %add3A_1784 : i32 to index
        %swap3A_1786 = tpu.vector_load %arg9[%swap3A_1785] {strides = array<i32>} : memref<5120xf32, #tpu.memory_space<vmem>>, vector<16xf32>,
        tpu.vector_store %arg9[%swap3A_1785], %mul3A_1762 {strides = array<i32>} : memref<5120xf32, #tpu.memory_space<vmem>>, vector<16xf32>,
      }
      %scan3A_27 = arith.constant 8 : i32
      %scan3A_28 = arith.constant 0 : i32
      %scan3A_29 = arith.constant 40 : i32
      %scan3A_30 = arith.addi %scan3A_28, %scan3A_29 : i32
      %scan3A_31 = arith.constant 1 : i32
      scf.for %scan3A_45 = %scan3A_28 to %scan3A_30 step %scan3A_31  : i32 {
        %dma_start3A = arith.constant 0 : i32
        %dma_start3A_46 = tpu.memref_slice %arg10[%scan3A_45, %dma_start3A] : memref<40x128xf32, #tpu.memory_space<vmem>> -> memref<1x128xf32, #tpu.memory_space<vmem>>
        %dma_start3A_47 = tpu.memref_squeeze %dma_start3A_46 : memref<1x128xf32, #tpu.memory_space<vmem>> -> memref<128xf32, #tpu.memory_space<vmem>>
        %dma_start3A_48 = arith.constant 0 : i32
        %dma_start3A_49 = tpu.memref_slice %arg7[%scan3A_45, %dma_start3A_48] : memref<40x128xi32, #tpu.memory_space<vmem>> -> memref<1x128xi32, #tpu.memory_space<vmem>>
        %dma_start3A_50 = tpu.memref_squeeze %dma_start3A_49 : memref<1x128xi32, #tpu.memory_space<vmem>> -> memref<128xi32, #tpu.memory_space<vmem>>
        %dma_start3A_51 = arith.constant 0 : i32
        %dma_start3A_52 = tpu.memref_slice %arg3[%dma_start3A_51] : memref<10068134xf32, #tpu.memory_space<hbm>> -> memref<10068134xf32, #tpu.memory_space<hbm>>
        tpu.enqueue_indirect_dma source(%dma_start3A_52 : memref<10068134xf32, #tpu.memory_space<hbm>>) target(%dma_start3A_47 : memref<128xf32, #tpu.memory_space<vmem>>) offsets(%dma_start3A_50 : memref<128xi32, #tpu.memory_space<vmem>>) semaphore(%arg13 : memref<!tpu.dma_semaphore, #tpu.memory_space<semaphore_mem>>)
        %dma_start3A_53 = arith.constant 0 : i32
        %dma_start3A_54 = tpu.memref_slice %arg11[%scan3A_45, %dma_start3A_53] : memref<40x128xf32, #tpu.memory_space<vmem>> -> memref<1x128xf32, #tpu.memory_space<vmem>>
        %dma_start3A_55 = tpu.memref_squeeze %dma_start3A_54 : memref<1x128xf32, #tpu.memory_space<vmem>> -> memref<128xf32, #tpu.memory_space<vmem>>
        %dma_start3A_56 = arith.constant 0 : i32
        %dma_start3A_57 = tpu.memref_slice %arg8[%scan3A_45, %dma_start3A_56] : memref<40x128xi32, #tpu.memory_space<vmem>> -> memref<1x128xi32, #tpu.memory_space<vmem>>
        %dma_start3A_58 = tpu.memref_squeeze %dma_start3A_57 : memref<1x128xi32, #tpu.memory_space<vmem>> -> memref<128xi32, #tpu.memory_space<vmem>>
        %dma_start3A_59 = arith.constant 0 : i32
        %dma_start3A_60 = tpu.memref_slice %arg3[%dma_start3A_59] : memref<10068134xf32, #tpu.memory_space<hbm>> -> memref<10068134xf32, #tpu.memory_space<hbm>>
        tpu.enqueue_indirect_dma source(%dma_start3A_60 : memref<10068134xf32, #tpu.memory_space<hbm>>) target(%dma_start3A_55 : memref<128xf32, #tpu.memory_space<vmem>>) offsets(%dma_start3A_58 : memref<128xi32, #tpu.memory_space<vmem>>) semaphore(%arg13 : memref<!tpu.dma_semaphore, #tpu.memory_space<semaphore_mem>>)
      }
      %scan3A_32 = arith.constant 40 : i32
      %scan3A_33 = arith.constant 0 : i32
      %scan3A_34 = arith.constant 40 : i32
      %scan3A_35 = arith.addi %scan3A_33, %scan3A_34 : i32
      %scan3A_36 = arith.constant 1 : i32
      scf.for %scan3A_45 = %scan3A_33 to %scan3A_35 step %scan3A_36  : i32 {
        %dma_wait3A = arith.constant 0 : i32
        %dma_wait3A_46 = tpu.memref_slice %arg10[%scan3A_45, %dma_wait3A] : memref<40x128xf32, #tpu.memory_space<vmem>> -> memref<1x128xf32, #tpu.memory_space<vmem>>
        %dma_wait3A_47 = tpu.memref_squeeze %dma_wait3A_46 : memref<1x128xf32, #tpu.memory_space<vmem>> -> memref<128xf32, #tpu.memory_space<vmem>>
        %dma_wait3A_48 = arith.constant 0 : i32
        %dma_wait3A_49 = tpu.memref_slice %arg7[%scan3A_45, %dma_wait3A_48] : memref<40x128xi32, #tpu.memory_space<vmem>> -> memref<1x128xi32, #tpu.memory_space<vmem>>
        %dma_wait3A_50 = tpu.memref_squeeze %dma_wait3A_49 : memref<1x128xi32, #tpu.memory_space<vmem>> -> memref<128xi32, #tpu.memory_space<vmem>>
        %dma_wait3A_51 = arith.constant 0 : i32
        %dma_wait3A_52 = tpu.memref_slice %arg3[%dma_wait3A_51] : memref<10068134xf32, #tpu.memory_space<hbm>> -> memref<10068134xf32, #tpu.memory_space<hbm>>
        tpu.wait_indirect_dma semaphore(%arg13 : memref<!tpu.dma_semaphore, #tpu.memory_space<semaphore_mem>>) src(%dma_wait3A_52 : memref<10068134xf32, #tpu.memory_space<hbm>>) dst(%dma_wait3A_47 : memref<128xf32, #tpu.memory_space<vmem>>)
        %dma_wait3A_53 = arith.constant 0 : i32
        %dma_wait3A_54 = tpu.memref_slice %arg11[%scan3A_45, %dma_wait3A_53] : memref<40x128xf32, #tpu.memory_space<vmem>> -> memref<1x128xf32, #tpu.memory_space<vmem>>
        %dma_wait3A_55 = tpu.memref_squeeze %dma_wait3A_54 : memref<1x128xf32, #tpu.memory_space<vmem>> -> memref<128xf32, #tpu.memory_space<vmem>>
        %dma_wait3A_56 = arith.constant 0 : i32
        %dma_wait3A_57 = tpu.memref_slice %arg8[%scan3A_45, %dma_wait3A_56] : memref<40x128xi32, #tpu.memory_space<vmem>> -> memref<1x128xi32, #tpu.memory_space<vmem>>
        %dma_wait3A_58 = tpu.memref_squeeze %dma_wait3A_57 : memref<1x128xi32, #tpu.memory_space<vmem>> -> memref<128xi32, #tpu.memory_space<vmem>>
        %dma_wait3A_59 = arith.constant 0 : i32
        %dma_wait3A_60 = tpu.memref_slice %arg3[%dma_wait3A_59] : memref<10068134xf32, #tpu.memory_space<hbm>> -> memref<10068134xf32, #tpu.memory_space<hbm>>
        tpu.wait_indirect_dma semaphore(%arg13 : memref<!tpu.dma_semaphore, #tpu.memory_space<semaphore_mem>>) src(%dma_wait3A_60 : memref<10068134xf32, #tpu.memory_space<hbm>>) dst(%dma_wait3A_55 : memref<128xf32, #tpu.memory_space<vmem>>)
      }
      %scan3A_37 = arith.constant 40 : i32
      %scan3A_38 = arith.constant 0 : i32
      %scan3A_39 = arith.constant 8 : i32
      %scan3A_40 = arith.addi %scan3A_38, %scan3A_39 : i32
      %scan3A_41 = arith.constant 1 : i32
      scf.for %scan3A_45 = %scan3A_38 to %scan3A_40 step %scan3A_41  : i32 {
        %mul3A_46 = arith.constant 16 : i32
        %mul3A_47 = arith.muli %scan3A_45, %mul3A_46 : i32
        %add3A_48 = vector.broadcast %mul3A_47 : i32 to vector<16xi32>
        %add3A_49 = arith.addi %add3A_48, %iota3A : vector<16xi32>
        %mul3A_50 = arith.constant 24 : i32
        %mul3A_51 = vector.broadcast %mul3A_50 : i32 to vector<16xi32>
        %mul3A_52 = arith.muli %add3A_49, %mul3A_51 : vector<16xi32>
        %mul3A_53 = arith.constant 16 : i32
        %mul3A_54 = arith.muli %scan3A_45, %mul3A_53 : i32
        %add3A_55 = arith.constant 0 : i32
        %add3A_56 = arith.addi %add3A_55, %mul3A_54 : i32
        %get3A = arith.index_cast %add3A_56 : i32 to index
        %get3A_57 = tpu.vector_load %arg9[%get3A] {strides = array<i32>} : memref<5120xf32, #tpu.memory_space<vmem>>, vector<16xf32>,
        %mul3A_58 = arith.constant 16 : i32
        %mul3A_59 = arith.muli %scan3A_45, %mul3A_58 : i32
        %add3A_60 = arith.constant 0 : i32
        %add3A_61 = arith.addi %add3A_60, %mul3A_59 : i32
        %add3A_62 = vector.broadcast %add3A_61 : i32 to vector<16xi32>
        %add3A_63 = arith.addi %add3A_62, %iota3A : vector<16xi32>
        %shift_right_logical3A = arith.constant 7 : i32
        %shift_right_logical3A_64 = vector.broadcast %shift_right_logical3A : i32 to vector<16xi32>
        %shift_right_logical3A_65 = arith.shrui %add3A_63, %shift_right_logical3A_64 : vector<16xi32>
        %and3A = arith.constant 127 : i32
        %and3A_66 = vector.broadcast %and3A : i32 to vector<16xi32>
        %and3A_67 = arith.andi %add3A_63, %and3A_66 : vector<16xi32>
        %gather3A = tpu.vector_load_idx %arg10[%shift_right_logical3A_65, %and3A_67] : memref<40x128xf32, #tpu.memory_space<vmem>>[vector<16xi32>, vector<16xi32>], vector<16xf32>,
        %mul3A_68 = arith.mulf %get3A_57, %gather3A : vector<16xf32>
        %add3A_69 = arith.addf %broadcast_in_dim3A_1, %mul3A_68 : vector<16xf32>
        %gather3A_70 = tpu.vector_load_idx %arg11[%shift_right_logical3A_65, %and3A_67] : memref<40x128xf32, #tpu.memory_space<vmem>>[vector<16xi32>, vector<16xi32>], vector<16xf32>,
        %mul3A_71 = arith.mulf %get3A_57, %gather3A_70 : vector<16xf32>
        %add3A_72 = arith.addf %broadcast_in_dim3A_1, %mul3A_71 : vector<16xf32>
        %mul3A_73 = arith.constant 16 : i32
        %mul3A_74 = arith.muli %scan3A_45, %mul3A_73 : i32
        %add3A_75 = arith.constant 128 : i32
        %add3A_76 = arith.addi %add3A_75, %mul3A_74 : i32
        %get3A_77 = arith.index_cast %add3A_76 : i32 to index
        %get3A_78 = tpu.vector_load %arg9[%get3A_77] {strides = array<i32>} : memref<5120xf32, #tpu.memory_space<vmem>>, vector<16xf32>,
        %mul3A_79 = arith.constant 16 : i32
        %mul3A_80 = arith.muli %scan3A_45, %mul3A_79 : i32
        %add3A_81 = arith.constant 128 : i32
        %add3A_82 = arith.addi %add3A_81, %mul3A_80 : i32
        %add3A_83 = vector.broadcast %add3A_82 : i32 to vector<16xi32>
        %add3A_84 = arith.addi %add3A_83, %iota3A : vector<16xi32>
        %shift_right_logical3A_85 = arith.constant 7 : i32
        %shift_right_logical3A_86 = vector.broadcast %shift_right_logical3A_85 : i32 to vector<16xi32>
        %shift_right_logical3A_87 = arith.shrui %add3A_84, %shift_right_logical3A_86 : vector<16xi32>
        %and3A_88 = arith.constant 127 : i32
        %and3A_89 = vector.broadcast %and3A_88 : i32 to vector<16xi32>
        %and3A_90 = arith.andi %add3A_84, %and3A_89 : vector<16xi32>
        %gather3A_91 = tpu.vector_load_idx %arg10[%shift_right_logical3A_87, %and3A_90] : memref<40x128xf32, #tpu.memory_space<vmem>>[vector<16xi32>, vector<16xi32>], vector<16xf32>,
        %mul3A_92 = arith.mulf %get3A_78, %gather3A_91 : vector<16xf32>
        %add3A_93 = arith.addf %add3A_69, %mul3A_92 : vector<16xf32>
        %gather3A_94 = tpu.vector_load_idx %arg11[%shift_right_logical3A_87, %and3A_90] : memref<40x128xf32, #tpu.memory_space<vmem>>[vector<16xi32>, vector<16xi32>], vector<16xf32>,
        %mul3A_95 = arith.mulf %get3A_78, %gather3A_94 : vector<16xf32>
        %add3A_96 = arith.addf %add3A_72, %mul3A_95 : vector<16xf32>
        %mul3A_97 = arith.constant 16 : i32
        %mul3A_98 = arith.muli %scan3A_45, %mul3A_97 : i32
        %add3A_99 = arith.constant 256 : i32
        %add3A_100 = arith.addi %add3A_99, %mul3A_98 : i32
        %get3A_101 = arith.index_cast %add3A_100 : i32 to index
        %get3A_102 = tpu.vector_load %arg9[%get3A_101] {strides = array<i32>} : memref<5120xf32, #tpu.memory_space<vmem>>, vector<16xf32>,
        %mul3A_103 = arith.constant 16 : i32
        %mul3A_104 = arith.muli %scan3A_45, %mul3A_103 : i32
        %add3A_105 = arith.constant 256 : i32
        %add3A_106 = arith.addi %add3A_105, %mul3A_104 : i32
        %add3A_107 = vector.broadcast %add3A_106 : i32 to vector<16xi32>
        %add3A_108 = arith.addi %add3A_107, %iota3A : vector<16xi32>
        %shift_right_logical3A_109 = arith.constant 7 : i32
        %shift_right_logical3A_110 = vector.broadcast %shift_right_logical3A_109 : i32 to vector<16xi32>
        %shift_right_logical3A_111 = arith.shrui %add3A_108, %shift_right_logical3A_110 : vector<16xi32>
        %and3A_112 = arith.constant 127 : i32
        %and3A_113 = vector.broadcast %and3A_112 : i32 to vector<16xi32>
        %and3A_114 = arith.andi %add3A_108, %and3A_113 : vector<16xi32>
        %gather3A_115 = tpu.vector_load_idx %arg10[%shift_right_logical3A_111, %and3A_114] : memref<40x128xf32, #tpu.memory_space<vmem>>[vector<16xi32>, vector<16xi32>], vector<16xf32>,
        %mul3A_116 = arith.mulf %get3A_102, %gather3A_115 : vector<16xf32>
        %add3A_117 = arith.addf %add3A_93, %mul3A_116 : vector<16xf32>
        %gather3A_118 = tpu.vector_load_idx %arg11[%shift_right_logical3A_111, %and3A_114] : memref<40x128xf32, #tpu.memory_space<vmem>>[vector<16xi32>, vector<16xi32>], vector<16xf32>,
        %mul3A_119 = arith.mulf %get3A_102, %gather3A_118 : vector<16xf32>
        %add3A_120 = arith.addf %add3A_96, %mul3A_119 : vector<16xf32>
        %mul3A_121 = arith.constant 16 : i32
        %mul3A_122 = arith.muli %scan3A_45, %mul3A_121 : i32
        %add3A_123 = arith.constant 384 : i32
        %add3A_124 = arith.addi %add3A_123, %mul3A_122 : i32
        %get3A_125 = arith.index_cast %add3A_124 : i32 to index
        %get3A_126 = tpu.vector_load %arg9[%get3A_125] {strides = array<i32>} : memref<5120xf32, #tpu.memory_space<vmem>>, vector<16xf32>,
        %mul3A_127 = arith.constant 16 : i32
        %mul3A_128 = arith.muli %scan3A_45, %mul3A_127 : i32
        %add3A_129 = arith.constant 384 : i32
        %add3A_130 = arith.addi %add3A_129, %mul3A_128 : i32
        %add3A_131 = vector.broadcast %add3A_130 : i32 to vector<16xi32>
        %add3A_132 = arith.addi %add3A_131, %iota3A : vector<16xi32>
        %shift_right_logical3A_133 = arith.constant 7 : i32
        %shift_right_logical3A_134 = vector.broadcast %shift_right_logical3A_133 : i32 to vector<16xi32>
        %shift_right_logical3A_135 = arith.shrui %add3A_132, %shift_right_logical3A_134 : vector<16xi32>
        %and3A_136 = arith.constant 127 : i32
        %and3A_137 = vector.broadcast %and3A_136 : i32 to vector<16xi32>
        %and3A_138 = arith.andi %add3A_132, %and3A_137 : vector<16xi32>
        %gather3A_139 = tpu.vector_load_idx %arg10[%shift_right_logical3A_135, %and3A_138] : memref<40x128xf32, #tpu.memory_space<vmem>>[vector<16xi32>, vector<16xi32>], vector<16xf32>,
        %mul3A_140 = arith.mulf %get3A_126, %gather3A_139 : vector<16xf32>
        %add3A_141 = arith.addf %add3A_117, %mul3A_140 : vector<16xf32>
        %gather3A_142 = tpu.vector_load_idx %arg11[%shift_right_logical3A_135, %and3A_138] : memref<40x128xf32, #tpu.memory_space<vmem>>[vector<16xi32>, vector<16xi32>], vector<16xf32>,
        %mul3A_143 = arith.mulf %get3A_126, %gather3A_142 : vector<16xf32>
        %add3A_144 = arith.addf %add3A_120, %mul3A_143 : vector<16xf32>
        %mul3A_145 = arith.constant 16 : i32
        %mul3A_146 = arith.muli %scan3A_45, %mul3A_145 : i32
        %add3A_147 = arith.constant 512 : i32
        %add3A_148 = arith.addi %add3A_147, %mul3A_146 : i32
        %get3A_149 = arith.index_cast %add3A_148 : i32 to index
        %get3A_150 = tpu.vector_load %arg9[%get3A_149] {strides = array<i32>} : memref<5120xf32, #tpu.memory_space<vmem>>, vector<16xf32>,
        %mul3A_151 = arith.constant 16 : i32
        %mul3A_152 = arith.muli %scan3A_45, %mul3A_151 : i32
        %add3A_153 = arith.constant 512 : i32
        %add3A_154 = arith.addi %add3A_153, %mul3A_152 : i32
        %add3A_155 = vector.broadcast %add3A_154 : i32 to vector<16xi32>
        %add3A_156 = arith.addi %add3A_155, %iota3A : vector<16xi32>
        %shift_right_logical3A_157 = arith.constant 7 : i32
        %shift_right_logical3A_158 = vector.broadcast %shift_right_logical3A_157 : i32 to vector<16xi32>
        %shift_right_logical3A_159 = arith.shrui %add3A_156, %shift_right_logical3A_158 : vector<16xi32>
        %and3A_160 = arith.constant 127 : i32
        %and3A_161 = vector.broadcast %and3A_160 : i32 to vector<16xi32>
        %and3A_162 = arith.andi %add3A_156, %and3A_161 : vector<16xi32>
        %gather3A_163 = tpu.vector_load_idx %arg10[%shift_right_logical3A_159, %and3A_162] : memref<40x128xf32, #tpu.memory_space<vmem>>[vector<16xi32>, vector<16xi32>], vector<16xf32>,
        %mul3A_164 = arith.mulf %get3A_150, %gather3A_163 : vector<16xf32>
        %add3A_165 = arith.addf %add3A_141, %mul3A_164 : vector<16xf32>
        %gather3A_166 = tpu.vector_load_idx %arg11[%shift_right_logical3A_159, %and3A_162] : memref<40x128xf32, #tpu.memory_space<vmem>>[vector<16xi32>, vector<16xi32>], vector<16xf32>,
        %mul3A_167 = arith.mulf %get3A_150, %gather3A_166 : vector<16xf32>
        %add3A_168 = arith.addf %add3A_144, %mul3A_167 : vector<16xf32>
        %mul3A_169 = arith.constant 16 : i32
        %mul3A_170 = arith.muli %scan3A_45, %mul3A_169 : i32
        %add3A_171 = arith.constant 640 : i32
        %add3A_172 = arith.addi %add3A_171, %mul3A_170 : i32
        %get3A_173 = arith.index_cast %add3A_172 : i32 to index
        %get3A_174 = tpu.vector_load %arg9[%get3A_173] {strides = array<i32>} : memref<5120xf32, #tpu.memory_space<vmem>>, vector<16xf32>,
        %mul3A_175 = arith.constant 16 : i32
        %mul3A_176 = arith.muli %scan3A_45, %mul3A_175 : i32
        %add3A_177 = arith.constant 640 : i32
        %add3A_178 = arith.addi %add3A_177, %mul3A_176 : i32
        %add3A_179 = vector.broadcast %add3A_178 : i32 to vector<16xi32>
        %add3A_180 = arith.addi %add3A_179, %iota3A : vector<16xi32>
        %shift_right_logical3A_181 = arith.constant 7 : i32
        %shift_right_logical3A_182 = vector.broadcast %shift_right_logical3A_181 : i32 to vector<16xi32>
        %shift_right_logical3A_183 = arith.shrui %add3A_180, %shift_right_logical3A_182 : vector<16xi32>
        %and3A_184 = arith.constant 127 : i32
        %and3A_185 = vector.broadcast %and3A_184 : i32 to vector<16xi32>
        %and3A_186 = arith.andi %add3A_180, %and3A_185 : vector<16xi32>
        %gather3A_187 = tpu.vector_load_idx %arg10[%shift_right_logical3A_183, %and3A_186] : memref<40x128xf32, #tpu.memory_space<vmem>>[vector<16xi32>, vector<16xi32>], vector<16xf32>,
        %mul3A_188 = arith.mulf %get3A_174, %gather3A_187 : vector<16xf32>
        %add3A_189 = arith.addf %add3A_165, %mul3A_188 : vector<16xf32>
        %gather3A_190 = tpu.vector_load_idx %arg11[%shift_right_logical3A_183, %and3A_186] : memref<40x128xf32, #tpu.memory_space<vmem>>[vector<16xi32>, vector<16xi32>], vector<16xf32>,
        %mul3A_191 = arith.mulf %get3A_174, %gather3A_190 : vector<16xf32>
        %add3A_192 = arith.addf %add3A_168, %mul3A_191 : vector<16xf32>
        %mul3A_193 = arith.constant 16 : i32
        %mul3A_194 = arith.muli %scan3A_45, %mul3A_193 : i32
        %add3A_195 = arith.constant 768 : i32
        %add3A_196 = arith.addi %add3A_195, %mul3A_194 : i32
        %get3A_197 = arith.index_cast %add3A_196 : i32 to index
        %get3A_198 = tpu.vector_load %arg9[%get3A_197] {strides = array<i32>} : memref<5120xf32, #tpu.memory_space<vmem>>, vector<16xf32>,
        %mul3A_199 = arith.constant 16 : i32
        %mul3A_200 = arith.muli %scan3A_45, %mul3A_199 : i32
        %add3A_201 = arith.constant 768 : i32
        %add3A_202 = arith.addi %add3A_201, %mul3A_200 : i32
        %add3A_203 = vector.broadcast %add3A_202 : i32 to vector<16xi32>
        %add3A_204 = arith.addi %add3A_203, %iota3A : vector<16xi32>
        %shift_right_logical3A_205 = arith.constant 7 : i32
        %shift_right_logical3A_206 = vector.broadcast %shift_right_logical3A_205 : i32 to vector<16xi32>
        %shift_right_logical3A_207 = arith.shrui %add3A_204, %shift_right_logical3A_206 : vector<16xi32>
        %and3A_208 = arith.constant 127 : i32
        %and3A_209 = vector.broadcast %and3A_208 : i32 to vector<16xi32>
        %and3A_210 = arith.andi %add3A_204, %and3A_209 : vector<16xi32>
        %gather3A_211 = tpu.vector_load_idx %arg10[%shift_right_logical3A_207, %and3A_210] : memref<40x128xf32, #tpu.memory_space<vmem>>[vector<16xi32>, vector<16xi32>], vector<16xf32>,
        %mul3A_212 = arith.mulf %get3A_198, %gather3A_211 : vector<16xf32>
        %add3A_213 = arith.addf %add3A_189, %mul3A_212 : vector<16xf32>
        %gather3A_214 = tpu.vector_load_idx %arg11[%shift_right_logical3A_207, %and3A_210] : memref<40x128xf32, #tpu.memory_space<vmem>>[vector<16xi32>, vector<16xi32>], vector<16xf32>,
        %mul3A_215 = arith.mulf %get3A_198, %gather3A_214 : vector<16xf32>
        %add3A_216 = arith.addf %add3A_192, %mul3A_215 : vector<16xf32>
        %mul3A_217 = arith.constant 16 : i32
        %mul3A_218 = arith.muli %scan3A_45, %mul3A_217 : i32
        %add3A_219 = arith.constant 896 : i32
        %add3A_220 = arith.addi %add3A_219, %mul3A_218 : i32
        %get3A_221 = arith.index_cast %add3A_220 : i32 to index
        %get3A_222 = tpu.vector_load %arg9[%get3A_221] {strides = array<i32>} : memref<5120xf32, #tpu.memory_space<vmem>>, vector<16xf32>,
        %mul3A_223 = arith.constant 16 : i32
        %mul3A_224 = arith.muli %scan3A_45, %mul3A_223 : i32
        %add3A_225 = arith.constant 896 : i32
        %add3A_226 = arith.addi %add3A_225, %mul3A_224 : i32
        %add3A_227 = vector.broadcast %add3A_226 : i32 to vector<16xi32>
        %add3A_228 = arith.addi %add3A_227, %iota3A : vector<16xi32>
        %shift_right_logical3A_229 = arith.constant 7 : i32
        %shift_right_logical3A_230 = vector.broadcast %shift_right_logical3A_229 : i32 to vector<16xi32>
        %shift_right_logical3A_231 = arith.shrui %add3A_228, %shift_right_logical3A_230 : vector<16xi32>
        %and3A_232 = arith.constant 127 : i32
        %and3A_233 = vector.broadcast %and3A_232 : i32 to vector<16xi32>
        %and3A_234 = arith.andi %add3A_228, %and3A_233 : vector<16xi32>
        %gather3A_235 = tpu.vector_load_idx %arg10[%shift_right_logical3A_231, %and3A_234] : memref<40x128xf32, #tpu.memory_space<vmem>>[vector<16xi32>, vector<16xi32>], vector<16xf32>,
        %mul3A_236 = arith.mulf %get3A_222, %gather3A_235 : vector<16xf32>
        %add3A_237 = arith.addf %add3A_213, %mul3A_236 : vector<16xf32>
        %gather3A_238 = tpu.vector_load_idx %arg11[%shift_right_logical3A_231, %and3A_234] : memref<40x128xf32, #tpu.memory_space<vmem>>[vector<16xi32>, vector<16xi32>], vector<16xf32>,
        %mul3A_239 = arith.mulf %get3A_222, %gather3A_238 : vector<16xf32>
        %add3A_240 = arith.addf %add3A_216, %mul3A_239 : vector<16xf32>
        %add3A_241 = arith.constant 2 : i32
        %add3A_242 = vector.broadcast %add3A_241 : i32 to vector<16xi32>
        %add3A_243 = arith.addi %mul3A_52, %add3A_242 : vector<16xi32>
        tpu.vector_store_idx %arg12[%add3A_243], %add3A_237 : memref<3072xf32, #tpu.memory_space<vmem>>[vector<16xi32>], vector<16xf32>,
        %add3A_244 = arith.constant 2 : i32
        %add3A_245 = vector.broadcast %add3A_244 : i32 to vector<16xi32>
        %add3A_246 = arith.addi %mul3A_52, %add3A_245 : vector<16xi32>
        %add3A_247 = arith.constant 1 : i32
        %add3A_248 = vector.broadcast %add3A_247 : i32 to vector<16xi32>
        %add3A_249 = arith.addi %add3A_246, %add3A_248 : vector<16xi32>
        tpu.vector_store_idx %arg12[%add3A_249], %add3A_240 : memref<3072xf32, #tpu.memory_space<vmem>>[vector<16xi32>], vector<16xf32>,
        %mul3A_250 = arith.constant 16 : i32
        %mul3A_251 = arith.muli %scan3A_45, %mul3A_250 : i32
        %add3A_252 = arith.constant 1024 : i32
        %add3A_253 = arith.addi %add3A_252, %mul3A_251 : i32
        %get3A_254 = arith.index_cast %add3A_253 : i32 to index
        %get3A_255 = tpu.vector_load %arg9[%get3A_254] {strides = array<i32>} : memref<5120xf32, #tpu.memory_space<vmem>>, vector<16xf32>,
        %mul3A_256 = arith.constant 16 : i32
        %mul3A_257 = arith.muli %scan3A_45, %mul3A_256 : i32
        %add3A_258 = arith.constant 1024 : i32
        %add3A_259 = arith.addi %add3A_258, %mul3A_257 : i32
        %add3A_260 = vector.broadcast %add3A_259 : i32 to vector<16xi32>
        %add3A_261 = arith.addi %add3A_260, %iota3A : vector<16xi32>
        %shift_right_logical3A_262 = arith.constant 7 : i32
        %shift_right_logical3A_263 = vector.broadcast %shift_right_logical3A_262 : i32 to vector<16xi32>
        %shift_right_logical3A_264 = arith.shrui %add3A_261, %shift_right_logical3A_263 : vector<16xi32>
        %and3A_265 = arith.constant 127 : i32
        %and3A_266 = vector.broadcast %and3A_265 : i32 to vector<16xi32>
        %and3A_267 = arith.andi %add3A_261, %and3A_266 : vector<16xi32>
        %gather3A_268 = tpu.vector_load_idx %arg10[%shift_right_logical3A_264, %and3A_267] : memref<40x128xf32, #tpu.memory_space<vmem>>[vector<16xi32>, vector<16xi32>], vector<16xf32>,
        %mul3A_269 = arith.mulf %get3A_255, %gather3A_268 : vector<16xf32>
        %add3A_270 = arith.addf %broadcast_in_dim3A_1, %mul3A_269 : vector<16xf32>
        %gather3A_271 = tpu.vector_load_idx %arg11[%shift_right_logical3A_264, %and3A_267] : memref<40x128xf32, #tpu.memory_space<vmem>>[vector<16xi32>, vector<16xi32>], vector<16xf32>,
        %mul3A_272 = arith.mulf %get3A_255, %gather3A_271 : vector<16xf32>
        %add3A_273 = arith.addf %broadcast_in_dim3A_1, %mul3A_272 : vector<16xf32>
        %mul3A_274 = arith.constant 16 : i32
        %mul3A_275 = arith.muli %scan3A_45, %mul3A_274 : i32
        %add3A_276 = arith.constant 1152 : i32
        %add3A_277 = arith.addi %add3A_276, %mul3A_275 : i32
        %get3A_278 = arith.index_cast %add3A_277 : i32 to index
        %get3A_279 = tpu.vector_load %arg9[%get3A_278] {strides = array<i32>} : memref<5120xf32, #tpu.memory_space<vmem>>, vector<16xf32>,
        %mul3A_280 = arith.constant 16 : i32
        %mul3A_281 = arith.muli %scan3A_45, %mul3A_280 : i32
        %add3A_282 = arith.constant 1152 : i32
        %add3A_283 = arith.addi %add3A_282, %mul3A_281 : i32
        %add3A_284 = vector.broadcast %add3A_283 : i32 to vector<16xi32>
        %add3A_285 = arith.addi %add3A_284, %iota3A : vector<16xi32>
        %shift_right_logical3A_286 = arith.constant 7 : i32
        %shift_right_logical3A_287 = vector.broadcast %shift_right_logical3A_286 : i32 to vector<16xi32>
        %shift_right_logical3A_288 = arith.shrui %add3A_285, %shift_right_logical3A_287 : vector<16xi32>
        %and3A_289 = arith.constant 127 : i32
        %and3A_290 = vector.broadcast %and3A_289 : i32 to vector<16xi32>
        %and3A_291 = arith.andi %add3A_285, %and3A_290 : vector<16xi32>
        %gather3A_292 = tpu.vector_load_idx %arg10[%shift_right_logical3A_288, %and3A_291] : memref<40x128xf32, #tpu.memory_space<vmem>>[vector<16xi32>, vector<16xi32>], vector<16xf32>,
        %mul3A_293 = arith.mulf %get3A_279, %gather3A_292 : vector<16xf32>
        %add3A_294 = arith.addf %add3A_270, %mul3A_293 : vector<16xf32>
        %gather3A_295 = tpu.vector_load_idx %arg11[%shift_right_logical3A_288, %and3A_291] : memref<40x128xf32, #tpu.memory_space<vmem>>[vector<16xi32>, vector<16xi32>], vector<16xf32>,
        %mul3A_296 = arith.mulf %get3A_279, %gather3A_295 : vector<16xf32>
        %add3A_297 = arith.addf %add3A_273, %mul3A_296 : vector<16xf32>
        %mul3A_298 = arith.constant 16 : i32
        %mul3A_299 = arith.muli %scan3A_45, %mul3A_298 : i32
        %add3A_300 = arith.constant 1280 : i32
        %add3A_301 = arith.addi %add3A_300, %mul3A_299 : i32
        %get3A_302 = arith.index_cast %add3A_301 : i32 to index
        %get3A_303 = tpu.vector_load %arg9[%get3A_302] {strides = array<i32>} : memref<5120xf32, #tpu.memory_space<vmem>>, vector<16xf32>,
        %mul3A_304 = arith.constant 16 : i32
        %mul3A_305 = arith.muli %scan3A_45, %mul3A_304 : i32
        %add3A_306 = arith.constant 1280 : i32
        %add3A_307 = arith.addi %add3A_306, %mul3A_305 : i32
        %add3A_308 = vector.broadcast %add3A_307 : i32 to vector<16xi32>
        %add3A_309 = arith.addi %add3A_308, %iota3A : vector<16xi32>
        %shift_right_logical3A_310 = arith.constant 7 : i32
        %shift_right_logical3A_311 = vector.broadcast %shift_right_logical3A_310 : i32 to vector<16xi32>
        %shift_right_logical3A_312 = arith.shrui %add3A_309, %shift_right_logical3A_311 : vector<16xi32>
        %and3A_313 = arith.constant 127 : i32
        %and3A_314 = vector.broadcast %and3A_313 : i32 to vector<16xi32>
        %and3A_315 = arith.andi %add3A_309, %and3A_314 : vector<16xi32>
        %gather3A_316 = tpu.vector_load_idx %arg10[%shift_right_logical3A_312, %and3A_315] : memref<40x128xf32, #tpu.memory_space<vmem>>[vector<16xi32>, vector<16xi32>], vector<16xf32>,
        %mul3A_317 = arith.mulf %get3A_303, %gather3A_316 : vector<16xf32>
        %add3A_318 = arith.addf %add3A_294, %mul3A_317 : vector<16xf32>
        %gather3A_319 = tpu.vector_load_idx %arg11[%shift_right_logical3A_312, %and3A_315] : memref<40x128xf32, #tpu.memory_space<vmem>>[vector<16xi32>, vector<16xi32>], vector<16xf32>,
        %mul3A_320 = arith.mulf %get3A_303, %gather3A_319 : vector<16xf32>
        %add3A_321 = arith.addf %add3A_297, %mul3A_320 : vector<16xf32>
        %mul3A_322 = arith.constant 16 : i32
        %mul3A_323 = arith.muli %scan3A_45, %mul3A_322 : i32
        %add3A_324 = arith.constant 1408 : i32
        %add3A_325 = arith.addi %add3A_324, %mul3A_323 : i32
        %get3A_326 = arith.index_cast %add3A_325 : i32 to index
        %get3A_327 = tpu.vector_load %arg9[%get3A_326] {strides = array<i32>} : memref<5120xf32, #tpu.memory_space<vmem>>, vector<16xf32>,
        %mul3A_328 = arith.constant 16 : i32
        %mul3A_329 = arith.muli %scan3A_45, %mul3A_328 : i32
        %add3A_330 = arith.constant 1408 : i32
        %add3A_331 = arith.addi %add3A_330, %mul3A_329 : i32
        %add3A_332 = vector.broadcast %add3A_331 : i32 to vector<16xi32>
        %add3A_333 = arith.addi %add3A_332, %iota3A : vector<16xi32>
        %shift_right_logical3A_334 = arith.constant 7 : i32
        %shift_right_logical3A_335 = vector.broadcast %shift_right_logical3A_334 : i32 to vector<16xi32>
        %shift_right_logical3A_336 = arith.shrui %add3A_333, %shift_right_logical3A_335 : vector<16xi32>
        %and3A_337 = arith.constant 127 : i32
        %and3A_338 = vector.broadcast %and3A_337 : i32 to vector<16xi32>
        %and3A_339 = arith.andi %add3A_333, %and3A_338 : vector<16xi32>
        %gather3A_340 = tpu.vector_load_idx %arg10[%shift_right_logical3A_336, %and3A_339] : memref<40x128xf32, #tpu.memory_space<vmem>>[vector<16xi32>, vector<16xi32>], vector<16xf32>,
        %mul3A_341 = arith.mulf %get3A_327, %gather3A_340 : vector<16xf32>
        %add3A_342 = arith.addf %add3A_318, %mul3A_341 : vector<16xf32>
        %gather3A_343 = tpu.vector_load_idx %arg11[%shift_right_logical3A_336, %and3A_339] : memref<40x128xf32, #tpu.memory_space<vmem>>[vector<16xi32>, vector<16xi32>], vector<16xf32>,
        %mul3A_344 = arith.mulf %get3A_327, %gather3A_343 : vector<16xf32>
        %add3A_345 = arith.addf %add3A_321, %mul3A_344 : vector<16xf32>
        %mul3A_346 = arith.constant 16 : i32
        %mul3A_347 = arith.muli %scan3A_45, %mul3A_346 : i32
        %add3A_348 = arith.constant 1536 : i32
        %add3A_349 = arith.addi %add3A_348, %mul3A_347 : i32
        %get3A_350 = arith.index_cast %add3A_349 : i32 to index
        %get3A_351 = tpu.vector_load %arg9[%get3A_350] {strides = array<i32>} : memref<5120xf32, #tpu.memory_space<vmem>>, vector<16xf32>,
        %mul3A_352 = arith.constant 16 : i32
        %mul3A_353 = arith.muli %scan3A_45, %mul3A_352 : i32
        %add3A_354 = arith.constant 1536 : i32
        %add3A_355 = arith.addi %add3A_354, %mul3A_353 : i32
        %add3A_356 = vector.broadcast %add3A_355 : i32 to vector<16xi32>
        %add3A_357 = arith.addi %add3A_356, %iota3A : vector<16xi32>
        %shift_right_logical3A_358 = arith.constant 7 : i32
        %shift_right_logical3A_359 = vector.broadcast %shift_right_logical3A_358 : i32 to vector<16xi32>
        %shift_right_logical3A_360 = arith.shrui %add3A_357, %shift_right_logical3A_359 : vector<16xi32>
        %and3A_361 = arith.constant 127 : i32
        %and3A_362 = vector.broadcast %and3A_361 : i32 to vector<16xi32>
        %and3A_363 = arith.andi %add3A_357, %and3A_362 : vector<16xi32>
        %gather3A_364 = tpu.vector_load_idx %arg10[%shift_right_logical3A_360, %and3A_363] : memref<40x128xf32, #tpu.memory_space<vmem>>[vector<16xi32>, vector<16xi32>], vector<16xf32>,
        %mul3A_365 = arith.mulf %get3A_351, %gather3A_364 : vector<16xf32>
        %add3A_366 = arith.addf %add3A_342, %mul3A_365 : vector<16xf32>
        %gather3A_367 = tpu.vector_load_idx %arg11[%shift_right_logical3A_360, %and3A_363] : memref<40x128xf32, #tpu.memory_space<vmem>>[vector<16xi32>, vector<16xi32>], vector<16xf32>,
        %mul3A_368 = arith.mulf %get3A_351, %gather3A_367 : vector<16xf32>
        %add3A_369 = arith.addf %add3A_345, %mul3A_368 : vector<16xf32>
        %mul3A_370 = arith.constant 16 : i32
        %mul3A_371 = arith.muli %scan3A_45, %mul3A_370 : i32
        %add3A_372 = arith.constant 1664 : i32
        %add3A_373 = arith.addi %add3A_372, %mul3A_371 : i32
        %get3A_374 = arith.index_cast %add3A_373 : i32 to index
        %get3A_375 = tpu.vector_load %arg9[%get3A_374] {strides = array<i32>} : memref<5120xf32, #tpu.memory_space<vmem>>, vector<16xf32>,
        %mul3A_376 = arith.constant 16 : i32
        %mul3A_377 = arith.muli %scan3A_45, %mul3A_376 : i32
        %add3A_378 = arith.constant 1664 : i32
        %add3A_379 = arith.addi %add3A_378, %mul3A_377 : i32
        %add3A_380 = vector.broadcast %add3A_379 : i32 to vector<16xi32>
        %add3A_381 = arith.addi %add3A_380, %iota3A : vector<16xi32>
        %shift_right_logical3A_382 = arith.constant 7 : i32
        %shift_right_logical3A_383 = vector.broadcast %shift_right_logical3A_382 : i32 to vector<16xi32>
        %shift_right_logical3A_384 = arith.shrui %add3A_381, %shift_right_logical3A_383 : vector<16xi32>
        %and3A_385 = arith.constant 127 : i32
        %and3A_386 = vector.broadcast %and3A_385 : i32 to vector<16xi32>
        %and3A_387 = arith.andi %add3A_381, %and3A_386 : vector<16xi32>
        %gather3A_388 = tpu.vector_load_idx %arg10[%shift_right_logical3A_384, %and3A_387] : memref<40x128xf32, #tpu.memory_space<vmem>>[vector<16xi32>, vector<16xi32>], vector<16xf32>,
        %mul3A_389 = arith.mulf %get3A_375, %gather3A_388 : vector<16xf32>
        %add3A_390 = arith.addf %add3A_366, %mul3A_389 : vector<16xf32>
        %gather3A_391 = tpu.vector_load_idx %arg11[%shift_right_logical3A_384, %and3A_387] : memref<40x128xf32, #tpu.memory_space<vmem>>[vector<16xi32>, vector<16xi32>], vector<16xf32>,
        %mul3A_392 = arith.mulf %get3A_375, %gather3A_391 : vector<16xf32>
        %add3A_393 = arith.addf %add3A_369, %mul3A_392 : vector<16xf32>
        %mul3A_394 = arith.constant 16 : i32
        %mul3A_395 = arith.muli %scan3A_45, %mul3A_394 : i32
        %add3A_396 = arith.constant 1792 : i32
        %add3A_397 = arith.addi %add3A_396, %mul3A_395 : i32
        %get3A_398 = arith.index_cast %add3A_397 : i32 to index
        %get3A_399 = tpu.vector_load %arg9[%get3A_398] {strides = array<i32>} : memref<5120xf32, #tpu.memory_space<vmem>>, vector<16xf32>,
        %mul3A_400 = arith.constant 16 : i32
        %mul3A_401 = arith.muli %scan3A_45, %mul3A_400 : i32
        %add3A_402 = arith.constant 1792 : i32
        %add3A_403 = arith.addi %add3A_402, %mul3A_401 : i32
        %add3A_404 = vector.broadcast %add3A_403 : i32 to vector<16xi32>
        %add3A_405 = arith.addi %add3A_404, %iota3A : vector<16xi32>
        %shift_right_logical3A_406 = arith.constant 7 : i32
        %shift_right_logical3A_407 = vector.broadcast %shift_right_logical3A_406 : i32 to vector<16xi32>
        %shift_right_logical3A_408 = arith.shrui %add3A_405, %shift_right_logical3A_407 : vector<16xi32>
        %and3A_409 = arith.constant 127 : i32
        %and3A_410 = vector.broadcast %and3A_409 : i32 to vector<16xi32>
        %and3A_411 = arith.andi %add3A_405, %and3A_410 : vector<16xi32>
        %gather3A_412 = tpu.vector_load_idx %arg10[%shift_right_logical3A_408, %and3A_411] : memref<40x128xf32, #tpu.memory_space<vmem>>[vector<16xi32>, vector<16xi32>], vector<16xf32>,
        %mul3A_413 = arith.mulf %get3A_399, %gather3A_412 : vector<16xf32>
        %add3A_414 = arith.addf %add3A_390, %mul3A_413 : vector<16xf32>
        %gather3A_415 = tpu.vector_load_idx %arg11[%shift_right_logical3A_408, %and3A_411] : memref<40x128xf32, #tpu.memory_space<vmem>>[vector<16xi32>, vector<16xi32>], vector<16xf32>,
        %mul3A_416 = arith.mulf %get3A_399, %gather3A_415 : vector<16xf32>
        %add3A_417 = arith.addf %add3A_393, %mul3A_416 : vector<16xf32>
        %mul3A_418 = arith.constant 16 : i32
        %mul3A_419 = arith.muli %scan3A_45, %mul3A_418 : i32
        %add3A_420 = arith.constant 1920 : i32
        %add3A_421 = arith.addi %add3A_420, %mul3A_419 : i32
        %get3A_422 = arith.index_cast %add3A_421 : i32 to index
        %get3A_423 = tpu.vector_load %arg9[%get3A_422] {strides = array<i32>} : memref<5120xf32, #tpu.memory_space<vmem>>, vector<16xf32>,
        %mul3A_424 = arith.constant 16 : i32
        %mul3A_425 = arith.muli %scan3A_45, %mul3A_424 : i32
        %add3A_426 = arith.constant 1920 : i32
        %add3A_427 = arith.addi %add3A_426, %mul3A_425 : i32
        %add3A_428 = vector.broadcast %add3A_427 : i32 to vector<16xi32>
        %add3A_429 = arith.addi %add3A_428, %iota3A : vector<16xi32>
        %shift_right_logical3A_430 = arith.constant 7 : i32
        %shift_right_logical3A_431 = vector.broadcast %shift_right_logical3A_430 : i32 to vector<16xi32>
        %shift_right_logical3A_432 = arith.shrui %add3A_429, %shift_right_logical3A_431 : vector<16xi32>
        %and3A_433 = arith.constant 127 : i32
        %and3A_434 = vector.broadcast %and3A_433 : i32 to vector<16xi32>
        %and3A_435 = arith.andi %add3A_429, %and3A_434 : vector<16xi32>
        %gather3A_436 = tpu.vector_load_idx %arg10[%shift_right_logical3A_432, %and3A_435] : memref<40x128xf32, #tpu.memory_space<vmem>>[vector<16xi32>, vector<16xi32>], vector<16xf32>,
        %mul3A_437 = arith.mulf %get3A_423, %gather3A_436 : vector<16xf32>
        %add3A_438 = arith.addf %add3A_414, %mul3A_437 : vector<16xf32>
        %gather3A_439 = tpu.vector_load_idx %arg11[%shift_right_logical3A_432, %and3A_435] : memref<40x128xf32, #tpu.memory_space<vmem>>[vector<16xi32>, vector<16xi32>], vector<16xf32>,
        %mul3A_440 = arith.mulf %get3A_423, %gather3A_439 : vector<16xf32>
        %add3A_441 = arith.addf %add3A_417, %mul3A_440 : vector<16xf32>
        %add3A_442 = arith.constant 4 : i32
        %add3A_443 = vector.broadcast %add3A_442 : i32 to vector<16xi32>
        %add3A_444 = arith.addi %mul3A_52, %add3A_443 : vector<16xi32>
        tpu.vector_store_idx %arg12[%add3A_444], %add3A_438 : memref<3072xf32, #tpu.memory_space<vmem>>[vector<16xi32>], vector<16xf32>,
        %add3A_445 = arith.constant 4 : i32
        %add3A_446 = vector.broadcast %add3A_445 : i32 to vector<16xi32>
        %add3A_447 = arith.addi %mul3A_52, %add3A_446 : vector<16xi32>
        %add3A_448 = arith.constant 1 : i32
        %add3A_449 = vector.broadcast %add3A_448 : i32 to vector<16xi32>
        %add3A_450 = arith.addi %add3A_447, %add3A_449 : vector<16xi32>
        tpu.vector_store_idx %arg12[%add3A_450], %add3A_441 : memref<3072xf32, #tpu.memory_space<vmem>>[vector<16xi32>], vector<16xf32>,
        %mul3A_451 = arith.constant 16 : i32
        %mul3A_452 = arith.muli %scan3A_45, %mul3A_451 : i32
        %add3A_453 = arith.constant 2048 : i32
        %add3A_454 = arith.addi %add3A_453, %mul3A_452 : i32
        %get3A_455 = arith.index_cast %add3A_454 : i32 to index
        %get3A_456 = tpu.vector_load %arg9[%get3A_455] {strides = array<i32>} : memref<5120xf32, #tpu.memory_space<vmem>>, vector<16xf32>,
        %mul3A_457 = arith.constant 16 : i32
        %mul3A_458 = arith.muli %scan3A_45, %mul3A_457 : i32
        %add3A_459 = arith.constant 2048 : i32
        %add3A_460 = arith.addi %add3A_459, %mul3A_458 : i32
        %add3A_461 = vector.broadcast %add3A_460 : i32 to vector<16xi32>
        %add3A_462 = arith.addi %add3A_461, %iota3A : vector<16xi32>
        %shift_right_logical3A_463 = arith.constant 7 : i32
        %shift_right_logical3A_464 = vector.broadcast %shift_right_logical3A_463 : i32 to vector<16xi32>
        %shift_right_logical3A_465 = arith.shrui %add3A_462, %shift_right_logical3A_464 : vector<16xi32>
        %and3A_466 = arith.constant 127 : i32
        %and3A_467 = vector.broadcast %and3A_466 : i32 to vector<16xi32>
        %and3A_468 = arith.andi %add3A_462, %and3A_467 : vector<16xi32>
        %gather3A_469 = tpu.vector_load_idx %arg10[%shift_right_logical3A_465, %and3A_468] : memref<40x128xf32, #tpu.memory_space<vmem>>[vector<16xi32>, vector<16xi32>], vector<16xf32>,
        %mul3A_470 = arith.mulf %get3A_456, %gather3A_469 : vector<16xf32>
        %add3A_471 = arith.addf %broadcast_in_dim3A_1, %mul3A_470 : vector<16xf32>
        %gather3A_472 = tpu.vector_load_idx %arg11[%shift_right_logical3A_465, %and3A_468] : memref<40x128xf32, #tpu.memory_space<vmem>>[vector<16xi32>, vector<16xi32>], vector<16xf32>,
        %mul3A_473 = arith.mulf %get3A_456, %gather3A_472 : vector<16xf32>
        %add3A_474 = arith.addf %broadcast_in_dim3A_1, %mul3A_473 : vector<16xf32>
        %mul3A_475 = arith.constant 16 : i32
        %mul3A_476 = arith.muli %scan3A_45, %mul3A_475 : i32
        %add3A_477 = arith.constant 2176 : i32
        %add3A_478 = arith.addi %add3A_477, %mul3A_476 : i32
        %get3A_479 = arith.index_cast %add3A_478 : i32 to index
        %get3A_480 = tpu.vector_load %arg9[%get3A_479] {strides = array<i32>} : memref<5120xf32, #tpu.memory_space<vmem>>, vector<16xf32>,
        %mul3A_481 = arith.constant 16 : i32
        %mul3A_482 = arith.muli %scan3A_45, %mul3A_481 : i32
        %add3A_483 = arith.constant 2176 : i32
        %add3A_484 = arith.addi %add3A_483, %mul3A_482 : i32
        %add3A_485 = vector.broadcast %add3A_484 : i32 to vector<16xi32>
        %add3A_486 = arith.addi %add3A_485, %iota3A : vector<16xi32>
        %shift_right_logical3A_487 = arith.constant 7 : i32
        %shift_right_logical3A_488 = vector.broadcast %shift_right_logical3A_487 : i32 to vector<16xi32>
        %shift_right_logical3A_489 = arith.shrui %add3A_486, %shift_right_logical3A_488 : vector<16xi32>
        %and3A_490 = arith.constant 127 : i32
        %and3A_491 = vector.broadcast %and3A_490 : i32 to vector<16xi32>
        %and3A_492 = arith.andi %add3A_486, %and3A_491 : vector<16xi32>
        %gather3A_493 = tpu.vector_load_idx %arg10[%shift_right_logical3A_489, %and3A_492] : memref<40x128xf32, #tpu.memory_space<vmem>>[vector<16xi32>, vector<16xi32>], vector<16xf32>,
        %mul3A_494 = arith.mulf %get3A_480, %gather3A_493 : vector<16xf32>
        %add3A_495 = arith.addf %add3A_471, %mul3A_494 : vector<16xf32>
        %gather3A_496 = tpu.vector_load_idx %arg11[%shift_right_logical3A_489, %and3A_492] : memref<40x128xf32, #tpu.memory_space<vmem>>[vector<16xi32>, vector<16xi32>], vector<16xf32>,
        %mul3A_497 = arith.mulf %get3A_480, %gather3A_496 : vector<16xf32>
        %add3A_498 = arith.addf %add3A_474, %mul3A_497 : vector<16xf32>
        %mul3A_499 = arith.constant 16 : i32
        %mul3A_500 = arith.muli %scan3A_45, %mul3A_499 : i32
        %add3A_501 = arith.constant 2304 : i32
        %add3A_502 = arith.addi %add3A_501, %mul3A_500 : i32
        %get3A_503 = arith.index_cast %add3A_502 : i32 to index
        %get3A_504 = tpu.vector_load %arg9[%get3A_503] {strides = array<i32>} : memref<5120xf32, #tpu.memory_space<vmem>>, vector<16xf32>,
        %mul3A_505 = arith.constant 16 : i32
        %mul3A_506 = arith.muli %scan3A_45, %mul3A_505 : i32
        %add3A_507 = arith.constant 2304 : i32
        %add3A_508 = arith.addi %add3A_507, %mul3A_506 : i32
        %add3A_509 = vector.broadcast %add3A_508 : i32 to vector<16xi32>
        %add3A_510 = arith.addi %add3A_509, %iota3A : vector<16xi32>
        %shift_right_logical3A_511 = arith.constant 7 : i32
        %shift_right_logical3A_512 = vector.broadcast %shift_right_logical3A_511 : i32 to vector<16xi32>
        %shift_right_logical3A_513 = arith.shrui %add3A_510, %shift_right_logical3A_512 : vector<16xi32>
        %and3A_514 = arith.constant 127 : i32
        %and3A_515 = vector.broadcast %and3A_514 : i32 to vector<16xi32>
        %and3A_516 = arith.andi %add3A_510, %and3A_515 : vector<16xi32>
        %gather3A_517 = tpu.vector_load_idx %arg10[%shift_right_logical3A_513, %and3A_516] : memref<40x128xf32, #tpu.memory_space<vmem>>[vector<16xi32>, vector<16xi32>], vector<16xf32>,
        %mul3A_518 = arith.mulf %get3A_504, %gather3A_517 : vector<16xf32>
        %add3A_519 = arith.addf %add3A_495, %mul3A_518 : vector<16xf32>
        %gather3A_520 = tpu.vector_load_idx %arg11[%shift_right_logical3A_513, %and3A_516] : memref<40x128xf32, #tpu.memory_space<vmem>>[vector<16xi32>, vector<16xi32>], vector<16xf32>,
        %mul3A_521 = arith.mulf %get3A_504, %gather3A_520 : vector<16xf32>
        %add3A_522 = arith.addf %add3A_498, %mul3A_521 : vector<16xf32>
        %mul3A_523 = arith.constant 16 : i32
        %mul3A_524 = arith.muli %scan3A_45, %mul3A_523 : i32
        %add3A_525 = arith.constant 2432 : i32
        %add3A_526 = arith.addi %add3A_525, %mul3A_524 : i32
        %get3A_527 = arith.index_cast %add3A_526 : i32 to index
        %get3A_528 = tpu.vector_load %arg9[%get3A_527] {strides = array<i32>} : memref<5120xf32, #tpu.memory_space<vmem>>, vector<16xf32>,
        %mul3A_529 = arith.constant 16 : i32
        %mul3A_530 = arith.muli %scan3A_45, %mul3A_529 : i32
        %add3A_531 = arith.constant 2432 : i32
        %add3A_532 = arith.addi %add3A_531, %mul3A_530 : i32
        %add3A_533 = vector.broadcast %add3A_532 : i32 to vector<16xi32>
        %add3A_534 = arith.addi %add3A_533, %iota3A : vector<16xi32>
        %shift_right_logical3A_535 = arith.constant 7 : i32
        %shift_right_logical3A_536 = vector.broadcast %shift_right_logical3A_535 : i32 to vector<16xi32>
        %shift_right_logical3A_537 = arith.shrui %add3A_534, %shift_right_logical3A_536 : vector<16xi32>
        %and3A_538 = arith.constant 127 : i32
        %and3A_539 = vector.broadcast %and3A_538 : i32 to vector<16xi32>
        %and3A_540 = arith.andi %add3A_534, %and3A_539 : vector<16xi32>
        %gather3A_541 = tpu.vector_load_idx %arg10[%shift_right_logical3A_537, %and3A_540] : memref<40x128xf32, #tpu.memory_space<vmem>>[vector<16xi32>, vector<16xi32>], vector<16xf32>,
        %mul3A_542 = arith.mulf %get3A_528, %gather3A_541 : vector<16xf32>
        %add3A_543 = arith.addf %add3A_519, %mul3A_542 : vector<16xf32>
        %gather3A_544 = tpu.vector_load_idx %arg11[%shift_right_logical3A_537, %and3A_540] : memref<40x128xf32, #tpu.memory_space<vmem>>[vector<16xi32>, vector<16xi32>], vector<16xf32>,
        %mul3A_545 = arith.mulf %get3A_528, %gather3A_544 : vector<16xf32>
        %add3A_546 = arith.addf %add3A_522, %mul3A_545 : vector<16xf32>
        %mul3A_547 = arith.constant 16 : i32
        %mul3A_548 = arith.muli %scan3A_45, %mul3A_547 : i32
        %add3A_549 = arith.constant 2560 : i32
        %add3A_550 = arith.addi %add3A_549, %mul3A_548 : i32
        %get3A_551 = arith.index_cast %add3A_550 : i32 to index
        %get3A_552 = tpu.vector_load %arg9[%get3A_551] {strides = array<i32>} : memref<5120xf32, #tpu.memory_space<vmem>>, vector<16xf32>,
        %mul3A_553 = arith.constant 16 : i32
        %mul3A_554 = arith.muli %scan3A_45, %mul3A_553 : i32
        %add3A_555 = arith.constant 2560 : i32
        %add3A_556 = arith.addi %add3A_555, %mul3A_554 : i32
        %add3A_557 = vector.broadcast %add3A_556 : i32 to vector<16xi32>
        %add3A_558 = arith.addi %add3A_557, %iota3A : vector<16xi32>
        %shift_right_logical3A_559 = arith.constant 7 : i32
        %shift_right_logical3A_560 = vector.broadcast %shift_right_logical3A_559 : i32 to vector<16xi32>
        %shift_right_logical3A_561 = arith.shrui %add3A_558, %shift_right_logical3A_560 : vector<16xi32>
        %and3A_562 = arith.constant 127 : i32
        %and3A_563 = vector.broadcast %and3A_562 : i32 to vector<16xi32>
        %and3A_564 = arith.andi %add3A_558, %and3A_563 : vector<16xi32>
        %gather3A_565 = tpu.vector_load_idx %arg10[%shift_right_logical3A_561, %and3A_564] : memref<40x128xf32, #tpu.memory_space<vmem>>[vector<16xi32>, vector<16xi32>], vector<16xf32>,
        %mul3A_566 = arith.mulf %get3A_552, %gather3A_565 : vector<16xf32>
        %add3A_567 = arith.addf %add3A_543, %mul3A_566 : vector<16xf32>
        %gather3A_568 = tpu.vector_load_idx %arg11[%shift_right_logical3A_561, %and3A_564] : memref<40x128xf32, #tpu.memory_space<vmem>>[vector<16xi32>, vector<16xi32>], vector<16xf32>,
        %mul3A_569 = arith.mulf %get3A_552, %gather3A_568 : vector<16xf32>
        %add3A_570 = arith.addf %add3A_546, %mul3A_569 : vector<16xf32>
        %mul3A_571 = arith.constant 16 : i32
        %mul3A_572 = arith.muli %scan3A_45, %mul3A_571 : i32
        %add3A_573 = arith.constant 2688 : i32
        %add3A_574 = arith.addi %add3A_573, %mul3A_572 : i32
        %get3A_575 = arith.index_cast %add3A_574 : i32 to index
        %get3A_576 = tpu.vector_load %arg9[%get3A_575] {strides = array<i32>} : memref<5120xf32, #tpu.memory_space<vmem>>, vector<16xf32>,
        %mul3A_577 = arith.constant 16 : i32
        %mul3A_578 = arith.muli %scan3A_45, %mul3A_577 : i32
        %add3A_579 = arith.constant 2688 : i32
        %add3A_580 = arith.addi %add3A_579, %mul3A_578 : i32
        %add3A_581 = vector.broadcast %add3A_580 : i32 to vector<16xi32>
        %add3A_582 = arith.addi %add3A_581, %iota3A : vector<16xi32>
        %shift_right_logical3A_583 = arith.constant 7 : i32
        %shift_right_logical3A_584 = vector.broadcast %shift_right_logical3A_583 : i32 to vector<16xi32>
        %shift_right_logical3A_585 = arith.shrui %add3A_582, %shift_right_logical3A_584 : vector<16xi32>
        %and3A_586 = arith.constant 127 : i32
        %and3A_587 = vector.broadcast %and3A_586 : i32 to vector<16xi32>
        %and3A_588 = arith.andi %add3A_582, %and3A_587 : vector<16xi32>
        %gather3A_589 = tpu.vector_load_idx %arg10[%shift_right_logical3A_585, %and3A_588] : memref<40x128xf32, #tpu.memory_space<vmem>>[vector<16xi32>, vector<16xi32>], vector<16xf32>,
        %mul3A_590 = arith.mulf %get3A_576, %gather3A_589 : vector<16xf32>
        %add3A_591 = arith.addf %add3A_567, %mul3A_590 : vector<16xf32>
        %gather3A_592 = tpu.vector_load_idx %arg11[%shift_right_logical3A_585, %and3A_588] : memref<40x128xf32, #tpu.memory_space<vmem>>[vector<16xi32>, vector<16xi32>], vector<16xf32>,
        %mul3A_593 = arith.mulf %get3A_576, %gather3A_592 : vector<16xf32>
        %add3A_594 = arith.addf %add3A_570, %mul3A_593 : vector<16xf32>
        %mul3A_595 = arith.constant 16 : i32
        %mul3A_596 = arith.muli %scan3A_45, %mul3A_595 : i32
        %add3A_597 = arith.constant 2816 : i32
        %add3A_598 = arith.addi %add3A_597, %mul3A_596 : i32
        %get3A_599 = arith.index_cast %add3A_598 : i32 to index
        %get3A_600 = tpu.vector_load %arg9[%get3A_599] {strides = array<i32>} : memref<5120xf32, #tpu.memory_space<vmem>>, vector<16xf32>,
        %mul3A_601 = arith.constant 16 : i32
        %mul3A_602 = arith.muli %scan3A_45, %mul3A_601 : i32
        %add3A_603 = arith.constant 2816 : i32
        %add3A_604 = arith.addi %add3A_603, %mul3A_602 : i32
        %add3A_605 = vector.broadcast %add3A_604 : i32 to vector<16xi32>
        %add3A_606 = arith.addi %add3A_605, %iota3A : vector<16xi32>
        %shift_right_logical3A_607 = arith.constant 7 : i32
        %shift_right_logical3A_608 = vector.broadcast %shift_right_logical3A_607 : i32 to vector<16xi32>
        %shift_right_logical3A_609 = arith.shrui %add3A_606, %shift_right_logical3A_608 : vector<16xi32>
        %and3A_610 = arith.constant 127 : i32
        %and3A_611 = vector.broadcast %and3A_610 : i32 to vector<16xi32>
        %and3A_612 = arith.andi %add3A_606, %and3A_611 : vector<16xi32>
        %gather3A_613 = tpu.vector_load_idx %arg10[%shift_right_logical3A_609, %and3A_612] : memref<40x128xf32, #tpu.memory_space<vmem>>[vector<16xi32>, vector<16xi32>], vector<16xf32>,
        %mul3A_614 = arith.mulf %get3A_600, %gather3A_613 : vector<16xf32>
        %add3A_615 = arith.addf %add3A_591, %mul3A_614 : vector<16xf32>
        %gather3A_616 = tpu.vector_load_idx %arg11[%shift_right_logical3A_609, %and3A_612] : memref<40x128xf32, #tpu.memory_space<vmem>>[vector<16xi32>, vector<16xi32>], vector<16xf32>,
        %mul3A_617 = arith.mulf %get3A_600, %gather3A_616 : vector<16xf32>
        %add3A_618 = arith.addf %add3A_594, %mul3A_617 : vector<16xf32>
        %mul3A_619 = arith.constant 16 : i32
        %mul3A_620 = arith.muli %scan3A_45, %mul3A_619 : i32
        %add3A_621 = arith.constant 2944 : i32
        %add3A_622 = arith.addi %add3A_621, %mul3A_620 : i32
        %get3A_623 = arith.index_cast %add3A_622 : i32 to index
        %get3A_624 = tpu.vector_load %arg9[%get3A_623] {strides = array<i32>} : memref<5120xf32, #tpu.memory_space<vmem>>, vector<16xf32>,
        %mul3A_625 = arith.constant 16 : i32
        %mul3A_626 = arith.muli %scan3A_45, %mul3A_625 : i32
        %add3A_627 = arith.constant 2944 : i32
        %add3A_628 = arith.addi %add3A_627, %mul3A_626 : i32
        %add3A_629 = vector.broadcast %add3A_628 : i32 to vector<16xi32>
        %add3A_630 = arith.addi %add3A_629, %iota3A : vector<16xi32>
        %shift_right_logical3A_631 = arith.constant 7 : i32
        %shift_right_logical3A_632 = vector.broadcast %shift_right_logical3A_631 : i32 to vector<16xi32>
        %shift_right_logical3A_633 = arith.shrui %add3A_630, %shift_right_logical3A_632 : vector<16xi32>
        %and3A_634 = arith.constant 127 : i32
        %and3A_635 = vector.broadcast %and3A_634 : i32 to vector<16xi32>
        %and3A_636 = arith.andi %add3A_630, %and3A_635 : vector<16xi32>
        %gather3A_637 = tpu.vector_load_idx %arg10[%shift_right_logical3A_633, %and3A_636] : memref<40x128xf32, #tpu.memory_space<vmem>>[vector<16xi32>, vector<16xi32>], vector<16xf32>,
        %mul3A_638 = arith.mulf %get3A_624, %gather3A_637 : vector<16xf32>
        %add3A_639 = arith.addf %add3A_615, %mul3A_638 : vector<16xf32>
        %gather3A_640 = tpu.vector_load_idx %arg11[%shift_right_logical3A_633, %and3A_636] : memref<40x128xf32, #tpu.memory_space<vmem>>[vector<16xi32>, vector<16xi32>], vector<16xf32>,
        %mul3A_641 = arith.mulf %get3A_624, %gather3A_640 : vector<16xf32>
        %add3A_642 = arith.addf %add3A_618, %mul3A_641 : vector<16xf32>
        %add3A_643 = arith.constant 6 : i32
        %add3A_644 = vector.broadcast %add3A_643 : i32 to vector<16xi32>
        %add3A_645 = arith.addi %mul3A_52, %add3A_644 : vector<16xi32>
        tpu.vector_store_idx %arg12[%add3A_645], %add3A_639 : memref<3072xf32, #tpu.memory_space<vmem>>[vector<16xi32>], vector<16xf32>,
        %add3A_646 = arith.constant 6 : i32
        %add3A_647 = vector.broadcast %add3A_646 : i32 to vector<16xi32>
        %add3A_648 = arith.addi %mul3A_52, %add3A_647 : vector<16xi32>
        %add3A_649 = arith.constant 1 : i32
        %add3A_650 = vector.broadcast %add3A_649 : i32 to vector<16xi32>
        %add3A_651 = arith.addi %add3A_648, %add3A_650 : vector<16xi32>
        tpu.vector_store_idx %arg12[%add3A_651], %add3A_642 : memref<3072xf32, #tpu.memory_space<vmem>>[vector<16xi32>], vector<16xf32>,
        %mul3A_652 = arith.constant 16 : i32
        %mul3A_653 = arith.muli %scan3A_45, %mul3A_652 : i32
        %add3A_654 = arith.constant 3072 : i32
        %add3A_655 = arith.addi %add3A_654, %mul3A_653 : i32
        %get3A_656 = arith.index_cast %add3A_655 : i32 to index
        %get3A_657 = tpu.vector_load %arg9[%get3A_656] {strides = array<i32>} : memref<5120xf32, #tpu.memory_space<vmem>>, vector<16xf32>,
        %mul3A_658 = arith.constant 16 : i32
        %mul3A_659 = arith.muli %scan3A_45, %mul3A_658 : i32
        %add3A_660 = arith.constant 3072 : i32
        %add3A_661 = arith.addi %add3A_660, %mul3A_659 : i32
        %add3A_662 = vector.broadcast %add3A_661 : i32 to vector<16xi32>
        %add3A_663 = arith.addi %add3A_662, %iota3A : vector<16xi32>
        %shift_right_logical3A_664 = arith.constant 7 : i32
        %shift_right_logical3A_665 = vector.broadcast %shift_right_logical3A_664 : i32 to vector<16xi32>
        %shift_right_logical3A_666 = arith.shrui %add3A_663, %shift_right_logical3A_665 : vector<16xi32>
        %and3A_667 = arith.constant 127 : i32
        %and3A_668 = vector.broadcast %and3A_667 : i32 to vector<16xi32>
        %and3A_669 = arith.andi %add3A_663, %and3A_668 : vector<16xi32>
        %gather3A_670 = tpu.vector_load_idx %arg10[%shift_right_logical3A_666, %and3A_669] : memref<40x128xf32, #tpu.memory_space<vmem>>[vector<16xi32>, vector<16xi32>], vector<16xf32>,
        %mul3A_671 = arith.mulf %get3A_657, %gather3A_670 : vector<16xf32>
        %add3A_672 = arith.addf %broadcast_in_dim3A_1, %mul3A_671 : vector<16xf32>
        %gather3A_673 = tpu.vector_load_idx %arg11[%shift_right_logical3A_666, %and3A_669] : memref<40x128xf32, #tpu.memory_space<vmem>>[vector<16xi32>, vector<16xi32>], vector<16xf32>,
        %mul3A_674 = arith.mulf %get3A_657, %gather3A_673 : vector<16xf32>
        %add3A_675 = arith.addf %broadcast_in_dim3A_1, %mul3A_674 : vector<16xf32>
        %mul3A_676 = arith.constant 16 : i32
        %mul3A_677 = arith.muli %scan3A_45, %mul3A_676 : i32
        %add3A_678 = arith.constant 3200 : i32
        %add3A_679 = arith.addi %add3A_678, %mul3A_677 : i32
        %get3A_680 = arith.index_cast %add3A_679 : i32 to index
        %get3A_681 = tpu.vector_load %arg9[%get3A_680] {strides = array<i32>} : memref<5120xf32, #tpu.memory_space<vmem>>, vector<16xf32>,
        %mul3A_682 = arith.constant 16 : i32
        %mul3A_683 = arith.muli %scan3A_45, %mul3A_682 : i32
        %add3A_684 = arith.constant 3200 : i32
        %add3A_685 = arith.addi %add3A_684, %mul3A_683 : i32
        %add3A_686 = vector.broadcast %add3A_685 : i32 to vector<16xi32>
        %add3A_687 = arith.addi %add3A_686, %iota3A : vector<16xi32>
        %shift_right_logical3A_688 = arith.constant 7 : i32
        %shift_right_logical3A_689 = vector.broadcast %shift_right_logical3A_688 : i32 to vector<16xi32>
        %shift_right_logical3A_690 = arith.shrui %add3A_687, %shift_right_logical3A_689 : vector<16xi32>
        %and3A_691 = arith.constant 127 : i32
        %and3A_692 = vector.broadcast %and3A_691 : i32 to vector<16xi32>
        %and3A_693 = arith.andi %add3A_687, %and3A_692 : vector<16xi32>
        %gather3A_694 = tpu.vector_load_idx %arg10[%shift_right_logical3A_690, %and3A_693] : memref<40x128xf32, #tpu.memory_space<vmem>>[vector<16xi32>, vector<16xi32>], vector<16xf32>,
        %mul3A_695 = arith.mulf %get3A_681, %gather3A_694 : vector<16xf32>
        %add3A_696 = arith.addf %add3A_672, %mul3A_695 : vector<16xf32>
        %gather3A_697 = tpu.vector_load_idx %arg11[%shift_right_logical3A_690, %and3A_693] : memref<40x128xf32, #tpu.memory_space<vmem>>[vector<16xi32>, vector<16xi32>], vector<16xf32>,
        %mul3A_698 = arith.mulf %get3A_681, %gather3A_697 : vector<16xf32>
        %add3A_699 = arith.addf %add3A_675, %mul3A_698 : vector<16xf32>
        %mul3A_700 = arith.constant 16 : i32
        %mul3A_701 = arith.muli %scan3A_45, %mul3A_700 : i32
        %add3A_702 = arith.constant 3328 : i32
        %add3A_703 = arith.addi %add3A_702, %mul3A_701 : i32
        %get3A_704 = arith.index_cast %add3A_703 : i32 to index
        %get3A_705 = tpu.vector_load %arg9[%get3A_704] {strides = array<i32>} : memref<5120xf32, #tpu.memory_space<vmem>>, vector<16xf32>,
        %mul3A_706 = arith.constant 16 : i32
        %mul3A_707 = arith.muli %scan3A_45, %mul3A_706 : i32
        %add3A_708 = arith.constant 3328 : i32
        %add3A_709 = arith.addi %add3A_708, %mul3A_707 : i32
        %add3A_710 = vector.broadcast %add3A_709 : i32 to vector<16xi32>
        %add3A_711 = arith.addi %add3A_710, %iota3A : vector<16xi32>
        %shift_right_logical3A_712 = arith.constant 7 : i32
        %shift_right_logical3A_713 = vector.broadcast %shift_right_logical3A_712 : i32 to vector<16xi32>
        %shift_right_logical3A_714 = arith.shrui %add3A_711, %shift_right_logical3A_713 : vector<16xi32>
        %and3A_715 = arith.constant 127 : i32
        %and3A_716 = vector.broadcast %and3A_715 : i32 to vector<16xi32>
        %and3A_717 = arith.andi %add3A_711, %and3A_716 : vector<16xi32>
        %gather3A_718 = tpu.vector_load_idx %arg10[%shift_right_logical3A_714, %and3A_717] : memref<40x128xf32, #tpu.memory_space<vmem>>[vector<16xi32>, vector<16xi32>], vector<16xf32>,
        %mul3A_719 = arith.mulf %get3A_705, %gather3A_718 : vector<16xf32>
        %add3A_720 = arith.addf %add3A_696, %mul3A_719 : vector<16xf32>
        %gather3A_721 = tpu.vector_load_idx %arg11[%shift_right_logical3A_714, %and3A_717] : memref<40x128xf32, #tpu.memory_space<vmem>>[vector<16xi32>, vector<16xi32>], vector<16xf32>,
        %mul3A_722 = arith.mulf %get3A_705, %gather3A_721 : vector<16xf32>
        %add3A_723 = arith.addf %add3A_699, %mul3A_722 : vector<16xf32>
        %mul3A_724 = arith.constant 16 : i32
        %mul3A_725 = arith.muli %scan3A_45, %mul3A_724 : i32
        %add3A_726 = arith.constant 3456 : i32
        %add3A_727 = arith.addi %add3A_726, %mul3A_725 : i32
        %get3A_728 = arith.index_cast %add3A_727 : i32 to index
        %get3A_729 = tpu.vector_load %arg9[%get3A_728] {strides = array<i32>} : memref<5120xf32, #tpu.memory_space<vmem>>, vector<16xf32>,
        %mul3A_730 = arith.constant 16 : i32
        %mul3A_731 = arith.muli %scan3A_45, %mul3A_730 : i32
        %add3A_732 = arith.constant 3456 : i32
        %add3A_733 = arith.addi %add3A_732, %mul3A_731 : i32
        %add3A_734 = vector.broadcast %add3A_733 : i32 to vector<16xi32>
        %add3A_735 = arith.addi %add3A_734, %iota3A : vector<16xi32>
        %shift_right_logical3A_736 = arith.constant 7 : i32
        %shift_right_logical3A_737 = vector.broadcast %shift_right_logical3A_736 : i32 to vector<16xi32>
        %shift_right_logical3A_738 = arith.shrui %add3A_735, %shift_right_logical3A_737 : vector<16xi32>
        %and3A_739 = arith.constant 127 : i32
        %and3A_740 = vector.broadcast %and3A_739 : i32 to vector<16xi32>
        %and3A_741 = arith.andi %add3A_735, %and3A_740 : vector<16xi32>
        %gather3A_742 = tpu.vector_load_idx %arg10[%shift_right_logical3A_738, %and3A_741] : memref<40x128xf32, #tpu.memory_space<vmem>>[vector<16xi32>, vector<16xi32>], vector<16xf32>,
        %mul3A_743 = arith.mulf %get3A_729, %gather3A_742 : vector<16xf32>
        %add3A_744 = arith.addf %add3A_720, %mul3A_743 : vector<16xf32>
        %gather3A_745 = tpu.vector_load_idx %arg11[%shift_right_logical3A_738, %and3A_741] : memref<40x128xf32, #tpu.memory_space<vmem>>[vector<16xi32>, vector<16xi32>], vector<16xf32>,
        %mul3A_746 = arith.mulf %get3A_729, %gather3A_745 : vector<16xf32>
        %add3A_747 = arith.addf %add3A_723, %mul3A_746 : vector<16xf32>
        %mul3A_748 = arith.constant 16 : i32
        %mul3A_749 = arith.muli %scan3A_45, %mul3A_748 : i32
        %add3A_750 = arith.constant 3584 : i32
        %add3A_751 = arith.addi %add3A_750, %mul3A_749 : i32
        %get3A_752 = arith.index_cast %add3A_751 : i32 to index
        %get3A_753 = tpu.vector_load %arg9[%get3A_752] {strides = array<i32>} : memref<5120xf32, #tpu.memory_space<vmem>>, vector<16xf32>,
        %mul3A_754 = arith.constant 16 : i32
        %mul3A_755 = arith.muli %scan3A_45, %mul3A_754 : i32
        %add3A_756 = arith.constant 3584 : i32
        %add3A_757 = arith.addi %add3A_756, %mul3A_755 : i32
        %add3A_758 = vector.broadcast %add3A_757 : i32 to vector<16xi32>
        %add3A_759 = arith.addi %add3A_758, %iota3A : vector<16xi32>
        %shift_right_logical3A_760 = arith.constant 7 : i32
        %shift_right_logical3A_761 = vector.broadcast %shift_right_logical3A_760 : i32 to vector<16xi32>
        %shift_right_logical3A_762 = arith.shrui %add3A_759, %shift_right_logical3A_761 : vector<16xi32>
        %and3A_763 = arith.constant 127 : i32
        %and3A_764 = vector.broadcast %and3A_763 : i32 to vector<16xi32>
        %and3A_765 = arith.andi %add3A_759, %and3A_764 : vector<16xi32>
        %gather3A_766 = tpu.vector_load_idx %arg10[%shift_right_logical3A_762, %and3A_765] : memref<40x128xf32, #tpu.memory_space<vmem>>[vector<16xi32>, vector<16xi32>], vector<16xf32>,
        %mul3A_767 = arith.mulf %get3A_753, %gather3A_766 : vector<16xf32>
        %add3A_768 = arith.addf %add3A_744, %mul3A_767 : vector<16xf32>
        %gather3A_769 = tpu.vector_load_idx %arg11[%shift_right_logical3A_762, %and3A_765] : memref<40x128xf32, #tpu.memory_space<vmem>>[vector<16xi32>, vector<16xi32>], vector<16xf32>,
        %mul3A_770 = arith.mulf %get3A_753, %gather3A_769 : vector<16xf32>
        %add3A_771 = arith.addf %add3A_747, %mul3A_770 : vector<16xf32>
        %mul3A_772 = arith.constant 16 : i32
        %mul3A_773 = arith.muli %scan3A_45, %mul3A_772 : i32
        %add3A_774 = arith.constant 3712 : i32
        %add3A_775 = arith.addi %add3A_774, %mul3A_773 : i32
        %get3A_776 = arith.index_cast %add3A_775 : i32 to index
        %get3A_777 = tpu.vector_load %arg9[%get3A_776] {strides = array<i32>} : memref<5120xf32, #tpu.memory_space<vmem>>, vector<16xf32>,
        %mul3A_778 = arith.constant 16 : i32
        %mul3A_779 = arith.muli %scan3A_45, %mul3A_778 : i32
        %add3A_780 = arith.constant 3712 : i32
        %add3A_781 = arith.addi %add3A_780, %mul3A_779 : i32
        %add3A_782 = vector.broadcast %add3A_781 : i32 to vector<16xi32>
        %add3A_783 = arith.addi %add3A_782, %iota3A : vector<16xi32>
        %shift_right_logical3A_784 = arith.constant 7 : i32
        %shift_right_logical3A_785 = vector.broadcast %shift_right_logical3A_784 : i32 to vector<16xi32>
        %shift_right_logical3A_786 = arith.shrui %add3A_783, %shift_right_logical3A_785 : vector<16xi32>
        %and3A_787 = arith.constant 127 : i32
        %and3A_788 = vector.broadcast %and3A_787 : i32 to vector<16xi32>
        %and3A_789 = arith.andi %add3A_783, %and3A_788 : vector<16xi32>
        %gather3A_790 = tpu.vector_load_idx %arg10[%shift_right_logical3A_786, %and3A_789] : memref<40x128xf32, #tpu.memory_space<vmem>>[vector<16xi32>, vector<16xi32>], vector<16xf32>,
        %mul3A_791 = arith.mulf %get3A_777, %gather3A_790 : vector<16xf32>
        %add3A_792 = arith.addf %add3A_768, %mul3A_791 : vector<16xf32>
        %gather3A_793 = tpu.vector_load_idx %arg11[%shift_right_logical3A_786, %and3A_789] : memref<40x128xf32, #tpu.memory_space<vmem>>[vector<16xi32>, vector<16xi32>], vector<16xf32>,
        %mul3A_794 = arith.mulf %get3A_777, %gather3A_793 : vector<16xf32>
        %add3A_795 = arith.addf %add3A_771, %mul3A_794 : vector<16xf32>
        %mul3A_796 = arith.constant 16 : i32
        %mul3A_797 = arith.muli %scan3A_45, %mul3A_796 : i32
        %add3A_798 = arith.constant 3840 : i32
        %add3A_799 = arith.addi %add3A_798, %mul3A_797 : i32
        %get3A_800 = arith.index_cast %add3A_799 : i32 to index
        %get3A_801 = tpu.vector_load %arg9[%get3A_800] {strides = array<i32>} : memref<5120xf32, #tpu.memory_space<vmem>>, vector<16xf32>,
        %mul3A_802 = arith.constant 16 : i32
        %mul3A_803 = arith.muli %scan3A_45, %mul3A_802 : i32
        %add3A_804 = arith.constant 3840 : i32
        %add3A_805 = arith.addi %add3A_804, %mul3A_803 : i32
        %add3A_806 = vector.broadcast %add3A_805 : i32 to vector<16xi32>
        %add3A_807 = arith.addi %add3A_806, %iota3A : vector<16xi32>
        %shift_right_logical3A_808 = arith.constant 7 : i32
        %shift_right_logical3A_809 = vector.broadcast %shift_right_logical3A_808 : i32 to vector<16xi32>
        %shift_right_logical3A_810 = arith.shrui %add3A_807, %shift_right_logical3A_809 : vector<16xi32>
        %and3A_811 = arith.constant 127 : i32
        %and3A_812 = vector.broadcast %and3A_811 : i32 to vector<16xi32>
        %and3A_813 = arith.andi %add3A_807, %and3A_812 : vector<16xi32>
        %gather3A_814 = tpu.vector_load_idx %arg10[%shift_right_logical3A_810, %and3A_813] : memref<40x128xf32, #tpu.memory_space<vmem>>[vector<16xi32>, vector<16xi32>], vector<16xf32>,
        %mul3A_815 = arith.mulf %get3A_801, %gather3A_814 : vector<16xf32>
        %add3A_816 = arith.addf %add3A_792, %mul3A_815 : vector<16xf32>
        %gather3A_817 = tpu.vector_load_idx %arg11[%shift_right_logical3A_810, %and3A_813] : memref<40x128xf32, #tpu.memory_space<vmem>>[vector<16xi32>, vector<16xi32>], vector<16xf32>,
        %mul3A_818 = arith.mulf %get3A_801, %gather3A_817 : vector<16xf32>
        %add3A_819 = arith.addf %add3A_795, %mul3A_818 : vector<16xf32>
        %mul3A_820 = arith.constant 16 : i32
        %mul3A_821 = arith.muli %scan3A_45, %mul3A_820 : i32
        %add3A_822 = arith.constant 3968 : i32
        %add3A_823 = arith.addi %add3A_822, %mul3A_821 : i32
        %get3A_824 = arith.index_cast %add3A_823 : i32 to index
        %get3A_825 = tpu.vector_load %arg9[%get3A_824] {strides = array<i32>} : memref<5120xf32, #tpu.memory_space<vmem>>, vector<16xf32>,
        %mul3A_826 = arith.constant 16 : i32
        %mul3A_827 = arith.muli %scan3A_45, %mul3A_826 : i32
        %add3A_828 = arith.constant 3968 : i32
        %add3A_829 = arith.addi %add3A_828, %mul3A_827 : i32
        %add3A_830 = vector.broadcast %add3A_829 : i32 to vector<16xi32>
        %add3A_831 = arith.addi %add3A_830, %iota3A : vector<16xi32>
        %shift_right_logical3A_832 = arith.constant 7 : i32
        %shift_right_logical3A_833 = vector.broadcast %shift_right_logical3A_832 : i32 to vector<16xi32>
        %shift_right_logical3A_834 = arith.shrui %add3A_831, %shift_right_logical3A_833 : vector<16xi32>
        %and3A_835 = arith.constant 127 : i32
        %and3A_836 = vector.broadcast %and3A_835 : i32 to vector<16xi32>
        %and3A_837 = arith.andi %add3A_831, %and3A_836 : vector<16xi32>
        %gather3A_838 = tpu.vector_load_idx %arg10[%shift_right_logical3A_834, %and3A_837] : memref<40x128xf32, #tpu.memory_space<vmem>>[vector<16xi32>, vector<16xi32>], vector<16xf32>,
        %mul3A_839 = arith.mulf %get3A_825, %gather3A_838 : vector<16xf32>
        %add3A_840 = arith.addf %add3A_816, %mul3A_839 : vector<16xf32>
        %gather3A_841 = tpu.vector_load_idx %arg11[%shift_right_logical3A_834, %and3A_837] : memref<40x128xf32, #tpu.memory_space<vmem>>[vector<16xi32>, vector<16xi32>], vector<16xf32>,
        %mul3A_842 = arith.mulf %get3A_825, %gather3A_841 : vector<16xf32>
        %add3A_843 = arith.addf %add3A_819, %mul3A_842 : vector<16xf32>
        %add3A_844 = arith.constant 8 : i32
        %add3A_845 = vector.broadcast %add3A_844 : i32 to vector<16xi32>
        %add3A_846 = arith.addi %mul3A_52, %add3A_845 : vector<16xi32>
        tpu.vector_store_idx %arg12[%add3A_846], %add3A_840 : memref<3072xf32, #tpu.memory_space<vmem>>[vector<16xi32>], vector<16xf32>,
        %add3A_847 = arith.constant 8 : i32
        %add3A_848 = vector.broadcast %add3A_847 : i32 to vector<16xi32>
        %add3A_849 = arith.addi %mul3A_52, %add3A_848 : vector<16xi32>
        %add3A_850 = arith.constant 1 : i32
        %add3A_851 = vector.broadcast %add3A_850 : i32 to vector<16xi32>
        %add3A_852 = arith.addi %add3A_849, %add3A_851 : vector<16xi32>
        tpu.vector_store_idx %arg12[%add3A_852], %add3A_843 : memref<3072xf32, #tpu.memory_space<vmem>>[vector<16xi32>], vector<16xf32>,
        %mul3A_853 = arith.constant 16 : i32
        %mul3A_854 = arith.muli %scan3A_45, %mul3A_853 : i32
        %add3A_855 = arith.constant 4096 : i32
        %add3A_856 = arith.addi %add3A_855, %mul3A_854 : i32
        %get3A_857 = arith.index_cast %add3A_856 : i32 to index
        %get3A_858 = tpu.vector_load %arg9[%get3A_857] {strides = array<i32>} : memref<5120xf32, #tpu.memory_space<vmem>>, vector<16xf32>,
        %mul3A_859 = arith.constant 16 : i32
        %mul3A_860 = arith.muli %scan3A_45, %mul3A_859 : i32
        %add3A_861 = arith.constant 4096 : i32
        %add3A_862 = arith.addi %add3A_861, %mul3A_860 : i32
        %add3A_863 = vector.broadcast %add3A_862 : i32 to vector<16xi32>
        %add3A_864 = arith.addi %add3A_863, %iota3A : vector<16xi32>
        %shift_right_logical3A_865 = arith.constant 7 : i32
        %shift_right_logical3A_866 = vector.broadcast %shift_right_logical3A_865 : i32 to vector<16xi32>
        %shift_right_logical3A_867 = arith.shrui %add3A_864, %shift_right_logical3A_866 : vector<16xi32>
        %and3A_868 = arith.constant 127 : i32
        %and3A_869 = vector.broadcast %and3A_868 : i32 to vector<16xi32>
        %and3A_870 = arith.andi %add3A_864, %and3A_869 : vector<16xi32>
        %gather3A_871 = tpu.vector_load_idx %arg10[%shift_right_logical3A_867, %and3A_870] : memref<40x128xf32, #tpu.memory_space<vmem>>[vector<16xi32>, vector<16xi32>], vector<16xf32>,
        %mul3A_872 = arith.mulf %get3A_858, %gather3A_871 : vector<16xf32>
        %add3A_873 = arith.addf %broadcast_in_dim3A_1, %mul3A_872 : vector<16xf32>
        %gather3A_874 = tpu.vector_load_idx %arg11[%shift_right_logical3A_867, %and3A_870] : memref<40x128xf32, #tpu.memory_space<vmem>>[vector<16xi32>, vector<16xi32>], vector<16xf32>,
        %mul3A_875 = arith.mulf %get3A_858, %gather3A_874 : vector<16xf32>
        %add3A_876 = arith.addf %broadcast_in_dim3A_1, %mul3A_875 : vector<16xf32>
        %mul3A_877 = arith.constant 16 : i32
        %mul3A_878 = arith.muli %scan3A_45, %mul3A_877 : i32
        %add3A_879 = arith.constant 4224 : i32
        %add3A_880 = arith.addi %add3A_879, %mul3A_878 : i32
        %get3A_881 = arith.index_cast %add3A_880 : i32 to index
        %get3A_882 = tpu.vector_load %arg9[%get3A_881] {strides = array<i32>} : memref<5120xf32, #tpu.memory_space<vmem>>, vector<16xf32>,
        %mul3A_883 = arith.constant 16 : i32
        %mul3A_884 = arith.muli %scan3A_45, %mul3A_883 : i32
        %add3A_885 = arith.constant 4224 : i32
        %add3A_886 = arith.addi %add3A_885, %mul3A_884 : i32
        %add3A_887 = vector.broadcast %add3A_886 : i32 to vector<16xi32>
        %add3A_888 = arith.addi %add3A_887, %iota3A : vector<16xi32>
        %shift_right_logical3A_889 = arith.constant 7 : i32
        %shift_right_logical3A_890 = vector.broadcast %shift_right_logical3A_889 : i32 to vector<16xi32>
        %shift_right_logical3A_891 = arith.shrui %add3A_888, %shift_right_logical3A_890 : vector<16xi32>
        %and3A_892 = arith.constant 127 : i32
        %and3A_893 = vector.broadcast %and3A_892 : i32 to vector<16xi32>
        %and3A_894 = arith.andi %add3A_888, %and3A_893 : vector<16xi32>
        %gather3A_895 = tpu.vector_load_idx %arg10[%shift_right_logical3A_891, %and3A_894] : memref<40x128xf32, #tpu.memory_space<vmem>>[vector<16xi32>, vector<16xi32>], vector<16xf32>,
        %mul3A_896 = arith.mulf %get3A_882, %gather3A_895 : vector<16xf32>
        %add3A_897 = arith.addf %add3A_873, %mul3A_896 : vector<16xf32>
        %gather3A_898 = tpu.vector_load_idx %arg11[%shift_right_logical3A_891, %and3A_894] : memref<40x128xf32, #tpu.memory_space<vmem>>[vector<16xi32>, vector<16xi32>], vector<16xf32>,
        %mul3A_899 = arith.mulf %get3A_882, %gather3A_898 : vector<16xf32>
        %add3A_900 = arith.addf %add3A_876, %mul3A_899 : vector<16xf32>
        %mul3A_901 = arith.constant 16 : i32
        %mul3A_902 = arith.muli %scan3A_45, %mul3A_901 : i32
        %add3A_903 = arith.constant 4352 : i32
        %add3A_904 = arith.addi %add3A_903, %mul3A_902 : i32
        %get3A_905 = arith.index_cast %add3A_904 : i32 to index
        %get3A_906 = tpu.vector_load %arg9[%get3A_905] {strides = array<i32>} : memref<5120xf32, #tpu.memory_space<vmem>>, vector<16xf32>,
        %mul3A_907 = arith.constant 16 : i32
        %mul3A_908 = arith.muli %scan3A_45, %mul3A_907 : i32
        %add3A_909 = arith.constant 4352 : i32
        %add3A_910 = arith.addi %add3A_909, %mul3A_908 : i32
        %add3A_911 = vector.broadcast %add3A_910 : i32 to vector<16xi32>
        %add3A_912 = arith.addi %add3A_911, %iota3A : vector<16xi32>
        %shift_right_logical3A_913 = arith.constant 7 : i32
        %shift_right_logical3A_914 = vector.broadcast %shift_right_logical3A_913 : i32 to vector<16xi32>
        %shift_right_logical3A_915 = arith.shrui %add3A_912, %shift_right_logical3A_914 : vector<16xi32>
        %and3A_916 = arith.constant 127 : i32
        %and3A_917 = vector.broadcast %and3A_916 : i32 to vector<16xi32>
        %and3A_918 = arith.andi %add3A_912, %and3A_917 : vector<16xi32>
        %gather3A_919 = tpu.vector_load_idx %arg10[%shift_right_logical3A_915, %and3A_918] : memref<40x128xf32, #tpu.memory_space<vmem>>[vector<16xi32>, vector<16xi32>], vector<16xf32>,
        %mul3A_920 = arith.mulf %get3A_906, %gather3A_919 : vector<16xf32>
        %add3A_921 = arith.addf %add3A_897, %mul3A_920 : vector<16xf32>
        %gather3A_922 = tpu.vector_load_idx %arg11[%shift_right_logical3A_915, %and3A_918] : memref<40x128xf32, #tpu.memory_space<vmem>>[vector<16xi32>, vector<16xi32>], vector<16xf32>,
        %mul3A_923 = arith.mulf %get3A_906, %gather3A_922 : vector<16xf32>
        %add3A_924 = arith.addf %add3A_900, %mul3A_923 : vector<16xf32>
        %mul3A_925 = arith.constant 16 : i32
        %mul3A_926 = arith.muli %scan3A_45, %mul3A_925 : i32
        %add3A_927 = arith.constant 4480 : i32
        %add3A_928 = arith.addi %add3A_927, %mul3A_926 : i32
        %get3A_929 = arith.index_cast %add3A_928 : i32 to index
        %get3A_930 = tpu.vector_load %arg9[%get3A_929] {strides = array<i32>} : memref<5120xf32, #tpu.memory_space<vmem>>, vector<16xf32>,
        %mul3A_931 = arith.constant 16 : i32
        %mul3A_932 = arith.muli %scan3A_45, %mul3A_931 : i32
        %add3A_933 = arith.constant 4480 : i32
        %add3A_934 = arith.addi %add3A_933, %mul3A_932 : i32
        %add3A_935 = vector.broadcast %add3A_934 : i32 to vector<16xi32>
        %add3A_936 = arith.addi %add3A_935, %iota3A : vector<16xi32>
        %shift_right_logical3A_937 = arith.constant 7 : i32
        %shift_right_logical3A_938 = vector.broadcast %shift_right_logical3A_937 : i32 to vector<16xi32>
        %shift_right_logical3A_939 = arith.shrui %add3A_936, %shift_right_logical3A_938 : vector<16xi32>
        %and3A_940 = arith.constant 127 : i32
        %and3A_941 = vector.broadcast %and3A_940 : i32 to vector<16xi32>
        %and3A_942 = arith.andi %add3A_936, %and3A_941 : vector<16xi32>
        %gather3A_943 = tpu.vector_load_idx %arg10[%shift_right_logical3A_939, %and3A_942] : memref<40x128xf32, #tpu.memory_space<vmem>>[vector<16xi32>, vector<16xi32>], vector<16xf32>,
        %mul3A_944 = arith.mulf %get3A_930, %gather3A_943 : vector<16xf32>
        %add3A_945 = arith.addf %add3A_921, %mul3A_944 : vector<16xf32>
        %gather3A_946 = tpu.vector_load_idx %arg11[%shift_right_logical3A_939, %and3A_942] : memref<40x128xf32, #tpu.memory_space<vmem>>[vector<16xi32>, vector<16xi32>], vector<16xf32>,
        %mul3A_947 = arith.mulf %get3A_930, %gather3A_946 : vector<16xf32>
        %add3A_948 = arith.addf %add3A_924, %mul3A_947 : vector<16xf32>
        %mul3A_949 = arith.constant 16 : i32
        %mul3A_950 = arith.muli %scan3A_45, %mul3A_949 : i32
        %add3A_951 = arith.constant 4608 : i32
        %add3A_952 = arith.addi %add3A_951, %mul3A_950 : i32
        %get3A_953 = arith.index_cast %add3A_952 : i32 to index
        %get3A_954 = tpu.vector_load %arg9[%get3A_953] {strides = array<i32>} : memref<5120xf32, #tpu.memory_space<vmem>>, vector<16xf32>,
        %mul3A_955 = arith.constant 16 : i32
        %mul3A_956 = arith.muli %scan3A_45, %mul3A_955 : i32
        %add3A_957 = arith.constant 4608 : i32
        %add3A_958 = arith.addi %add3A_957, %mul3A_956 : i32
        %add3A_959 = vector.broadcast %add3A_958 : i32 to vector<16xi32>
        %add3A_960 = arith.addi %add3A_959, %iota3A : vector<16xi32>
        %shift_right_logical3A_961 = arith.constant 7 : i32
        %shift_right_logical3A_962 = vector.broadcast %shift_right_logical3A_961 : i32 to vector<16xi32>
        %shift_right_logical3A_963 = arith.shrui %add3A_960, %shift_right_logical3A_962 : vector<16xi32>
        %and3A_964 = arith.constant 127 : i32
        %and3A_965 = vector.broadcast %and3A_964 : i32 to vector<16xi32>
        %and3A_966 = arith.andi %add3A_960, %and3A_965 : vector<16xi32>
        %gather3A_967 = tpu.vector_load_idx %arg10[%shift_right_logical3A_963, %and3A_966] : memref<40x128xf32, #tpu.memory_space<vmem>>[vector<16xi32>, vector<16xi32>], vector<16xf32>,
        %mul3A_968 = arith.mulf %get3A_954, %gather3A_967 : vector<16xf32>
        %add3A_969 = arith.addf %add3A_945, %mul3A_968 : vector<16xf32>
        %gather3A_970 = tpu.vector_load_idx %arg11[%shift_right_logical3A_963, %and3A_966] : memref<40x128xf32, #tpu.memory_space<vmem>>[vector<16xi32>, vector<16xi32>], vector<16xf32>,
        %mul3A_971 = arith.mulf %get3A_954, %gather3A_970 : vector<16xf32>
        %add3A_972 = arith.addf %add3A_948, %mul3A_971 : vector<16xf32>
        %mul3A_973 = arith.constant 16 : i32
        %mul3A_974 = arith.muli %scan3A_45, %mul3A_973 : i32
        %add3A_975 = arith.constant 4736 : i32
        %add3A_976 = arith.addi %add3A_975, %mul3A_974 : i32
        %get3A_977 = arith.index_cast %add3A_976 : i32 to index
        %get3A_978 = tpu.vector_load %arg9[%get3A_977] {strides = array<i32>} : memref<5120xf32, #tpu.memory_space<vmem>>, vector<16xf32>,
        %mul3A_979 = arith.constant 16 : i32
        %mul3A_980 = arith.muli %scan3A_45, %mul3A_979 : i32
        %add3A_981 = arith.constant 4736 : i32
        %add3A_982 = arith.addi %add3A_981, %mul3A_980 : i32
        %add3A_983 = vector.broadcast %add3A_982 : i32 to vector<16xi32>
        %add3A_984 = arith.addi %add3A_983, %iota3A : vector<16xi32>
        %shift_right_logical3A_985 = arith.constant 7 : i32
        %shift_right_logical3A_986 = vector.broadcast %shift_right_logical3A_985 : i32 to vector<16xi32>
        %shift_right_logical3A_987 = arith.shrui %add3A_984, %shift_right_logical3A_986 : vector<16xi32>
        %and3A_988 = arith.constant 127 : i32
        %and3A_989 = vector.broadcast %and3A_988 : i32 to vector<16xi32>
        %and3A_990 = arith.andi %add3A_984, %and3A_989 : vector<16xi32>
        %gather3A_991 = tpu.vector_load_idx %arg10[%shift_right_logical3A_987, %and3A_990] : memref<40x128xf32, #tpu.memory_space<vmem>>[vector<16xi32>, vector<16xi32>], vector<16xf32>,
        %mul3A_992 = arith.mulf %get3A_978, %gather3A_991 : vector<16xf32>
        %add3A_993 = arith.addf %add3A_969, %mul3A_992 : vector<16xf32>
        %gather3A_994 = tpu.vector_load_idx %arg11[%shift_right_logical3A_987, %and3A_990] : memref<40x128xf32, #tpu.memory_space<vmem>>[vector<16xi32>, vector<16xi32>], vector<16xf32>,
        %mul3A_995 = arith.mulf %get3A_978, %gather3A_994 : vector<16xf32>
        %add3A_996 = arith.addf %add3A_972, %mul3A_995 : vector<16xf32>
        %mul3A_997 = arith.constant 16 : i32
        %mul3A_998 = arith.muli %scan3A_45, %mul3A_997 : i32
        %add3A_999 = arith.constant 4864 : i32
        %add3A_1000 = arith.addi %add3A_999, %mul3A_998 : i32
        %get3A_1001 = arith.index_cast %add3A_1000 : i32 to index
        %get3A_1002 = tpu.vector_load %arg9[%get3A_1001] {strides = array<i32>} : memref<5120xf32, #tpu.memory_space<vmem>>, vector<16xf32>,
        %mul3A_1003 = arith.constant 16 : i32
        %mul3A_1004 = arith.muli %scan3A_45, %mul3A_1003 : i32
        %add3A_1005 = arith.constant 4864 : i32
        %add3A_1006 = arith.addi %add3A_1005, %mul3A_1004 : i32
        %add3A_1007 = vector.broadcast %add3A_1006 : i32 to vector<16xi32>
        %add3A_1008 = arith.addi %add3A_1007, %iota3A : vector<16xi32>
        %shift_right_logical3A_1009 = arith.constant 7 : i32
        %shift_right_logical3A_1010 = vector.broadcast %shift_right_logical3A_1009 : i32 to vector<16xi32>
        %shift_right_logical3A_1011 = arith.shrui %add3A_1008, %shift_right_logical3A_1010 : vector<16xi32>
        %and3A_1012 = arith.constant 127 : i32
        %and3A_1013 = vector.broadcast %and3A_1012 : i32 to vector<16xi32>
        %and3A_1014 = arith.andi %add3A_1008, %and3A_1013 : vector<16xi32>
        %gather3A_1015 = tpu.vector_load_idx %arg10[%shift_right_logical3A_1011, %and3A_1014] : memref<40x128xf32, #tpu.memory_space<vmem>>[vector<16xi32>, vector<16xi32>], vector<16xf32>,
        %mul3A_1016 = arith.mulf %get3A_1002, %gather3A_1015 : vector<16xf32>
        %add3A_1017 = arith.addf %add3A_993, %mul3A_1016 : vector<16xf32>
        %gather3A_1018 = tpu.vector_load_idx %arg11[%shift_right_logical3A_1011, %and3A_1014] : memref<40x128xf32, #tpu.memory_space<vmem>>[vector<16xi32>, vector<16xi32>], vector<16xf32>,
        %mul3A_1019 = arith.mulf %get3A_1002, %gather3A_1018 : vector<16xf32>
        %add3A_1020 = arith.addf %add3A_996, %mul3A_1019 : vector<16xf32>
        %mul3A_1021 = arith.constant 16 : i32
        %mul3A_1022 = arith.muli %scan3A_45, %mul3A_1021 : i32
        %add3A_1023 = arith.constant 4992 : i32
        %add3A_1024 = arith.addi %add3A_1023, %mul3A_1022 : i32
        %get3A_1025 = arith.index_cast %add3A_1024 : i32 to index
        %get3A_1026 = tpu.vector_load %arg9[%get3A_1025] {strides = array<i32>} : memref<5120xf32, #tpu.memory_space<vmem>>, vector<16xf32>,
        %mul3A_1027 = arith.constant 16 : i32
        %mul3A_1028 = arith.muli %scan3A_45, %mul3A_1027 : i32
        %add3A_1029 = arith.constant 4992 : i32
        %add3A_1030 = arith.addi %add3A_1029, %mul3A_1028 : i32
        %add3A_1031 = vector.broadcast %add3A_1030 : i32 to vector<16xi32>
        %add3A_1032 = arith.addi %add3A_1031, %iota3A : vector<16xi32>
        %shift_right_logical3A_1033 = arith.constant 7 : i32
        %shift_right_logical3A_1034 = vector.broadcast %shift_right_logical3A_1033 : i32 to vector<16xi32>
        %shift_right_logical3A_1035 = arith.shrui %add3A_1032, %shift_right_logical3A_1034 : vector<16xi32>
        %and3A_1036 = arith.constant 127 : i32
        %and3A_1037 = vector.broadcast %and3A_1036 : i32 to vector<16xi32>
        %and3A_1038 = arith.andi %add3A_1032, %and3A_1037 : vector<16xi32>
        %gather3A_1039 = tpu.vector_load_idx %arg10[%shift_right_logical3A_1035, %and3A_1038] : memref<40x128xf32, #tpu.memory_space<vmem>>[vector<16xi32>, vector<16xi32>], vector<16xf32>,
        %mul3A_1040 = arith.mulf %get3A_1026, %gather3A_1039 : vector<16xf32>
        %add3A_1041 = arith.addf %add3A_1017, %mul3A_1040 : vector<16xf32>
        %gather3A_1042 = tpu.vector_load_idx %arg11[%shift_right_logical3A_1035, %and3A_1038] : memref<40x128xf32, #tpu.memory_space<vmem>>[vector<16xi32>, vector<16xi32>], vector<16xf32>,
        %mul3A_1043 = arith.mulf %get3A_1026, %gather3A_1042 : vector<16xf32>
        %add3A_1044 = arith.addf %add3A_1020, %mul3A_1043 : vector<16xf32>
        %add3A_1045 = arith.constant 10 : i32
        %add3A_1046 = vector.broadcast %add3A_1045 : i32 to vector<16xi32>
        %add3A_1047 = arith.addi %mul3A_52, %add3A_1046 : vector<16xi32>
        tpu.vector_store_idx %arg12[%add3A_1047], %add3A_1041 : memref<3072xf32, #tpu.memory_space<vmem>>[vector<16xi32>], vector<16xf32>,
        %add3A_1048 = arith.constant 10 : i32
        %add3A_1049 = vector.broadcast %add3A_1048 : i32 to vector<16xi32>
        %add3A_1050 = arith.addi %mul3A_52, %add3A_1049 : vector<16xi32>
        %add3A_1051 = arith.constant 1 : i32
        %add3A_1052 = vector.broadcast %add3A_1051 : i32 to vector<16xi32>
        %add3A_1053 = arith.addi %add3A_1050, %add3A_1052 : vector<16xi32>
        tpu.vector_store_idx %arg12[%add3A_1053], %add3A_1044 : memref<3072xf32, #tpu.memory_space<vmem>>[vector<16xi32>], vector<16xf32>,
      }
      %scan3A_42 = arith.constant 8 : i32
      %mul3A_43 = arith.constant 24 : i32
      %mul3A_44 = arith.muli %add3A_20, %mul3A_43 : i32
      "tpu.region"() ({
        %run_scoped3A = tpu.sem_alloc : memref<!tpu.dma_semaphore, #tpu.memory_space<semaphore_mem>>
        %dma_start3A = tpu.memref_slice %arg4[%mul3A_44] : memref<6291456xf32, #tpu.memory_space<hbm>> -> memref<3072xf32, #tpu.memory_space<hbm>>
        %dma_start3A_45 = tpu.memref_slice %arg4[%mul3A_44] : memref<6291456xf32, #tpu.memory_space<hbm>> -> memref<3072xf32, #tpu.memory_space<hbm>>
        tpu.enqueue_dma source(%arg12 : memref<3072xf32, #tpu.memory_space<vmem>>) target(%dma_start3A_45 : memref<3072xf32, #tpu.memory_space<hbm>>) target_semaphore(%run_scoped3A : memref<!tpu.dma_semaphore, #tpu.memory_space<semaphore_mem>>)
        %dma_wait3A = tpu.memref_slice %arg4[%mul3A_44] : memref<6291456xf32, #tpu.memory_space<hbm>> -> memref<3072xf32, #tpu.memory_space<hbm>>
        %dma_wait3A_46 = tpu.memref_slice %arg4[%mul3A_44] : memref<6291456xf32, #tpu.memory_space<hbm>> -> memref<3072xf32, #tpu.memory_space<hbm>>
        tpu.wait_dma2 semaphore(%run_scoped3A : memref<!tpu.dma_semaphore, #tpu.memory_space<semaphore_mem>>) src(%arg12 : memref<3072xf32, #tpu.memory_space<vmem>>) dst(%dma_wait3A_46 : memref<3072xf32, #tpu.memory_space<hbm>>)
        tpu.yield
      }) : () -> ()
    }
    %scan3A_14 = arith.constant 64 : i32
    return
  }
}

</mosaic_0001>

<sc_bundles>
// kernel: kernel.3.cloned.1.call-start
scs
__scs_entry_jumppad:
0x0: {  	(pc) =	sbr.rel $0x88, $3  }
0x1: {  	(tag) =	ssettag $0x0;
	lr =	simm.s32 $0x1  }
0x2: {  	[smem:$0x3F9F] =	sst lr;
	_ =	strace $0xD0000000  }
0x3: {  	_ = 	snop  }
0x4: {  	_ = 	snop  }
0x5: {  	_ = 	snop  }
0x6: {  	_ = 	snop  }
0x7: {  	_ = 	snop  }
__scs_overlays_trampoline_lowered:
0x8: {  	[smem:$0x3FAE] =	sst s0  }
0x9: {  	[smem:$0x3FAF] =	sst s1  }
0xa: {  	[smem:$0x3FB0] =	sst s2  }
0xb: {  	[smem:$0x3FB1] =	sst s3  }
0xc: {  	[smem:$0x3FB2] =	sst s4  }
0xd: {  	[smem:$0x3FB3] =	sst s5  }
0xe: {  	[smem:$0x3FB4] =	sst s6  }
0xf: {  	[smem:$0x3FB5] =	sst s7  }
0x10: {  	[smem:$0x3FB6] =	sst s8  }
0x11: {  	[smem:$0x3FB7] =	sst s9;
	s0 =	simm.s32 @!p0 $0x0  }
0x12: {  	s1 =	sld [smem:$0x3F9D];
	s0 =	simm.s32 @p0 $0x1  }
0x13: {  	[smem:$0x3FB8] =	sst s0;
	s0 =	simm.s32 @!p1 $0x0  }
0x14: {  	s2 =	sld [smem:$0x3F9C];
	s0 =	simm.s32 @p1 $0x1  }
0x15: {  	[smem:$0x3FB9] =	sst s0;
	s0 =	simm.s32 @!p2 $0x0  }
0x16: {  	s3 =	sld [smem:$0x3FDB];
	s0 =	simm.s32 @p2 $0x1  }
0x17: {  	s4 =	simm.s32 $0x1BF5;
	[smem:$0x3FBB] =	sst s0  }
0x18: {  	s0 =	sld [smem:$0x3F9E];
	_ =	swait.ge [sflag:s4], $0x0  }
0x19: {  	s7 =	sld [smem:$0x3F9F]  }
0x1a: {  	s8 =	sadd.s32 $0xFFFFE003, lr  }
0x1b: {  	s9 =	sadd.s32 $0xFFFFFEF7, lr;
	s5 =	simm.s32 $0xFFFFFFFF;
	p2 =	slt.u32 s8, $0xFFFFF086  }
0x1c: {  	p1 =	slt.u32 s9, $0xF7A;
	s5 =	simm.s32 @!p2 $0x0  }
0x1d: {  	s5 =	simm.s32 @p1 $0x1;
	p0 =	seq.s32 s7, s2  }
0x1e: {  	s7 =	smul.u32 @!p0 $0xF7A, s2;
	p2 =	seq.s32 @!p0 s5, $0x0  }
0x1f: {  	s9 =	smul.u32 $0xF7A, s1;
	s8 =	simm.s32 @!p0 $0x1BF5;
	p2 =	por !p2, p0  }
0x20: {  	[sflag:s8] =	ssyncset.s32 @!p0 $0xFFFFF086;
	s6 =	sadd.s32 @!p0 s3, s7;
	s7 =	simm.s32 @!p0 $0x108  }
0x21: {  	s3 =	sadd.s32 s3, s9;
	s6 =	sadd.s32 @!p0 $0x88, s6;
	s7 =	simm.s32 @p2 $0x1082  }
0x22: {  	[simem:s7], [sflag:s8] =	dma.local @!p0 [hbm:s6], $0xF7A  }
0x23: {  	s9 =	sor.u32 $0xD0000000, s2;
	s6 =	simm.s32 $0x108;
	_ =	swait.ge @!p0 [sflag:s8], $0x0  }
0x24: {  	s3 =	sadd.s32 $0x88, s3;
	s6 =	simm.s32 @!p1 $0x1082;
	[sflag:s4] =	ssyncset.s32 $0xFFFFF086  }
0x25: {  	[simem:s6], [sflag:s4] =	dma.local [hbm:s3], $0xF7A  }
0x26: {  	[smem:$0x3F9F] =	sst s1;
	(tag) =	ssettag s2;
	_ =	strace s9  }
0x27: {  	s1 =	sld [smem:$0x3FAF]  }
0x28: {  	s2 =	sld [smem:$0x3FB0]  }
0x29: {  	s4 =	sld [smem:$0x3FB2]  }
0x2a: {  	p0 =	seq.s32 s5, $0x0;
	s5 =	sld [smem:$0x3FB3]  }
0x2b: {  	s6 =	sld [smem:$0x3FB4]  }
0x2c: {  	s7 =	sld [smem:$0x3FB5]  }
0x2d: {  	s3 =	simm.s32 $0x108;
	s8 =	sld [smem:$0x3FB6]  }
0x2e: {  	s3 =	simm.s32 @!p0 $0x1082;
	s9 =	sld [smem:$0x3FB7]  }
0x2f: {  	lr =	sadd.s32 s0, s3;
	s0 =	sld [smem:$0x3FAE]  }
0x30: {  	s3 =	sld [smem:$0x3FB1]  }
0x31: {  	[smem:$0x3FBA] =	sst s10  }
0x32: {  	s10 =	sld [smem:$0x3FB8];
	_ =	sdelay $0x3  }
0x33: {  	p0 =	seq.s32 s10, $0x1;
	s10 =	sld [smem:$0x3FBA];
	_ =	sdelay $0x3  }
0x34: {  	[smem:$0x3FBA] =	sst s10  }
0x35: {  	s10 =	sld [smem:$0x3FB9];
	_ =	sdelay $0x3  }
0x36: {  	p1 =	seq.s32 s10, $0x1;
	s10 =	sld [smem:$0x3FBA];
	_ =	sdelay $0x3  }
0x37: {  	[smem:$0x3FBA] =	sst s10  }
0x38: {  	s10 =	sld [smem:$0x3FBB]  }
0x39: {  	_ = 	snop;
	(pc) =	sbr.ind lr, $3  }
0x3a: {  	_ = 	snop  }
0x3b: {  	_ = 	snop  }
0x3c: {  	p2 =	seq.s32 s10, $0x1;
	s10 =	sld [smem:$0x3FBA]  }
0x3d: {  	_ =	shalt  }
0x3e: {  	_ =	shalt  }
0x3f: {  	_ =	shalt  }
0x40: {  	_ =	shalt  }
0x41: {  	_ =	shalt  }
0x42: {  	_ =	shalt  }
0x43: {  	_ =	shalt  }
0x44: {  	_ =	shalt  }
0x45: {  	_ =	shalt  }
0x46: {  	_ =	shalt  }
0x47: {  	_ =	shalt  }
0x48: {  	_ =	shalt  }
0x49: {  	_ =	shalt  }
0x4a: {  	_ =	shalt  }
0x4b: {  	_ =	shalt  }
0x4c: {  	_ =	shalt  }
0x4d: {  	_ =	shalt  }
0x4e: {  	_ =	shalt  }
0x4f: {  	_ =	shalt  }
0x50: {  	_ =	shalt  }
0x51: {  	_ =	shalt  }
0x52: {  	_ =	shalt  }
0x53: {  	_ =	shalt  }
0x54: {  	_ =	shalt  }
0x55: {  	_ =	shalt  }
0x56: {  	_ =	shalt  }
0x57: {  	_ =	shalt  }
0x58: {  	_ =	shalt  }
0x59: {  	_ =	shalt  }
0x5a: {  	_ =	shalt  }
0x5b: {  	_ =	shalt  }
0x5c: {  	_ =	shalt  }
0x5d: {  	_ =	shalt  }
0x5e: {  	_ =	shalt  }
0x5f: {  	_ =	shalt  }
0x60: {  	_ =	shalt  }
0x61: {  	_ =	shalt  }
0x62: {  	_ =	shalt  }
0x63: {  	_ =	shalt  }
0x64: {  	_ =	shalt  }
0x65: {  	_ =	shalt  }
0x66: {  	_ =	shalt  }
0x67: {  	_ =	shalt  }
0x68: {  	_ =	shalt  }
0x69: {  	_ =	shalt  }
0x6a: {  	_ =	shalt  }
0x6b: {  	_ =	shalt  }
0x6c: {  	_ =	shalt  }
0x6d: {  	_ =	shalt  }
0x6e: {  	_ =	shalt  }
0x6f: {  	_ =	shalt  }
0x70: {  	_ =	shalt  }
0x71: {  	_ =	shalt  }
0x72: {  	_ =	shalt  }
0x73: {  	_ =	shalt  }
0x74: {  	_ =	shalt  }
0x75: {  	_ =	shalt  }
0x76: {  	_ =	shalt  }
0x77: {  	_ =	shalt  }
0x78: {  	_ =	shalt  }
0x79: {  	_ =	shalt  }
0x7a: {  	_ =	shalt  }
0x7b: {  	_ =	shalt  }
0x7c: {  	_ =	shalt  }
0x7d: {  	_ =	shalt  }
0x7e: {  	_ =	shalt  }
0x7f: {  	_ =	shalt  }
0x80: {  	_ =	shalt  }
0x81: {  	_ =	shalt  }
0x82: {  	_ =	shalt  }
0x83: {  	_ =	shalt  }
0x84: {  	_ =	shalt  }
0x85: {  	_ =	shalt  }
0x86: {  	_ =	shalt  }
0x87: {  	_ =	shalt  }
.Lfunc_end0:
.L_simem_size_0:
called_computation_lowered:
.L_overlay_start_0:
0x88: {  	s2 =	sld [smem:$0x3FD9]  }
0x89: {  	s3 =	sld [smem:$0x3FFE];
	_ =	sdelay $0x1  }
0x8a: {  	s1 =	srdreg.scid  }
0x8b: {  	s0 =	sand.u32 $0x1, s1  }
0x8c: {  	s17 =	sshll.u32 s0, $0xA;
	s2 =	sadd.s32 s3, s2  }
0x8d: {  	s2 =	sadd.s32 s2, s17  }
0x8e: {  	[smem:$0x3FC6] =	sst s2  }
0x8f: {  	_ = 	snop  }
0x90: {  	s2 =	sld [smem:$0x3FD0];
	(tm) =	ssettm $0x1  }
0x91: {  	s18 =	sld [smem:$0x3FFB];
	_ =	sdelay $0x3  }
0x92: {  	_ =	strace s18  }
0x93: {  	s3 =	sld [smem:$0x3FFC];
	_ =	sdelay $0x3  }
0x94: {  	_ =	strace s3  }
0x95: {  	s3 =	sld [smem:$0x3FFD];
	_ =	sdelay $0x3  }
0x96: {  	_ =	strace s3  }
0x97: {  	_ =	strace $0x8FFFFFFF  }
0x98: {  	s19 =	sld [smem:$0x3FDB];
	_ =	sdelay $0x1  }
0x99: {  	s4 =	simm.s32 $_scs_section_size  }
0x9a: {  	s5 =	simm.s32 $_size__tile_overlayer_lowered;
	s6 =	simm.s32 $_tile_overlayer_lowered  }
0x9b: {  	s22 =	simm.s32 $0x1BFF;
	s21 =	sshll.u32 s6, $0x1;
	s3 =	sadd.s32 s4, s19  }
0x9c: {  	s7 =	simm.s32 $0x0;
	s20 =	sshll.u32 s5, $0x1;
	s5 =	sadd.s32 s21, s3  }
0x9d: {  	[timem:s7], [sflag:s22] =	dma.local [hbm:s5], s20  }
0x9e: {  	_ =	swait.ge [sflag:s22], s20  }
0x9f: {  	s4 =	ssub.s32 $0x0, s20;
	[sflag:s22] =	ssyncset.done $0x0  }
0xa0: {  	[sflag:s22] =	ssyncadd.s32 s4;
	_ =	sdelay $0x1  }
0xa1: {  	s23 =	simm.s32 $0x1B8B  }
0xa2: {  	_ =	swait.ge [sflag:s23], $0x1  }
0xa3: {  	[sflag:s23] =	ssyncset.done $0x0  }
0xa4: {  	s25 =	simm.s32 $0x1B8E;
	s24 =	sld [smem:$0x3FFE];
	[sflag:s23] =	ssyncadd.s32 $0xFFFFFFFF  }
0xa5: {  	s26 =	simm.s32 $execute0_lowered;
	[smem:$0x3FD2] =	sst s25  }
0xa6: {  	s5 =	sshll.u32 s26, $0x1;
	_ =	strace $0x80000046;
	[dreg:$0x1] =	wrdreg $0xFFFFFFFF  }
0xa7: {  	s28 =	simm.s32 $_size_execute0_lowered;
	s3 =	sadd.s32 s3, s5;
	[dreg:$0x0] =	wrdreg $0x0  }
0xa8: {  	s5 =	sshll.u32 s28, $0x1;
	[dreg:$0x2] =	wrdreg s3  }
0xa9: {  	[dreg:$0x3] =	wrdreg s5  }
0xaa: {  	[dreg:$0x4] =	wrdreg $0xC0  }
0xab: {  	_ =	task [dreg:s7], $0x5FFFF  }
0xac: {  	[dreg:$0x1] =	wrdreg $0xFFFFFFFF  }
0xad: {  	[dreg:$0x0] =	wrdreg $0x60  }
0xae: {  	[dreg:$0x2] =	wrdreg s24  }
0xaf: {  	[dreg:$0x3] =	wrdreg s2  }
0xb0: {  	[dreg:$0x4] =	wrdreg $0x9  }
0xb1: {  	_ =	task.clear_ibuf [dreg:s7], $0x5FFFF;
	_ =	strace $0x90000046  }
0xb2: {  	s29 =	simm.s32 $0x9;
	_ =	strace $0x80000048  }
0xb3: {  	_ =	swait.ge [sflag:s29], $0x1  }
0xb4: {  	[sflag:s29] =	ssyncadd.s32 $0xFFFFFFFF  }
0xb5: {  	_ =	strace $0x90000048  }
0xb6: {  	_ =	sfence  }
0xb7: {  	s30 =	sld [smem:$0x0];
	_ =	sdelay $0x2  }
0xb8: {  	s31 =	sshll.u32 s1, $0xD;
	s1 =	sshrl.u32 s1, $0x2  }
0xb9: {  	s3 =	sand.u32 $0x4000, s31;
	s1 =	sadd.s32 s1, s30  }
0xba: {  	s0 =	sor.u32 s3, s0;
	s1 =	sshll.u32 s1, $0x11  }
0xbb: {  	s0 =	sor.u32 s1, s0  }
0xbc: {  	s0 =	sadd.s32 $0x8F2B, s0  }
0xbd: {  	[sflag:s0] =	ssyncadd.remote.s32 $0x1  }
0xbe: {  	_ =	sfence.sel $0xFFFF  }
0xbf: {  	[dreg:$0x0] =	wrdreg $0xFFFFFFFF;
	(pc) =	sbr.abs _section_cstart, $3  }
0xc0: {  	[dreg:$0x1] =	wrdreg $0xFFFFFFFF  }
0xc1: {  	_ =	task.clear_ibuf [dreg:s7], $0x2FFFF;
	_ =	strace $0x9FFFFFFF  }
0xc2: {  	(tm) =	ssettm $0x7FFFFFFF  }
0xc3: {  	_ =	shalt  }
tec
execute0_lowered:
.L_overlay_start_1:
0x0: {  	(tag) =	ssettag $0x1  }
0x1: {  	s3 =	rddreg [dreg:$0x0]  }
0x2: {  	s1 =	rddreg [dreg:$0x1]  }
0x3: {  	s0 =	rddreg [dreg:$0x2];
	s2 =	simm.s32 $0x0  }
0x4: {  	s4 =	srdreg.scid;
	s9 =	simm.s32 $0x180;
	s10 =	simm.s32 $0x2  }
0x5: {  	v0 =	vlaneseq.u32;
	s11 =	simm.s32 $0x27E8;
	s12 =	simm.s32 $0x3BE8;
	s13 =	simm.s32 $0x80  }
0x6: {  	s14 =	simm.s32 $0x1;
	s15 =	simm.s32 $0x63E8;
	s16 =	simm.s32 $0x77E8;
	v13 =	vmul.u32 $0x18, v0  }
0x7: {  	v2 =	vimm.f32 $0.0e+00;
	s17 =	simm.s32 $0x0;
	s6 =	sand.u32 $0x1, s4;
	s4 =	sadd.s32 $0x400600, s3;
	v14 =	vor.u32 $0x78, v0  }
0x8: {  	[smem:$0x7FF] =	sst s2;
	s5 =	sadd.s32 $0x4CD0C00, s3;
	s7 =	ssub.s32 $0x2, s6;
	v1 =	vadd.s32 $0xC, v13;
	v3 =	vadd.s32 $0xD, v13;
	v4 =	vadd.s32 $0xE, v13  }
0x9: {  	s3 =	stileid.u32;
	_ =	strace $0x80000047;
	s8 =	sshrl.u32 s7, $0x1;
	v5 =	vadd.s32 $0xF, v13;
	v6 =	vadd.s32 $0x10, v13;
	v7 =	vadd.s32 $0x11, v13  }
0xa: {  	s31 =	sshll.u32 s3, $0xE;
	s6 =	sshll.u32 s6, $0xD;
	v8 =	vadd.s32 $0x12, v13;
	v9 =	vadd.s32 $0x13, v13;
	v10 =	vadd.s32 $0x14, v13;
	s7 =	ssub.s32 s7, s8  }
0xb: {  	s6 =	sor.u32 s6, s31;
	v11 =	vadd.s32 $0x15, v13;
	v12 =	vadd.s32 $0x16, v13;
	v13 =	vadd.s32 $0x17, v13;
	s8 =	simm.s32 $0x8BE8;
	s7 =	smax.u32 s7, $0x1  }
.LBB2_1:
0xc: {  	v15 =	vmov s2  }
0xd: {  	v15 =	vmul.u32 $0x18, v15;
	_ =	sdelay $0x1  }
0xe: {  	v16 =	vbroadcast v15, $0x0;
	_ =	sdelay $0x1  }
0xf: {  	v20 =	vadd.s32 v1, v16  }
0x10: {  	v21 =	vadd.s32 v3, v16  }
0x11: {  	v18 =	vadd.s32 v4, v16  }
0x12: {  	v19 =	vadd.s32 v5, v16  }
0x13: {  	v17 =	vadd.s32 v6, v16  }
0x14: {  	[tilespmem:v20+s8+$0x0] =	vst.idx.msk $0xffff, v2;
	v20 =	vadd.s32 v7, v16  }
0x15: {  	s18 =	simm.s32 $0x10;
	v15 =	vadd.s32 v9, v16;
	[tilespmem:v21+s8+$0x0] =	vst.idx.msk $0xffff, v2;
	v21 =	vadd.s32 v8, v16  }
.LBB2_2:
0x16: {  	v22 =	vmov s18;
	p0 =	sne.s32 s18, $0x70;
	s18 =	sadd.s32 $0x10, s18;
	[tilespmem:v18+s8+$0x0] =	vst.idx.msk $0xffff, v2  }
0x17: {  	v18 =	vmul.u32 $0x18, v22;
	[tilespmem:v19+s8+$0x0] =	vst.idx.msk $0xffff, v2;
	v19 =	vadd.s32 v10, v16  }
0x18: {  	[tilespmem:v17+s8+$0x0] =	vst.idx.msk $0xffff, v2;
	v17 =	vadd.s32 v11, v16  }
0x19: {  	v18 =	vbroadcast v18, $0x0;
	[tilespmem:v20+s8+$0x0] =	vst.idx.msk $0xffff, v2;
	v20 =	vadd.s32 v12, v16  }
0x1a: {  	[tilespmem:v21+s8+$0x0] =	vst.idx.msk $0xffff, v2;
	v21 =	vadd.s32 v13, v16  }
0x1b: {  	v22 =	vadd.s32 v1, v18;
	[tilespmem:v15+s8+$0x0] =	vst.idx.msk $0xffff, v2;
	v15 =	vadd.s32 v9, v18;
	v16 =	vmov v18  }
0x1c: {  	v23 =	vadd.s32 v3, v16;
	[tilespmem:v19+s8+$0x0] =	vst.idx.msk $0xffff, v2  }
.Ltmp0:
0x1d: {  	v18 =	vadd.s32 v4, v16;
	[tilespmem:v17+s8+$0x0] =	vst.idx.msk $0xffff, v2;
	(pc) =	sbr.rel @p0 .LBB2_2-.Ltmp0, $4  }
0x1e: {  	v19 =	vadd.s32 v5, v16;
	[tilespmem:v20+s8+$0x0] =	vst.idx.msk $0xffff, v2  }
0x1f: {  	v17 =	vadd.s32 v6, v16;
	[tilespmem:v21+s8+$0x0] =	vst.idx.msk $0xffff, v2  }
0x20: {  	v20 =	vadd.s32 v7, v16;
	[tilespmem:v22+s8+$0x0] =	vst.idx.msk $0xffff, v2  }
0x21: {  	v21 =	vadd.s32 v8, v16;
	[tilespmem:v23+s8+$0x0] =	vst.idx.msk $0xffff, v2  }
0x22: {  	_ =	sdelay $0x3  }
0x23: {  	[tilespmem:v18+s8+$0x0] =	vst.idx.msk $0xffff, v2  }
0x24: {  	v60 =	vadd.s32 v10, v16;
	[tilespmem:v19+s8+$0x0] =	vst.idx.msk $0xffff, v2  }
0x25: {  	v61 =	vadd.s32 v11, v16;
	[tilespmem:v17+s8+$0x0] =	vst.idx.msk $0xffff, v2  }
0x26: {  	v62 =	vadd.s32 v12, v16;
	[tilespmem:v20+s8+$0x0] =	vst.idx.msk $0xffff, v2  }
0x27: {  	v63 =	vadd.s32 v13, v16;
	[tilespmem:v21+s8+$0x0] =	vst.idx.msk $0xffff, v2  }
0x28: {  	[tilespmem:v15+s8+$0x0] =	vst.idx.msk $0xffff, v2  }
0x29: {  	[tilespmem:v60+s8+$0x0] =	vst.idx.msk $0xffff, v2  }
0x2a: {  	[tilespmem:v61+s8+$0x0] =	vst.idx.msk $0xffff, v2  }
0x2b: {  	[tilespmem:v62+s8+$0x0] =	vst.idx.msk $0xffff, v2  }
0x2c: {  	s18 =	simm.s32 $0x0;
	[tilespmem:v63+s8+$0x0] =	vst.idx.msk $0xffff, v2  }
0x2d: {  	[tilespmem:s9], [sflag:$0x2] =	stream.linear.gather [hbm4b:s5+s18], $0x2668, $0x38;
	[tilespmem:$0x97E8] =	vst v63  }
0x2e: {  	_ =	swait.ge [sflag:s10], $0x2668  }
0x2f: {  	[sflag:s10] =	ssyncset.done $0x0  }
0x30: {  	[sflag:s10] =	ssyncadd.s32 $0xFFFFD998  }
.LBB2_4:
0x31: {  	s19 =	sshll.u32 s18, $0x7  }
0x32: {  	s19 =	sadd.s32 s6, s19  }
0x33: {  	s19 =	smul.u32 $0x3, s19;
	_ =	sdelay $0x1  }
0x34: {  	s20 =	sshrl.u32 s19, $0x3  }
0x35: {  	s20 =	sadd.s32 s4, s20  }
0x36: {  	[tilespmem:s2], [sflag:$0x2] =	stream.linear.gather [hbm4b:s20+s2], $0x180, $0x38;
	[tilespmem:$0x97E8] =	vst v63  }
0x37: {  	_ =	swait.ge [sflag:s10], $0x180  }
0x38: {  	[sflag:s10] =	ssyncset.done $0x0  }
0x39: {  	s21 =	simm.s32 $0x59E8;
	s20 =	simm.s32 $0x1380;
	[sflag:s10] =	ssyncadd.s32 $0xFFFFFE80  }
.LBB2_5:
0x3a: {  	s22 =	sadd.s32 $0xFFFFEC80, s20  }
0x3b: {  	v18 =	vor.u32 s22, v0  }
0x3c: {  	v15 =	vmul.u32 $0x3, v18;
	_ =	sdelay $0x1  }
0x3d: {  	v16 =	vadd.s32 $0x1, v15  }
0x3e: {  	v19 =	vadd.s32 $0x2, v15;
	_ =	sdelay $0x1  }
0x3f: {  	s24 =	simm.s32 $0x0  }
0x40: {  	v17 =	vld.idx.msk [tilespmem:v15+s24+$0x0], $0xffff  }
0x41: {  	v16 =	vld.idx.msk [tilespmem:v16+s24+$0x0], $0xffff  }
0x42: {  	v15 =	vld.idx.msk [tilespmem:v19+s24+$0x0], $0xffff;
	_ =	sdelay $0x3  }
0x43: {  	v46 =	vmul.f32 $1.500000000e+01, v17;
	v20 =	vmul.f32 $1.500000000e+01, v16  }
0x44: {  	v21 =	vmul.f32 $1.500000000e+01, v15  }
0x45: {  	v19 =	vadd.f32 $5.000000000e-01, v46;
	v20 =	vadd.f32 $5.000000000e-01, v20  }
0x46: {  	v21 =	vadd.f32 $5.000000000e-01, v21  }
0x47: {  	v22 =	vtrunc.f32 v19;
	v23 =	vtrunc.f32 v20  }
0x48: {  	v24 =	vtrunc.f32 v21;
	v23 =	vcvt.f32.s32 v23  }
0x49: {  	v22 =	vcvt.f32.s32 v22;
	v24 =	vcvt.f32.s32 v24  }
0x4a: {  	v26 =	vmul.u32 $0x11, v23  }
0x4b: {  	v25 =	vcvt.s32.f32 v22;
	v28 =	vadd.s32 $0x1, v22;
	v27 =	vmul.u32 $0x121, v24  }
0x4c: {  	v23 =	vcvt.s32.f32 v23;
	v24 =	vcvt.s32.f32 v24;
	v47 =	vadd.s32 v22, v26  }
0x4d: {  	v19 =	vsub.f32 v19, v25;
	v30 =	vadd.s32 v28, v26;
	v29 =	vadd.s32 v27, v47  }
0x4e: {  	v26 =	vadd.s32 $0x11, v26;
	v32 =	vadd.s32 v27, v30;
	v29 =	vshll.u32 v29, $0x1  }
0x4f: {  	v20 =	vsub.f32 v20, v23;
	v21 =	vsub.f32 v21, v24;
	v48 =	vshll.u32 v32, $0x1  }
0x50: {  	v22 =	vadd.s32 v22, v26;
	v33 =	vsub.f32 $1.000000000e+00, v19;
	v31 =	vor.u32 $0x1, v29  }
0x51: {  	v26 =	vadd.s32 v28, v26;
	v50 =	vadd.s32 v27, v22;
	v49 =	vor.u32 $0x1, v48  }
0x52: {  	v34 =	vsub.f32 $1.000000000e+00, v20;
	v37 =	vadd.s32 v27, v26;
	v32 =	vshll.u32 v50, $0x1  }
0x53: {  	v35 =	vsub.f32 $1.000000000e+00, v21;
	v27 =	vadd.s32 $0x121, v27;
	v37 =	vshll.u32 v37, $0x1;
	v29 =	vld.idx.msk [tilespmem:v29+s9+$0x0], $0xffff  }
0x54: {  	v25 =	vadd.s32 v47, v27;
	v22 =	vadd.s32 v27, v22;
	v36 =	vor.u32 $0x1, v32;
	v23 =	vld.idx.msk [tilespmem:v48+s9+$0x0], $0xffff  }
0x55: {  	v51 =	vmul.f32 v34, v33;
	v34 =	vmul.f32 v34, v19;
	v39 =	vor.u32 $0x1, v37;
	v31 =	vld.idx.msk [tilespmem:v31+s9+$0x0], $0xffff  }
0x56: {  	v33 =	vmul.f32 v20, v33;
	v25 =	vshll.u32 v25, $0x1;
	v19 =	vmul.f32 v20, v19;
	v24 =	vld.idx.msk [tilespmem:v49+s9+$0x0], $0xffff  }
0x57: {  	v22 =	vshll.u32 v22, $0x1;
	v38 =	vmul.f32 v35, v51;
	v40 =	vmul.f32 v35, v34;
	v32 =	vld.idx.msk [tilespmem:v32+s9+$0x0], $0xffff  }
0x58: {  	v30 =	vadd.s32 v30, v27;
	v54 =	vmul.f32 v35, v33;
	v58 =	vmul.f32 v35, v19;
	v37 =	vld.idx.msk [tilespmem:v37+s9+$0x0], $0xffff  }
0x59: {  	v55 =	vor.u32 $0x1, v25;
	v28 =	vmul.f32 v51, v21;
	v33 =	vmul.f32 v21, v33;
	v53 =	vld.idx.msk [tilespmem:v36+s9+$0x0], $0xffff  }
0x5a: {  	v30 =	vshll.u32 v30, $0x1;
	v19 =	vmul.f32 v21, v19;
	v57 =	vld.idx.msk [tilespmem:v39+s9+$0x0], $0xffff;
	v36 =	vmul.f32 $3.100000000e+01, v17  }
0x5b: {  	v62 =	vadd.s32 v27, v26;
	v25 =	vld.idx.msk [tilespmem:v25+s9+$0x0], $0xffff;
	v39 =	vmul.f32 $3.100000000e+01, v16;
	v29 =	vmul.f32 v38, v29  }
0x5c: {  	v61 =	vor.u32 $0x1, v22;
	v22 =	vld.idx.msk [tilespmem:v22+s9+$0x0], $0xffff;
	v23 =	vmul.f32 v40, v23;
	v52 =	vmul.f32 v38, v31  }
0x5d: {  	v26 =	vadd.f32 $5.000000000e-01, v36;
	v24 =	vmul.f32 v40, v24;
	v56 =	vmul.f32 v54, v32  }
0x5e: {  	v60 =	vld.idx.msk [tilespmem:v55+s9+$0x0], $0xffff;
	v41 =	vadd.f32 $5.000000000e-01, v39;
	v35 =	vmul.f32 v37, v58;
	v37 =	vmul.f32 v34, v21  }
0x5f: {  	v59 =	vor.u32 $0x1, v30;
	v30 =	vld.idx.msk [tilespmem:v30+s9+$0x0], $0xffff;
	v40 =	vmul.f32 $3.100000000e+01, v15;
	v43 =	vtrunc.f32 v26  }
0x60: {  	s26 =	sadd.s32 $0xFFFFED80, s20;
	v45 =	vtrunc.f32 v41;
	v31 =	vmul.f32 v54, v53  }
0x61: {  	v34 =	vor.u32 s26, v0;
	v25 =	vmul.f32 v25, v28;
	v22 =	vmul.f32 v22, v33  }
0x62: {  	s25 =	sadd.s32 $0xFFFFED00, s20;
	v29 =	vadd.f32 $0.0e+00, v29;
	v44 =	vcvt.f32.s32 v43;
	v46 =	vcvt.f32.s32 v45  }
0x63: {  	v43 =	vor.u32 s25, v0;
	v20 =	vadd.f32 $0.0e+00, v52;
	v63 =	vmul.f32 v60, v28  }
0x64: {  	v30 =	vmul.f32 v30, v37;
	v42 =	vadd.f32 $5.000000000e-01, v40;
	v23 =	vadd.f32 v29, v23  }
0x65: {  	v50 =	vcvt.s32.f32 v44;
	v51 =	vcvt.s32.f32 v46;
	v20 =	vadd.f32 v20, v24  }
0x66: {  	v29 =	vld.idx.msk [tilespmem:v59+s9+$0x0], $0xffff;
	v24 =	vmul.f32 v57, v58;
	v47 =	vtrunc.f32 v42;
	v23 =	vadd.f32 v23, v56  }
0x67: {  	s28 =	sadd.s32 $0xFFFFEE00, s20;
	v49 =	vcvt.f32.s32 v47;
	v53 =	vsub.f32 v41, v51;
	v51 =	vmul.f32 $6.300000000e+01, v16  }
0x68: {  	v57 =	vadd.s32 $0x1, v44;
	v47 =	vor.u32 s28, v0;
	v20 =	vadd.f32 v20, v31;
	v31 =	vld.idx.msk [tilespmem:v61+s9+$0x0], $0xffff  }
0x69: {  	s23 =	sadd.s32 $0xFFFFF000, s20;
	v23 =	vadd.f32 v23, v35;
	v52 =	vcvt.s32.f32 v49;
	v51 =	vadd.f32 $5.000000000e-01, v51  }
0x6a: {  	v35 =	vor.u32 s23, v0;
	v20 =	vadd.f32 v20, v24;
	v24 =	vshll.u32 v62, $0x1  }
0x6b: {  	v27 =	vmul.f32 v29, v37;
	v29 =	vsub.f32 $1.000000000e+00, v53;
	v23 =	vadd.f32 v23, v25  }
0x6c: {  	v38 =	vor.u32 $0x1, v24;
	v21 =	vsub.f32 v42, v52;
	v52 =	vmul.f32 $6.300000000e+01, v15  }
0x6d: {  	v20 =	vadd.f32 v20, v63;
	v23 =	vadd.f32 v23, v30;
	v48 =	vmul.f32 v31, v33  }
0x6e: {  	s29 =	sadd.s32 $0xFFFFEE80, s20;
	v55 =	vsub.f32 $1.000000000e+00, v21;
	v30 =	vmul.u32 $0x21, v46;
	v31 =	vmul.u32 $0x441, v49  }
0x6f: {  	v49 =	vor.u32 s29, v0;
	v52 =	vadd.f32 $5.000000000e-01, v52;
	v20 =	vadd.f32 v27, v20  }
0x70: {  	v27 =	vmul.u32 $0x18, v18;
	v18 =	vand.u32 v14, v18;
	v22 =	vadd.f32 v22, v23  }
0x71: {  	v23 =	vsub.f32 v26, v50;
	v58 =	vadd.s32 v44, v30;
	v62 =	vadd.s32 $0x21, v30  }
0x72: {  	v63 =	vadd.s32 $0x441, v31;
	v30 =	vadd.s32 v57, v30;
	v50 =	vmul.f32 $6.300000000e+01, v17  }
0x73: {  	v20 =	vadd.f32 v48, v20;
	v59 =	vadd.s32 v31, v58;
	v60 =	vadd.s32 v31, v30  }
0x74: {  	v25 =	vadd.s32 v44, v62;
	v26 =	vadd.s32 v57, v62;
	v33 =	vadd.s32 v58, v63  }
0x75: {  	v30 =	vadd.s32 v30, v63;
	v57 =	vtrunc.f32 v52;
	v54 =	vsub.f32 $1.000000000e+00, v23  }
0x76: {  	v36 =	vshll.u32 v59, $0x1;
	v39 =	vshll.u32 v60, $0x1;
	v42 =	vadd.s32 v31, v25  }
0x77: {  	v31 =	vadd.s32 v31, v26;
	v33 =	vshll.u32 v33, $0x1;
	v30 =	vshll.u32 v30, $0x1  }
0x78: {  	v24 =	vld.idx.msk [tilespmem:v24+s9+$0x0], $0xffff;
	v50 =	vadd.f32 $5.000000000e-01, v50;
	v25 =	vadd.s32 v63, v25;
	v57 =	vcvt.f32.s32 v57  }
0x79: {  	v28 =	vld.idx.msk [tilespmem:v38+s9+$0x0], $0xffff;
	v26 =	vadd.s32 v63, v26;
	v38 =	vadd.s32 $0x2662, v36;
	v36 =	vadd.s32 $0x2663, v36  }
0x7a: {  	v41 =	vadd.s32 $0x2662, v39;
	v39 =	vadd.s32 $0x2663, v39;
	v42 =	vshll.u32 v42, $0x1  }
0x7b: {  	v31 =	vshll.u32 v31, $0x1;
	v48 =	vadd.s32 $0x2662, v33;
	v33 =	vadd.s32 $0x2663, v33  }
0x7c: {  	v25 =	vshll.u32 v25, $0x1;
	v56 =	vmul.f32 v29, v54;
	v29 =	vmul.f32 v29, v23  }
0x7d: {  	v26 =	vshll.u32 v26, $0x1;
	v23 =	vmul.f32 v53, v23;
	v24 =	vmul.f32 v24, v19  }
0x7e: {  	v45 =	vadd.s32 $0x2662, v42;
	v19 =	vmul.f32 v28, v19;
	v28 =	vmul.f32 v53, v54  }
0x7f: {  	v42 =	vadd.s32 $0x2663, v42;
	v37 =	vmul.f32 v55, v56;
	v61 =	vmul.f32 v55, v29  }
0x80: {  	v46 =	vadd.s32 $0x2662, v31;
	v32 =	vmul.f32 v56, v21;
	v29 =	vmul.f32 v29, v21  }
0x81: {  	v56 =	vtrunc.f32 v51;
	v19 =	vadd.f32 v19, v20;
	v20 =	vor.u32 $0x1, v27  }
0x82: {  	v22 =	vadd.f32 v24, v22;
	v24 =	vmul.f32 v55, v23;
	v56 =	vcvt.f32.s32 v56  }
0x83: {  	s30 =	sadd.s32 $0xFFFFEF00, s20;
	v31 =	vadd.s32 $0x2663, v31;
	v44 =	vmul.f32 v55, v28;
	v55 =	vtrunc.f32 v50  }
0x84: {  	v53 =	vadd.s32 $0x2662, v30;
	v54 =	vor.u32 s30, v0;
	v55 =	vcvt.f32.s32 v55  }
0x85: {  	v30 =	vadd.s32 $0x2663, v30;
	v28 =	vmul.f32 v21, v28;
	[tilespmem:v27+s8+$0x0] =	vst.idx.msk $0xffff, v22;
	v62 =	vcvt.s32.f32 v56  }
0x86: {  	v22 =	vadd.s32 $0x2662, v25;
	v25 =	vadd.s32 $0x2663, v25;
	v58 =	vcvt.s32.f32 v55;
	[tilespmem:v20+s8+$0x0] =	vst.idx.msk $0xffff, v19  }
0x87: {  	s31 =	sadd.s32 $0xFFFFEF80, s20;
	v60 =	vmul.u32 $0x41, v56;
	v27 =	vsub.f32 v51, v62;
	v62 =	vadd.s32 $0x1, v55;
	[tilespmem:v18+s11+$0x0] =	vst.idx.msk $0xffff, v38  }
0x88: {  	v19 =	vor.u32 s31, v0;
	v63 =	vsub.f32 v50, v58;
	v50 =	vcvt.s32.f32 v57;
	[tilespmem:v18+s12+$0x0] =	vst.idx.msk $0xffff, v36  }
0x89: {  	v59 =	vsub.f32 $1.000000000e+00, v27;
	v18 =	vmul.f32 v21, v23;
	v21 =	vadd.s32 $0x2662, v26;
	[tilespmem:s21+$0xFFFFF600] =	vst v37  }
0x8a: {  	v23 =	vsub.f32 v52, v50;
	v58 =	vsub.f32 $1.000000000e+00, v63;
	v26 =	vadd.s32 $0x2663, v26;
	[tilespmem:v43+s11+$0x0] =	vst.idx.msk $0xffff, v41  }
0x8b: {  	v20 =	vmul.f32 v27, v63;
	v37 =	vmul.f32 v59, v63;
	v63 =	vadd.s32 $0x41, v60;
	[tilespmem:v43+s12+$0x0] =	vst.idx.msk $0xffff, v39  }
0x8c: {  	v38 =	vsub.f32 $1.000000000e+00, v23;
	v36 =	vmul.f32 v27, v58;
	v41 =	vadd.s32 v62, v60;
	[tilespmem:s21+$0xFFFFF680] =	vst v61  }
0x8d: {  	v52 =	vadd.s32 v55, v63;
	v40 =	vadd.s32 v62, v63;
	v43 =	vmul.u32 $0x1081, v57;
	[tilespmem:v34+s11+$0x0] =	vst.idx.msk $0xffff, v45  }
0x8e: {  	v63 =	vmul.f32 $1.270000000e+02, v16;
	v39 =	vmul.f32 v59, v58;
	v61 =	vadd.s32 v55, v60;
	[tilespmem:v34+s12+$0x0] =	vst.idx.msk $0xffff, v42  }
0x8f: {  	v57 =	vadd.s32 v43, v61;
	v59 =	vadd.s32 v43, v41;
	v55 =	vadd.s32 v43, v52;
	[tilespmem:s21+$0xFFFFF700] =	vst v44  }
0x90: {  	v45 =	vmul.f32 v38, v36;
	v34 =	vadd.s32 $0x1081, v43;
	v58 =	vshll.u32 v57, $0x1;
	[tilespmem:v47+s11+$0x0] =	vst.idx.msk $0xffff, v46  }
0x91: {  	v51 =	vshll.u32 v59, $0x1;
	v60 =	vshll.u32 v55, $0x1;
	v43 =	vadd.s32 v43, v40;
	[tilespmem:v47+s12+$0x0] =	vst.idx.msk $0xffff, v31  }
0x92: {  	v57 =	vmul.f32 $1.270000000e+02, v15;
	v44 =	vmul.f32 v38, v39;
	v50 =	vadd.s32 $0x13F24, v58;
	[tilespmem:s21+$0xFFFFF780] =	vst v24  }
0x93: {  	v42 =	vadd.s32 $0x13F25, v58;
	v43 =	vshll.u32 v43, $0x1;
	v27 =	vadd.s32 v61, v34;
	[tilespmem:v49+s11+$0x0] =	vst.idx.msk $0xffff, v48  }
0x94: {  	s24 =	sadd.s32 $0xFFFFF080, s20;
	v39 =	vmul.f32 v39, v23;
	v61 =	vmul.f32 $1.270000000e+02, v17;
	v62 =	vadd.s32 v41, v34;
	[tilespmem:v49+s12+$0x0] =	vst.idx.msk $0xffff, v33  }
0x95: {  	v41 =	vadd.f32 $5.000000000e-01, v63;
	v46 =	vor.u32 s24, v0;
	v27 =	vshll.u32 v27, $0x1;
	[tilespmem:s21+$0xFFFFF800] =	vst v32  }
0x96: {  	v55 =	vshll.u32 v62, $0x1;
	v62 =	vadd.s32 v34, v52;
	v34 =	vadd.s32 v34, v40;
	[tilespmem:v54+s11+$0x0] =	vst.idx.msk $0xffff, v53  }
0x97: {  	v31 =	vmul.f32 v38, v37;
	v47 =	vadd.s32 $0x13F24, v51;
	v51 =	vadd.s32 $0x13F25, v51;
	[tilespmem:v54+s12+$0x0] =	vst.idx.msk $0xffff, v30  }
0x98: {  	s25 =	sadd.s32 $0xFFFFF100, s20;
	s24 =	sadd.s32 $0xFFFFF480, s20;
	v38 =	vmul.f32 v38, v20;
	v56 =	vadd.f32 $5.000000000e-01, v61;
	v59 =	vtrunc.f32 v41;
	[tilespmem:s21+$0xFFFFF880] =	vst v29  }
0x99: {  	v20 =	vmul.f32 v23, v20;
	v52 =	vor.u32 s24, v0;
	v24 =	vor.u32 s25, v0;
	[tilespmem:v19+s11+$0x0] =	vst.idx.msk $0xffff, v22  }
0x9a: {  	s26 =	sadd.s32 $0xFFFFF180, s20;
	v48 =	vadd.s32 $0x13F24, v43;
	v58 =	vtrunc.f32 v56;
	v33 =	vadd.s32 $0x13F24, v60;
	[tilespmem:v19+s12+$0x0] =	vst.idx.msk $0xffff, v25  }
0x9b: {  	s28 =	sadd.s32 $0xFFFFF200, s20;
	s29 =	sadd.s32 $0xFFFFF280, s20;
	v49 =	vor.u32 s26, v0;
	v32 =	vadd.s32 $0x13F25, v60;
	v60 =	vcvt.f32.s32 v59;
	[tilespmem:s21+$0xFFFFF900] =	vst v28  }
0x9c: {  	v53 =	vor.u32 s28, v0;
	v30 =	vadd.s32 $0x13F25, v43;
	v43 =	vor.u32 s29, v0;
	[tilespmem:v35+s11+$0x0] =	vst.idx.msk $0xffff, v21  }
0x9d: {  	v29 =	vadd.s32 $0x13F24, v27;
	v22 =	vadd.s32 $0x13F25, v27;
	v27 =	vadd.f32 $5.000000000e-01, v57;
	[tilespmem:v35+s12+$0x0] =	vst.idx.msk $0xffff, v26  }
0x9e: {  	v54 =	vshll.u32 v62, $0x1;
	v57 =	vshll.u32 v34, $0x1;
	v28 =	vmul.f32 v37, v23;
	[tilespmem:s21+$0xFFFFF980] =	vst v18  }
0x9f: {  	v19 =	vmul.u32 $0x9E3779B1, v60;
	v61 =	vtrunc.f32 v27;
	v21 =	vmul.f32 v23, v36;
	[tilespmem:v46+s11+$0x0] =	vst.idx.msk $0xffff, v50  }
0xa0: {  	v37 =	vadd.s32 $0x13F24, v55;
	v36 =	vcvt.f32.s32 v61;
	v35 =	vcvt.f32.s32 v58;
	[tilespmem:v46+s12+$0x0] =	vst.idx.msk $0xffff, v42  }
0xa1: {  	s30 =	sadd.s32 $0xFFFFF300, s20;
	v23 =	vadd.s32 $0x13F25, v57;
	v18 =	vadd.s32 $0x13F25, v55;
	v55 =	vcvt.s32.f32 v60;
	[tilespmem:s21+$0xFFFFFA00] =	vst v44  }
0xa2: {  	s25 =	sadd.s32 $0xFFFFF500, s20;
	v26 =	vor.u32 s30, v0;
	v63 =	vcvt.s32.f32 v35;
	v60 =	vxor.u32 v35, v19;
	[tilespmem:v24+s11+$0x0] =	vst.idx.msk $0xffff, v47  }
0xa3: {  	s31 =	sadd.s32 $0xFFFFF380, s20;
	v61 =	vadd.s32 $0x1, v35;
	v50 =	vor.u32 s25, v0;
	v40 =	vsub.f32 v41, v55;
	[tilespmem:v24+s12+$0x0] =	vst.idx.msk $0xffff, v51  }
0xa4: {  	v41 =	vor.u32 s31, v0;
	v42 =	vadd.s32 $0x13F25, v54;
	v44 =	vadd.s32 $0x13F24, v54;
	[tilespmem:s21+$0xFFFFFA80] =	vst v31  }
0xa5: {  	v25 =	vsub.f32 v56, v63;
	v56 =	vcvt.s32.f32 v36;
	v36 =	vmul.u32 $0x30025795, v36;
	[tilespmem:v49+s11+$0x0] =	vst.idx.msk $0xffff, v33  }
0xa6: {  	v63 =	vadd.s32 $0x9E3779B1, v19;
	v19 =	vxor.u32 v61, v19;
	v59 =	vsub.f32 $1.000000000e+00, v40;
	[tilespmem:v49+s12+$0x0] =	vst.idx.msk $0xffff, v32  }
0xa7: {  	v35 =	vxor.u32 v35, v63;
	v24 =	vsub.f32 v27, v56;
	v27 =	vadd.s32 $0x13F24, v57;
	[tilespmem:s21+$0xFFFFFB00] =	vst v45  }
0xa8: {  	v58 =	vsub.f32 $1.000000000e+00, v25;
	v62 =	vxor.u32 v36, v60;
	v51 =	vmul.f32 $2.550000000e+02, v16;
	[tilespmem:v53+s11+$0x0] =	vst.idx.msk $0xffff, v48  }
0xa9: {  	v56 =	vxor.u32 v36, v35;
	v16 =	vmul.f32 $5.110000000e+02, v16;
	v34 =	vmul.f32 v59, v25;
	[tilespmem:v53+s12+$0x0] =	vst.idx.msk $0xffff, v30  }
0xaa: {  	s23 =	sadd.s32 $0xFFFFF400, s20;
	v25 =	vmul.f32 v40, v25;
	v47 =	vshll.u32 v62, $0x1;
	v62 =	vmul.f32 $2.550000000e+02, v17;
	[tilespmem:s21+$0xFFFFFB80] =	vst v38  }
0xab: {  	v17 =	vmul.f32 $5.110000000e+02, v17;
	v33 =	vor.u32 s23, v0;
	v46 =	vmul.f32 v59, v58;
	[tilespmem:v43+s11+$0x0] =	vst.idx.msk $0xffff, v29  }
0xac: {  	v31 =	vmul.f32 v40, v58;
	v47 =	vand.u32 $0xFFFFE, v47;
	v16 =	vadd.f32 $5.000000000e-01, v16;
	[tilespmem:v43+s12+$0x0] =	vst.idx.msk $0xffff, v22  }
0xad: {  	v32 =	vsub.f32 $1.000000000e+00, v24;
	v54 =	vadd.s32 $0x9A0A7, v47;
	v17 =	vadd.f32 $5.000000000e-01, v17;
	[tilespmem:s21+$0xFFFFFC00] =	vst v39  }
0xae: {  	v48 =	vadd.s32 $0x30025795, v36;
	v53 =	vxor.u32 v36, v19;
	v30 =	vxor.u32 v61, v63;
	[tilespmem:v26+s11+$0x0] =	vst.idx.msk $0xffff, v37  }
0xaf: {  	v60 =	vxor.u32 v60, v48;
	v19 =	vxor.u32 v19, v48;
	v63 =	vadd.f32 $5.000000000e-01, v62;
	[tilespmem:v26+s12+$0x0] =	vst.idx.msk $0xffff, v18  }
0xb0: {  	v38 =	vmul.f32 v32, v46;
	v55 =	vshll.u32 v53, $0x1;
	v36 =	vxor.u32 v36, v30;
	[tilespmem:s21+$0xFFFFFC80] =	vst v28  }
0xb1: {  	v19 =	vshll.u32 v19, $0x1;
	v53 =	vmul.f32 $2.550000000e+02, v15;
	v30 =	vxor.u32 v48, v30;
	[tilespmem:v41+s11+$0x0] =	vst.idx.msk $0xffff, v44  }
0xb2: {  	s30 =	sadd.s32 $0xFFFFF700, s20;
	v15 =	vmul.f32 $5.110000000e+02, v15;
	v29 =	vadd.s32 $0x9A0A6, v47;
	v47 =	vshll.u32 v56, $0x1;
	[tilespmem:v41+s12+$0x0] =	vst.idx.msk $0xffff, v42  }
0xb3: {  	v36 =	vshll.u32 v36, $0x1;
	v19 =	vand.u32 $0xFFFFE, v19;
	v56 =	vor.u32 s30, v0;
	[tilespmem:s21+$0xFFFFFD00] =	vst v21  }
0xb4: {  	v30 =	vshll.u32 v30, $0x1;
	v43 =	vand.u32 $0xFFFFE, v55;
	v59 =	vand.u32 $0xFFFFE, v47;
	[tilespmem:v33+s11+$0x0] =	vst.idx.msk $0xffff, v27  }
0xb5: {  	s31 =	sadd.s32 $0xFFFFF780, s20;
	v36 =	vand.u32 $0xFFFFE, v36;
	v55 =	vadd.s32 $0x9A0A6, v19;
	v19 =	vadd.s32 $0x9A0A7, v19;
	[tilespmem:v33+s12+$0x0] =	vst.idx.msk $0xffff, v23  }
0xb6: {  	v47 =	vor.u32 s31, v0;
	v15 =	vadd.f32 $5.000000000e-01, v15;
	v39 =	vmul.f32 v32, v34;
	[tilespmem:s21+$0xFFFFFD80] =	vst v20  }
0xb7: {  	s26 =	sadd.s32 $0xFFFFF580, s20;
	v57 =	vadd.s32 $0x9A0A6, v43;
	v58 =	vadd.s32 $0x9A0A7, v43;
	v40 =	vadd.s32 $0x9A0A6, v59;
	[tilespmem:v52+s11+$0x0] =	vst.idx.msk $0xffff, v29  }
0xb8: {  	v43 =	vor.u32 s26, v0;
	v34 =	vmul.f32 v34, v24;
	v26 =	vadd.s32 $0x9A0A7, v59;
	[tilespmem:v52+s12+$0x0] =	vst.idx.msk $0xffff, v54  }
0xb9: {  	s28 =	sadd.s32 $0xFFFFF600, s20;
	v28 =	vmul.f32 v32, v31;
	v32 =	vmul.f32 v32, v25;
	v41 =	vshll.u32 v60, $0x1;
	[tilespmem:s21+$0xFFFFFE00] =	vst v38  }
0xba: {  	v42 =	vor.u32 s28, v0;
	v21 =	vadd.s32 $0x9A0A6, v36;
	v61 =	vand.u32 $0xFFFFE, v41;
	[tilespmem:v50+s11+$0x0] =	vst.idx.msk $0xffff, v57  }
0xbb: {  	v41 =	vadd.f32 $5.000000000e-01, v53;
	v27 =	vadd.s32 $0x9A0A7, v36;
	v36 =	vadd.s32 $0x9A0A7, v61;
	[tilespmem:v50+s12+$0x0] =	vst.idx.msk $0xffff, v58  }
0xbc: {  	v23 =	vmul.f32 v46, v24;
	v52 =	vadd.f32 $5.000000000e-01, v51;
	v54 =	vtrunc.f32 v63;
	[tilespmem:s21+$0xFFFFFE80] =	vst v39  }
0xbd: {  	s29 =	sadd.s32 $0xFFFFF680, s20;
	s23 =	sadd.s32 $0xFFFFF800, s20;
	v33 =	vadd.s32 $0x9A0A6, v61;
	v61 =	vtrunc.f32 v41;
	v44 =	vcvt.f32.s32 v54;
	[tilespmem:v43+s11+$0x0] =	vst.idx.msk $0xffff, v40  }
0xbe: {  	v29 =	vor.u32 s29, v0;
	v51 =	vor.u32 s23, v0;
	v57 =	vtrunc.f32 v52;
	[tilespmem:v43+s12+$0x0] =	vst.idx.msk $0xffff, v26  }
0xbf: {  	v58 =	vxor.u32 v48, v35;
	v59 =	vcvt.f32.s32 v57;
	v60 =	vcvt.s32.f32 v44;
	[tilespmem:s21+$0xFFFFFF00] =	vst v28  }
0xc0: {  	s24 =	sadd.s32 $0xFFFFF880, s20;
	v48 =	vand.u32 $0xFFFFE, v30;
	v53 =	vadd.s32 $0x1, v44;
	v18 =	vshll.u32 v58, $0x1;
	[tilespmem:v42+s11+$0x0] =	vst.idx.msk $0xffff, v21  }
0xc1: {  	v39 =	vcvt.f32.s32 v61;
	v30 =	vadd.s32 $0x9A0A6, v48;
	v58 =	vor.u32 s24, v0;
	[tilespmem:v42+s12+$0x0] =	vst.idx.msk $0xffff, v27  }
0xc2: {  	v20 =	vsub.f32 v63, v60;
	v62 =	vcvt.s32.f32 v59;
	v63 =	vmul.f32 v24, v31;
	[tilespmem:s21+$0xFFFFFF80] =	vst v32  }
0xc3: {  	v18 =	vand.u32 $0xFFFFE, v18;
	v24 =	vmul.f32 v24, v25;
	v25 =	vadd.s32 $0x9A0A7, v48;
	[tilespmem:v29+s11+$0x0] =	vst.idx.msk $0xffff, v33  }
0xc4: {  	v35 =	vmul.u32 $0x9E3779B1, v59;
	v46 =	vcvt.s32.f32 v39;
	v39 =	vmul.u32 $0x30025795, v39;
	[tilespmem:v29+s12+$0x0] =	vst.idx.msk $0xffff, v36  }
0xc5: {  	v40 =	vtrunc.f32 v15;
	v45 =	vadd.s32 $0x9A0A6, v18;
	v22 =	vsub.f32 v52, v62;
	[tilespmem:s21+$0x0] =	vst v23  }
0xc6: {  	v18 =	vadd.s32 $0x9A0A7, v18;
	v49 =	vsub.f32 $1.000000000e+00, v20;
	v37 =	vadd.s32 $0x30025795, v39;
	[tilespmem:v56+s11+$0x0] =	vst.idx.msk $0xffff, v55  }
0xc7: {  	s25 =	sadd.s32 $0xFFFFF900, s20;
	v27 =	vsub.f32 v41, v46;
	v50 =	vsub.f32 $1.000000000e+00, v22;
	v32 =	vxor.u32 v44, v35;
	[tilespmem:v56+s12+$0x0] =	vst.idx.msk $0xffff, v19  }
0xc8: {  	v31 =	vmul.f32 v22, v49;
	v46 =	vor.u32 s25, v0;
	v54 =	vxor.u32 v39, v32;
	[tilespmem:s21+$0x80] =	vst v34  }
0xc9: {  	s28 =	sadd.s32 $0xFFFFFA00, s20;
	v52 =	vsub.f32 $1.000000000e+00, v27;
	v32 =	vxor.u32 v32, v37;
	v36 =	vmul.f32 v50, v49;
	[tilespmem:v47+s11+$0x0] =	vst.idx.msk $0xffff, v45  }
0xca: {  	v38 =	vshll.u32 v54, $0x1;
	v54 =	vor.u32 s28, v0;
	v32 =	vshll.u32 v32, $0x1;
	[tilespmem:v47+s12+$0x0] =	vst.idx.msk $0xffff, v18  }
0xcb: {  	v23 =	vmul.f32 v50, v20;
	v20 =	vmul.f32 v22, v20;
	v38 =	vand.u32 $0xFFFFE, v38;
	[tilespmem:s21+$0x100] =	vst v63  }
0xcc: {  	v48 =	vmul.f32 v52, v31;
	v31 =	vmul.f32 v27, v31;
	v55 =	vadd.s32 $0x9E3779B1, v35;
	[tilespmem:v51+s11+$0x0] =	vst.idx.msk $0xffff, v30  }
0xcd: {  	v35 =	vxor.u32 v53, v35;
	v57 =	vadd.s32 $0x19A0A6, v38;
	v60 =	vadd.s32 $0x19A0A7, v38;
	[tilespmem:v51+s12+$0x0] =	vst.idx.msk $0xffff, v25  }
0xce: {  	v56 =	vmul.f32 v52, v36;
	v59 =	vxor.u32 v39, v35;
	v38 =	vxor.u32 v44, v55;
	[tilespmem:s21+$0x180] =	vst v24  }
0xcf: {  	s26 =	sadd.s32 $0xFFFFF980, s20;
	v62 =	vmul.f32 v52, v23;
	v19 =	vxor.u32 v53, v55;
	v61 =	vshll.u32 v59, $0x1;
	[tilespmem:v58+s11+$0x0] =	vst.idx.msk $0xffff, v57  }
0xd0: {  	v52 =	vmul.f32 v52, v20;
	v21 =	vand.u32 $0xFFFFE, v61;
	v51 =	vor.u32 s26, v0;
	[tilespmem:v58+s12+$0x0] =	vst.idx.msk $0xffff, v60  }
0xd1: {  	v55 =	vand.u32 $0xFFFFE, v32;
	v45 =	vadd.s32 $0x19A0A6, v21;
	v63 =	vxor.u32 v39, v38;
	[tilespmem:s21+$0x200] =	vst v56  }
0xd2: {  	v23 =	vmul.f32 v23, v27;
	v21 =	vadd.s32 $0x19A0A7, v21;
	v41 =	vshll.u32 v63, $0x1;
	[tilespmem:v46+s11+$0x0] =	vst.idx.msk $0xffff, v45  }
0xd3: {  	s29 =	sadd.s32 $0xFFFFFA80, s20;
	v20 =	vmul.f32 v27, v20;
	v50 =	vxor.u32 v39, v19;
	v47 =	vand.u32 $0xFFFFE, v41;
	[tilespmem:v46+s12+$0x0] =	vst.idx.msk $0xffff, v21  }
0xd4: {  	v59 =	vor.u32 s29, v0;
	v34 =	vtrunc.f32 v17;
	v49 =	vadd.s32 $0x19A0A6, v47;
	[tilespmem:s21+$0x280] =	vst v62  }
0xd5: {  	s30 =	sadd.s32 $0xFFFFFB00, s20;
	v19 =	vxor.u32 v37, v19;
	v33 =	vshll.u32 v50, $0x1;
	v25 =	vadd.s32 $0x19A0A7, v47;
	[tilespmem:v51+s11+$0x0] =	vst.idx.msk $0xffff, v49  }
0xd6: {  	s31 =	sadd.s32 $0xFFFFFB80, s20;
	s24 =	sadd.s32 $0xFFFFFC80, s20;
	v61 =	vor.u32 s30, v0;
	v19 =	vshll.u32 v19, $0x1;
	v53 =	vand.u32 $0xFFFFE, v33;
	[tilespmem:v51+s12+$0x0] =	vst.idx.msk $0xffff, v25  }
0xd7: {  	v50 =	vor.u32 s24, v0;
	v33 =	vadd.s32 $0x19A0A6, v53;
	v29 =	vadd.s32 $0x19A0A7, v53;
	[tilespmem:s21+$0x300] =	vst v48  }
0xd8: {  	v39 =	vor.u32 s31, v0;
	v30 =	vadd.s32 $0x19A0A7, v55;
	v63 =	vxor.u32 v37, v38;
	[tilespmem:v54+s11+$0x0] =	vst.idx.msk $0xffff, v33  }
0xd9: {  	v38 =	vtrunc.f32 v16;
	v22 =	vshll.u32 v63, $0x1;
	v56 =	vxor.u32 v35, v37;
	[tilespmem:v54+s12+$0x0] =	vst.idx.msk $0xffff, v29  }
0xda: {  	v41 =	vcvt.f32.s32 v40;
	v58 =	vadd.s32 $0x19A0A6, v55;
	v32 =	vshll.u32 v56, $0x1;
	[tilespmem:s21+$0x380] =	vst v52  }
0xdb: {  	v22 =	vand.u32 $0xFFFFE, v22;
	v57 =	vmul.f32 v36, v27;
	v32 =	vand.u32 $0xFFFFE, v32;
	[tilespmem:v59+s11+$0x0] =	vst.idx.msk $0xffff, v58  }
0xdc: {  	v60 =	vadd.s32 $0x19A0A6, v32;
	v62 =	vadd.s32 $0x19A0A7, v32;
	v32 =	vcvt.f32.s32 v38;
	[tilespmem:v59+s12+$0x0] =	vst.idx.msk $0xffff, v30  }
0xdd: {  	v19 =	vand.u32 $0xFFFFE, v19;
	v36 =	vadd.s32 $0x19A0A6, v22;
	v29 =	vcvt.f32.s32 v34;
	[tilespmem:s21+$0x400] =	vst v57  }
0xde: {  	s23 =	sadd.s32 $0xFFFFFC00, s20;
	v22 =	vadd.s32 $0x19A0A7, v22;
	v44 =	vcvt.s32.f32 v41;
	v43 =	vcvt.s32.f32 v32;
	[tilespmem:v61+s11+$0x0] =	vst.idx.msk $0xffff, v60  }
0xdf: {  	v26 =	vmul.u32 $0x30025795, v41;
	v45 =	vor.u32 s23, v0;
	v42 =	vcvt.s32.f32 v29;
	[tilespmem:v61+s12+$0x0] =	vst.idx.msk $0xffff, v62  }
0xe0: {  	s25 =	sadd.s32 $0xFFFFFD00, s20;
	v15 =	vsub.f32 v15, v44;
	v47 =	vmul.u32 $0x9E3779B1, v32;
	v16 =	vsub.f32 v16, v43;
	[tilespmem:s21+$0x480] =	vst v23  }
0xe1: {  	v56 =	vor.u32 s25, v0;
	v46 =	vadd.s32 $0x19A0A6, v19;
	v17 =	vsub.f32 v17, v42;
	[tilespmem:v39+s11+$0x0] =	vst.idx.msk $0xffff, v36  }
0xe2: {  	v19 =	vadd.s32 $0x19A0A7, v19;
	v49 =	vsub.f32 $1.000000000e+00, v16;
	[tilespmem:v39+s12+$0x0] =	vst.idx.msk $0xffff, v22;
	v22 =	vxor.u32 v29, v47  }
0xe3: {  	v53 =	vadd.s32 $0x1, v29;
	v48 =	vsub.f32 $1.000000000e+00, v17;
	[tilespmem:s21+$0x500] =	vst v31;
	v52 =	vxor.u32 v26, v22  }
0xe4: {  	v51 =	vsub.f32 $1.000000000e+00, v15;
	v55 =	vxor.u32 v53, v47;
	[tilespmem:v45+s11+$0x0] =	vst.idx.msk $0xffff, v46;
	v31 =	vshll.u32 v52, $0x1  }
0xe5: {  	v57 =	vadd.s32 $0x9E3779B1, v47;
	v30 =	vmul.f32 v49, v48;
	[tilespmem:v45+s12+$0x0] =	vst.idx.msk $0xffff, v19;
	v54 =	vand.u32 $0xFFFFE, v31  }
0xe6: {  	v59 =	vxor.u32 v26, v55;
	v63 =	vxor.u32 v29, v57;
	[tilespmem:s21+$0x580] =	vst v20;
	v58 =	vadd.s32 $0x29A0A6, v54  }
0xe7: {  	s26 =	sadd.s32 $0xFFFFFD80, s20;
	v61 =	vshll.u32 v59, $0x1;
	v60 =	vmul.f32 v51, v30;
	v19 =	vadd.s32 $0x29A0A7, v54;
	[tilespmem:v50+s11+$0x0] =	vst.idx.msk $0xffff, v58  }
0xe8: {  	s28 =	sadd.s32 $0xFFFFFE00, s20;
	v21 =	vmul.f32 v49, v17;
	v62 =	vand.u32 $0xFFFFE, v61;
	v36 =	vor.u32 s26, v0;
	[tilespmem:v50+s12+$0x0] =	vst.idx.msk $0xffff, v19  }
0xe9: {  	v42 =	vor.u32 s28, v0;
	v38 =	vxor.u32 v26, v63;
	v37 =	vadd.s32 $0x29A0A6, v62;
	[tilespmem:s21+$0x600] =	vst v60  }
0xea: {  	v40 =	vshll.u32 v38, $0x1;
	v39 =	vmul.f32 v51, v21;
	v19 =	vadd.s32 $0x29A0A7, v62;
	[tilespmem:v56+s11+$0x0] =	vst.idx.msk $0xffff, v37  }
0xeb: {  	v18 =	vmul.f32 v16, v48;
	v41 =	vand.u32 $0xFFFFE, v40;
	v20 =	vxor.u32 v53, v57;
	[tilespmem:v56+s12+$0x0] =	vst.idx.msk $0xffff, v19  }
0xec: {  	v16 =	vmul.f32 v16, v17;
	v43 =	vadd.s32 $0x29A0A6, v41;
	v44 =	vxor.u32 v26, v20;
	[tilespmem:s21+$0x680] =	vst v39  }
0xed: {  	s29 =	sadd.s32 $0xFFFFFE80, s20;
	v46 =	vadd.s32 $0x29A0A7, v41;
	v45 =	vmul.f32 v51, v18;
	v47 =	vshll.u32 v44, $0x1;
	[tilespmem:v36+s11+$0x0] =	vst.idx.msk $0xffff, v43  }
0xee: {  	v49 =	vor.u32 s29, v0;
	v26 =	vadd.s32 $0x30025795, v26;
	v48 =	vand.u32 $0xFFFFE, v47;
	[tilespmem:v36+s12+$0x0] =	vst.idx.msk $0xffff, v46  }
0xef: {  	v22 =	vxor.u32 v22, v26;
	v50 =	vadd.s32 $0x29A0A6, v48;
	[tilespmem:s21+$0x700] =	vst v45  }
0xf0: {  	s30 =	sadd.s32 $0xFFFFFF00, s20;
	v28 =	vmul.f32 v51, v16;
	v22 =	vshll.u32 v22, $0x1;
	v17 =	vadd.s32 $0x29A0A7, v48;
	[tilespmem:v42+s11+$0x0] =	vst.idx.msk $0xffff, v50  }
0xf1: {  	v52 =	vor.u32 s30, v0;
	v51 =	vand.u32 $0xFFFFE, v22;
	[tilespmem:v42+s12+$0x0] =	vst.idx.msk $0xffff, v17  }
0xf2: {  	v25 =	vxor.u32 v55, v26;
	v53 =	vadd.s32 $0x29A0A6, v51;
	[tilespmem:s21+$0x780] =	vst v28  }
0xf3: {  	s31 =	sadd.s32 $0xFFFFFF80, s20;
	v54 =	vmul.f32 v30, v15;
	v55 =	vshll.u32 v25, $0x1;
	v17 =	vadd.s32 $0x29A0A7, v51;
	[tilespmem:v49+s11+$0x0] =	vst.idx.msk $0xffff, v53  }
0xf4: {  	v57 =	vor.u32 s31, v0;
	v56 =	vand.u32 $0xFFFFE, v55;
	[tilespmem:v49+s12+$0x0] =	vst.idx.msk $0xffff, v17  }
0xf5: {  	v23 =	vxor.u32 v26, v63;
	v24 =	vadd.s32 $0x29A0A6, v56;
	[tilespmem:s21+$0x800] =	vst v54  }
0xf6: {  	v21 =	vmul.f32 v21, v15;
	v23 =	vshll.u32 v23, $0x1;
	v17 =	vadd.s32 $0x29A0A7, v56;
	[tilespmem:v52+s11+$0x0] =	vst.idx.msk $0xffff, v24  }
0xf7: {  	v59 =	vor.u32 s20, v0;
	v58 =	vand.u32 $0xFFFFE, v23;
	[tilespmem:v52+s12+$0x0] =	vst.idx.msk $0xffff, v17  }
0xf8: {  	v20 =	vxor.u32 v26, v20;
	v60 =	vadd.s32 $0x29A0A6, v58;
	[tilespmem:s21+$0x880] =	vst v21  }
0xf9: {  	p0 =	sne.s32 s20, $0x13F0;
	v18 =	vmul.f32 v15, v18;
	v20 =	vshll.u32 v20, $0x1;
	v17 =	vadd.s32 $0x29A0A7, v58;
	[tilespmem:v57+s11+$0x0] =	vst.idx.msk $0xffff, v60  }
.Ltmp1:
0xfa: {  	v61 =	vand.u32 $0xFFFFE, v20;
	[tilespmem:v57+s12+$0x0] =	vst.idx.msk $0xffff, v17;
	(pc) =	sbr.rel @p0 .LBB2_5-.Ltmp1, $4  }
0xfb: {  	v62 =	vadd.s32 $0x29A0A6, v61;
	[tilespmem:s21+$0x900] =	vst v18  }
0xfc: {  	v15 =	vmul.f32 v15, v16;
	v63 =	vadd.s32 $0x29A0A7, v61;
	[tilespmem:v59+s11+$0x0] =	vst.idx.msk $0xffff, v62  }
0xfd: {  	[tilespmem:v59+s12+$0x0] =	vst.idx.msk $0xffff, v63  }
0xfe: {  	s20 =	sadd.s32 $0x10, s20;
	[tilespmem:s21+$0x980] =	vst v15;
	s21 =	sadd.s32 $0x10, s21  }
0xff: {  	s20 =	simm.s32 $0x63E8;
	s21 =	simm.s32 $0x27E8  }
0x100: {  	[tilespmem:s20], [sflag:$0x1] =	stream.indirect.gather [hbm4b:s5+s13], $0x1, s21, s13, $0xb8;
	[tilespmem:$0x97E8] =	vst v63  }
0x101: {  	s22 =	simm.s32 $0x3BE8;
	s20 =	simm.s32 $0x200;
	s21 =	simm.s32 $0x77E8  }
.LBB2_7:
0x102: {  	[tilespmem:s21], [sflag:$0x1] =	stream.indirect.gather [hbm4b:s5+s13], $0x1, s22, s13, $0xb8;
	[tilespmem:$0x97E8] =	vst v63  }
0x103: {  	s21 =	smov.u32 s20;
	p0 =	sne.s32 s20, $0x4E00  }
.Ltmp2:
0x104: {  	s20 =	sadd.s32 $0x200, s20;
	(pc) =	sbr.rel @p0 .LBB2_7-.Ltmp2, $4  }
0x105: {  	s22 =	sshra.s32 s21, $0x2  }
0x106: {  	s21 =	sadd.s32 $0x63E8, s22;
	s23 =	sadd.s32 $0x27E8, s22  }
0x107: {  	[tilespmem:s21], [sflag:$0x1] =	stream.indirect.gather [hbm4b:s5+s13], $0x1, s23, s13, $0xb8;
	[tilespmem:$0x97E8] =	vst v63  }
0x108: {  	s21 =	sadd.s32 $0x77E8, s22;
	s22 =	sadd.s32 $0x3BE8, s22  }
0x109: {  	[tilespmem:s21], [sflag:$0x1] =	stream.indirect.gather [hbm4b:s5+s13], $0x1, s22, s13, $0xb8;
	[tilespmem:$0x97E8] =	vst v63  }
0x10a: {  	_ =	swait.ge [sflag:s14], $0x80  }
0x10b: {  	[sflag:s14] =	ssyncset.done $0x0  }
0x10c: {  	[sflag:s14] =	ssyncadd.s32 $0xFFFFFF80  }
0x10d: {  	_ =	swait.ge [sflag:s14], $0x80  }
0x10e: {  	s20 =	simm.s32 $0x27;
	[sflag:s14] =	ssyncset.done $0x0  }
.LBB2_9:
0x10f: {  	p0 =	sne.s32 s20, $0x1;
	s20 =	sadd.s32 $0xFFFFFFFF, s20;
	[sflag:s14] =	ssyncadd.s32 $0xFFFFFF80  }
.Ltmp3:
0x110: {  	_ =	swait.ge [sflag:s14], $0x80;
	(pc) =	sbr.rel @p0 .LBB2_9-.Ltmp3, $4  }
0x111: {  	[sflag:s14] =	ssyncset.done $0x0  }
0x112: {  	[sflag:s14] =	ssyncadd.s32 $0xFFFFFF80  }
0x113: {  	_ =	swait.ge [sflag:s14], $0x80  }
0x114: {  	[sflag:s14] =	ssyncset.done $0x0  }
0x115: {  	[sflag:s14] =	ssyncadd.s32 $0xFFFFFF80;
	s20 =	simm.s32 $0x1380;
	s21 =	simm.s32 $0x59E8  }
.LBB2_11:
0x116: {  	v18 =	vld [tilespmem:s21+$0xFFFFF600]  }
0x117: {  	s22 =	sadd.s32 $0xFFFFEC80, s20;
	v21 =	vld [tilespmem:s21+$0xFFFFF680]  }
0x118: {  	v24 =	vld [tilespmem:s21+$0xFFFFF700];
	v15 =	vor.u32 s22, v0  }
0x119: {  	v27 =	vld [tilespmem:s21+$0xFFFFF780];
	v16 =	vand.u32 v14, v15  }
0x11a: {  	s25 =	sadd.s32 $0xFFFFED00, s20;
	v30 =	vld [tilespmem:s21+$0xFFFFF800]  }
0x11b: {  	v32 =	vld [tilespmem:s21+$0xFFFFF880];
	v17 =	vor.u32 s25, v0  }
0x11c: {  	s26 =	sadd.s32 $0xFFFFED80, s20;
	v57 =	vld [tilespmem:s21+$0xFFFFF900]  }
0x11d: {  	v63 =	vld [tilespmem:s21+$0xFFFFF980];
	v20 =	vor.u32 s26, v0  }
0x11e: {  	s28 =	sadd.s32 $0xFFFFEE00, s20;
	v19 =	vld.idx.msk [tilespmem:v16+s15+$0x0], $0xffff  }
0x11f: {  	v23 =	vor.u32 s28, v0;
	v16 =	vld.idx.msk [tilespmem:v16+s16+$0x0], $0xffff  }
0x120: {  	s29 =	sadd.s32 $0xFFFFEE80, s20;
	v22 =	vld.idx.msk [tilespmem:v17+s15+$0x0], $0xffff  }
0x121: {  	v26 =	vor.u32 s29, v0;
	v17 =	vld.idx.msk [tilespmem:v17+s16+$0x0], $0xffff  }
0x122: {  	s30 =	sadd.s32 $0xFFFFEF00, s20;
	v25 =	vld.idx.msk [tilespmem:v20+s15+$0x0], $0xffff  }
0x123: {  	v29 =	vor.u32 s30, v0;
	v20 =	vld.idx.msk [tilespmem:v20+s16+$0x0], $0xffff;
	v19 =	vmul.f32 v19, v18  }
0x124: {  	s31 =	sadd.s32 $0xFFFFEF80, s20;
	v28 =	vld.idx.msk [tilespmem:v23+s15+$0x0], $0xffff;
	v16 =	vmul.f32 v16, v18  }
0x125: {  	v51 =	vor.u32 s31, v0;
	v23 =	vld.idx.msk [tilespmem:v23+s16+$0x0], $0xffff;
	v22 =	vmul.f32 v22, v21;
	v19 =	vadd.f32 $0.0e+00, v19  }
0x126: {  	s23 =	sadd.s32 $0xFFFFF000, s20;
	v31 =	vld.idx.msk [tilespmem:v26+s15+$0x0], $0xffff;
	v17 =	vmul.f32 v17, v21;
	v16 =	vadd.f32 $0.0e+00, v16  }
0x127: {  	v55 =	vor.u32 s23, v0;
	v50 =	vld.idx.msk [tilespmem:v26+s16+$0x0], $0xffff;
	v53 =	vmul.f32 v25, v24;
	v19 =	vadd.f32 v22, v19  }
0x128: {  	v52 =	vld.idx.msk [tilespmem:v29+s15+$0x0], $0xffff;
	v56 =	vmul.f32 v20, v24;
	v16 =	vadd.f32 v17, v16  }
0x129: {  	v54 =	vld.idx.msk [tilespmem:v29+s16+$0x0], $0xffff;
	v58 =	vmul.f32 v28, v27;
	v19 =	vadd.f32 v53, v19  }
0x12a: {  	v59 =	vld.idx.msk [tilespmem:v51+s15+$0x0], $0xffff;
	v60 =	vmul.f32 v23, v27;
	v16 =	vadd.f32 v56, v16  }
0x12b: {  	v61 =	vld.idx.msk [tilespmem:v51+s16+$0x0], $0xffff;
	v62 =	vmul.f32 v31, v30;
	v19 =	vadd.f32 v58, v19  }
0x12c: {  	v27 =	vmul.f32 v50, v30;
	v28 =	vld.idx.msk [tilespmem:v55+s15+$0x0], $0xffff;
	v16 =	vadd.f32 v60, v16  }
0x12d: {  	v29 =	vld.idx.msk [tilespmem:v55+s16+$0x0], $0xffff;
	v21 =	vmul.f32 v52, v32;
	v19 =	vadd.f32 v62, v19  }
0x12e: {  	v15 =	vmul.u32 $0x18, v15;
	v30 =	vmul.f32 v54, v32;
	v16 =	vadd.f32 v27, v16  }
0x12f: {  	v31 =	vmul.f32 v59, v57;
	v19 =	vadd.f32 v21, v19  }
0x130: {  	v33 =	vor.u32 $0x2, v15;
	v32 =	vmul.f32 v61, v57;
	v16 =	vadd.f32 v30, v16  }
0x131: {  	v34 =	vor.u32 $0x3, v15;
	v18 =	vmul.f32 v28, v63;
	v19 =	vadd.f32 v31, v19  }
0x132: {  	s24 =	sadd.s32 $0xFFFFF080, s20;
	v35 =	vmul.f32 v29, v63;
	v16 =	vadd.f32 v32, v16  }
0x133: {  	v36 =	vor.u32 s24, v0;
	v18 =	vadd.f32 v18, v19  }
0x134: {  	v16 =	vadd.f32 v35, v16  }
0x135: {  	s25 =	sadd.s32 $0xFFFFF100, s20;
	[tilespmem:v33+s8+$0x0] =	vst.idx.msk $0xffff, v18  }
0x136: {  	v37 =	vor.u32 s25, v0;
	[tilespmem:v34+s8+$0x0] =	vst.idx.msk $0xffff, v16  }
0x137: {  	v38 =	vld [tilespmem:s21+$0xFFFFFA00]  }
0x138: {  	s26 =	sadd.s32 $0xFFFFF180, s20;
	v18 =	vld.idx.msk [tilespmem:v36+s15+$0x0], $0xffff  }
0x139: {  	v39 =	vor.u32 s26, v0;
	v19 =	vld.idx.msk [tilespmem:v36+s16+$0x0], $0xffff  }
0x13a: {  	v21 =	vld [tilespmem:s21+$0xFFFFFA80]  }
0x13b: {  	s28 =	sadd.s32 $0xFFFFF200, s20;
	v40 =	vld.idx.msk [tilespmem:v37+s15+$0x0], $0xffff  }
0x13c: {  	v41 =	vor.u32 s28, v0;
	v16 =	vld.idx.msk [tilespmem:v37+s16+$0x0], $0xffff  }
0x13d: {  	v42 =	vld [tilespmem:s21+$0xFFFFFB00]  }
0x13e: {  	s29 =	sadd.s32 $0xFFFFF280, s20;
	v43 =	vld.idx.msk [tilespmem:v39+s15+$0x0], $0xffff  }
0x13f: {  	v44 =	vor.u32 s29, v0;
	v20 =	vld.idx.msk [tilespmem:v39+s16+$0x0], $0xffff  }
0x140: {  	v45 =	vld [tilespmem:s21+$0xFFFFFB80]  }
0x141: {  	s30 =	sadd.s32 $0xFFFFF300, s20;
	v46 =	vld.idx.msk [tilespmem:v41+s15+$0x0], $0xffff  }
0x142: {  	v47 =	vor.u32 s30, v0;
	v23 =	vld.idx.msk [tilespmem:v41+s16+$0x0], $0xffff  }
0x143: {  	v48 =	vld [tilespmem:s21+$0xFFFFFC00]  }
0x144: {  	s31 =	sadd.s32 $0xFFFFF380, s20;
	v49 =	vld.idx.msk [tilespmem:v44+s15+$0x0], $0xffff;
	v18 =	vmul.f32 v18, v38  }
0x145: {  	v51 =	vor.u32 s31, v0;
	v50 =	vld.idx.msk [tilespmem:v44+s16+$0x0], $0xffff;
	v17 =	vmul.f32 v19, v38  }
0x146: {  	v52 =	vld [tilespmem:s21+$0xFFFFFC80];
	v22 =	vmul.f32 v40, v21;
	v18 =	vadd.f32 $0.0e+00, v18  }
0x147: {  	s23 =	sadd.s32 $0xFFFFF400, s20;
	v53 =	vld.idx.msk [tilespmem:v47+s15+$0x0], $0xffff;
	v16 =	vmul.f32 v16, v21;
	v17 =	vadd.f32 $0.0e+00, v17  }
0x148: {  	v56 =	vor.u32 s23, v0;
	v55 =	vld.idx.msk [tilespmem:v47+s16+$0x0], $0xffff;
	v54 =	vmul.f32 v43, v42;
	v18 =	vadd.f32 v22, v18  }
0x149: {  	v58 =	vld [tilespmem:s21+$0xFFFFFD00];
	v57 =	vmul.f32 v20, v42;
	v16 =	vadd.f32 v16, v17  }
0x14a: {  	v60 =	vld.idx.msk [tilespmem:v51+s15+$0x0], $0xffff;
	v59 =	vmul.f32 v46, v45;
	v18 =	vadd.f32 v54, v18  }
0x14b: {  	v62 =	vld.idx.msk [tilespmem:v51+s16+$0x0], $0xffff;
	v61 =	vmul.f32 v23, v45;
	v16 =	vadd.f32 v57, v16  }
0x14c: {  	v28 =	vld [tilespmem:s21+$0xFFFFFD80];
	v63 =	vmul.f32 v49, v48;
	v18 =	vadd.f32 v59, v18  }
0x14d: {  	v33 =	vld.idx.msk [tilespmem:v56+s15+$0x0], $0xffff;
	v31 =	vmul.f32 v50, v48;
	v16 =	vadd.f32 v61, v16  }
0x14e: {  	v34 =	vld.idx.msk [tilespmem:v56+s16+$0x0], $0xffff;
	v21 =	vmul.f32 v53, v52;
	v18 =	vadd.f32 v63, v18  }
0x14f: {  	v35 =	vmul.f32 v55, v52;
	v16 =	vadd.f32 v31, v16  }
0x150: {  	v36 =	vmul.f32 v60, v58;
	v18 =	vadd.f32 v21, v18  }
0x151: {  	v37 =	vmul.f32 v62, v58;
	v38 =	vor.u32 $0x4, v15;
	v16 =	vadd.f32 v35, v16  }
0x152: {  	v39 =	vor.u32 $0x5, v15;
	v19 =	vmul.f32 v33, v28;
	v18 =	vadd.f32 v36, v18  }
0x153: {  	s24 =	sadd.s32 $0xFFFFF480, s20;
	v40 =	vmul.f32 v34, v28;
	v16 =	vadd.f32 v37, v16  }
0x154: {  	v41 =	vor.u32 s24, v0;
	v18 =	vadd.f32 v19, v18  }
0x155: {  	v16 =	vadd.f32 v40, v16  }
0x156: {  	s25 =	sadd.s32 $0xFFFFF500, s20;
	[tilespmem:v38+s8+$0x0] =	vst.idx.msk $0xffff, v18  }
0x157: {  	v42 =	vor.u32 s25, v0;
	[tilespmem:v39+s8+$0x0] =	vst.idx.msk $0xffff, v16  }
0x158: {  	v43 =	vld [tilespmem:s21+$0xFFFFFE00]  }
0x159: {  	s26 =	sadd.s32 $0xFFFFF580, s20;
	v18 =	vld.idx.msk [tilespmem:v41+s15+$0x0], $0xffff  }
0x15a: {  	v44 =	vor.u32 s26, v0;
	v19 =	vld.idx.msk [tilespmem:v41+s16+$0x0], $0xffff  }
0x15b: {  	v21 =	vld [tilespmem:s21+$0xFFFFFE80]  }
0x15c: {  	s28 =	sadd.s32 $0xFFFFF600, s20;
	v45 =	vld.idx.msk [tilespmem:v42+s15+$0x0], $0xffff  }
0x15d: {  	v46 =	vor.u32 s28, v0;
	v16 =	vld.idx.msk [tilespmem:v42+s16+$0x0], $0xffff  }
0x15e: {  	v47 =	vld [tilespmem:s21+$0xFFFFFF00]  }
0x15f: {  	s29 =	sadd.s32 $0xFFFFF680, s20;
	v48 =	vld.idx.msk [tilespmem:v44+s15+$0x0], $0xffff  }
0x160: {  	v49 =	vor.u32 s29, v0;
	v20 =	vld.idx.msk [tilespmem:v44+s16+$0x0], $0xffff  }
0x161: {  	v50 =	vld [tilespmem:s21+$0xFFFFFF80]  }
0x162: {  	s30 =	sadd.s32 $0xFFFFF700, s20;
	v51 =	vld.idx.msk [tilespmem:v46+s15+$0x0], $0xffff  }
0x163: {  	v52 =	vor.u32 s30, v0;
	v23 =	vld.idx.msk [tilespmem:v46+s16+$0x0], $0xffff  }
0x164: {  	v53 =	vld [tilespmem:s21+$0x0]  }
0x165: {  	s31 =	sadd.s32 $0xFFFFF780, s20;
	v54 =	vld.idx.msk [tilespmem:v49+s15+$0x0], $0xffff;
	v18 =	vmul.f32 v18, v43  }
0x166: {  	v56 =	vor.u32 s31, v0;
	v55 =	vld.idx.msk [tilespmem:v49+s16+$0x0], $0xffff;
	v17 =	vmul.f32 v19, v43  }
0x167: {  	v57 =	vld [tilespmem:s21+$0x80];
	v22 =	vmul.f32 v45, v21;
	v18 =	vadd.f32 $0.0e+00, v18  }
0x168: {  	s23 =	sadd.s32 $0xFFFFF800, s20;
	v58 =	vld.idx.msk [tilespmem:v52+s15+$0x0], $0xffff;
	v16 =	vmul.f32 v16, v21;
	v17 =	vadd.f32 $0.0e+00, v17  }
0x169: {  	v61 =	vor.u32 s23, v0;
	v60 =	vld.idx.msk [tilespmem:v52+s16+$0x0], $0xffff;
	v59 =	vmul.f32 v48, v47;
	v18 =	vadd.f32 v22, v18  }
0x16a: {  	v63 =	vld [tilespmem:s21+$0x100];
	v62 =	vmul.f32 v20, v47;
	v16 =	vadd.f32 v16, v17  }
0x16b: {  	v33 =	vld.idx.msk [tilespmem:v56+s15+$0x0], $0xffff;
	v28 =	vmul.f32 v51, v50;
	v18 =	vadd.f32 v59, v18  }
0x16c: {  	v35 =	vld.idx.msk [tilespmem:v56+s16+$0x0], $0xffff;
	v34 =	vmul.f32 v23, v50;
	v16 =	vadd.f32 v62, v16  }
0x16d: {  	v37 =	vld [tilespmem:s21+$0x180];
	v36 =	vmul.f32 v54, v53;
	v18 =	vadd.f32 v28, v18  }
0x16e: {  	v39 =	vld.idx.msk [tilespmem:v61+s15+$0x0], $0xffff;
	v38 =	vmul.f32 v55, v53;
	v16 =	vadd.f32 v34, v16  }
0x16f: {  	v40 =	vld.idx.msk [tilespmem:v61+s16+$0x0], $0xffff;
	v21 =	vmul.f32 v58, v57;
	v18 =	vadd.f32 v36, v18  }
0x170: {  	v41 =	vmul.f32 v60, v57;
	v16 =	vadd.f32 v38, v16  }
0x171: {  	v42 =	vmul.f32 v33, v63;
	v18 =	vadd.f32 v21, v18  }
0x172: {  	v44 =	vor.u32 $0x6, v15;
	v43 =	vmul.f32 v35, v63;
	v16 =	vadd.f32 v41, v16  }
0x173: {  	v19 =	vmul.f32 v39, v37;
	v45 =	vor.u32 $0x7, v15;
	v18 =	vadd.f32 v42, v18  }
0x174: {  	s24 =	sadd.s32 $0xFFFFF880, s20;
	v46 =	vmul.f32 v40, v37;
	v16 =	vadd.f32 v43, v16  }
0x175: {  	v47 =	vor.u32 s24, v0;
	v18 =	vadd.f32 v19, v18  }
0x176: {  	v16 =	vadd.f32 v46, v16  }
0x177: {  	s25 =	sadd.s32 $0xFFFFF900, s20;
	[tilespmem:v44+s8+$0x0] =	vst.idx.msk $0xffff, v18  }
0x178: {  	v48 =	vor.u32 s25, v0;
	[tilespmem:v45+s8+$0x0] =	vst.idx.msk $0xffff, v16  }
0x179: {  	v49 =	vld [tilespmem:s21+$0x200]  }
0x17a: {  	s26 =	sadd.s32 $0xFFFFF980, s20;
	v18 =	vld.idx.msk [tilespmem:v47+s15+$0x0], $0xffff  }
0x17b: {  	v50 =	vor.u32 s26, v0;
	v19 =	vld.idx.msk [tilespmem:v47+s16+$0x0], $0xffff  }
0x17c: {  	v21 =	vld [tilespmem:s21+$0x280]  }
0x17d: {  	s28 =	sadd.s32 $0xFFFFFA00, s20;
	v51 =	vld.idx.msk [tilespmem:v48+s15+$0x0], $0xffff  }
0x17e: {  	v52 =	vor.u32 s28, v0;
	v16 =	vld.idx.msk [tilespmem:v48+s16+$0x0], $0xffff  }
0x17f: {  	v53 =	vld [tilespmem:s21+$0x300]  }
0x180: {  	s29 =	sadd.s32 $0xFFFFFA80, s20;
	v54 =	vld.idx.msk [tilespmem:v50+s15+$0x0], $0xffff  }
0x181: {  	v55 =	vor.u32 s29, v0;
	v20 =	vld.idx.msk [tilespmem:v50+s16+$0x0], $0xffff  }
0x182: {  	v56 =	vld [tilespmem:s21+$0x380]  }
0x183: {  	s30 =	sadd.s32 $0xFFFFFB00, s20;
	v57 =	vld.idx.msk [tilespmem:v52+s15+$0x0], $0xffff  }
0x184: {  	v58 =	vor.u32 s30, v0;
	v23 =	vld.idx.msk [tilespmem:v52+s16+$0x0], $0xffff  }
0x185: {  	v59 =	vld [tilespmem:s21+$0x400]  }
0x186: {  	s31 =	sadd.s32 $0xFFFFFB80, s20;
	v60 =	vld.idx.msk [tilespmem:v55+s15+$0x0], $0xffff;
	v18 =	vmul.f32 v18, v49  }
0x187: {  	v62 =	vor.u32 s31, v0;
	v61 =	vld.idx.msk [tilespmem:v55+s16+$0x0], $0xffff;
	v17 =	vmul.f32 v19, v49  }
0x188: {  	v63 =	vld [tilespmem:s21+$0x480];
	v22 =	vmul.f32 v51, v21;
	v18 =	vadd.f32 $0.0e+00, v18  }
0x189: {  	s23 =	sadd.s32 $0xFFFFFC00, s20;
	v35 =	vld.idx.msk [tilespmem:v58+s15+$0x0], $0xffff;
	v16 =	vmul.f32 v16, v21;
	v17 =	vadd.f32 $0.0e+00, v17  }
0x18a: {  	v38 =	vor.u32 s23, v0;
	v37 =	vld.idx.msk [tilespmem:v58+s16+$0x0], $0xffff;
	v36 =	vmul.f32 v54, v53;
	v18 =	vadd.f32 v22, v18  }
0x18b: {  	v40 =	vld [tilespmem:s21+$0x500];
	v39 =	vmul.f32 v20, v53;
	v16 =	vadd.f32 v16, v17  }
0x18c: {  	v42 =	vld.idx.msk [tilespmem:v62+s15+$0x0], $0xffff;
	v41 =	vmul.f32 v57, v56;
	v18 =	vadd.f32 v36, v18  }
0x18d: {  	v44 =	vld.idx.msk [tilespmem:v62+s16+$0x0], $0xffff;
	v43 =	vmul.f32 v23, v56;
	v16 =	vadd.f32 v39, v16  }
0x18e: {  	v46 =	vld [tilespmem:s21+$0x580];
	v45 =	vmul.f32 v60, v59;
	v18 =	vadd.f32 v41, v18  }
0x18f: {  	v48 =	vld.idx.msk [tilespmem:v38+s15+$0x0], $0xffff;
	v47 =	vmul.f32 v61, v59;
	v16 =	vadd.f32 v43, v16  }
0x190: {  	v21 =	vmul.f32 v35, v63;
	v49 =	vld.idx.msk [tilespmem:v38+s16+$0x0], $0xffff;
	v18 =	vadd.f32 v45, v18  }
0x191: {  	v50 =	vmul.f32 v37, v63;
	v16 =	vadd.f32 v47, v16  }
0x192: {  	v51 =	vmul.f32 v42, v40;
	v18 =	vadd.f32 v21, v18  }
0x193: {  	v52 =	vmul.f32 v44, v40;
	v53 =	vadd.s32 $0x8, v15;
	v16 =	vadd.f32 v50, v16  }
0x194: {  	v19 =	vmul.f32 v48, v46;
	v54 =	vadd.s32 $0x9, v15;
	v18 =	vadd.f32 v51, v18  }
0x195: {  	s24 =	sadd.s32 $0xFFFFFC80, s20;
	v55 =	vmul.f32 v49, v46;
	v16 =	vadd.f32 v52, v16  }
0x196: {  	v56 =	vor.u32 s24, v0;
	v18 =	vadd.f32 v19, v18  }
0x197: {  	v16 =	vadd.f32 v55, v16  }
0x198: {  	s25 =	sadd.s32 $0xFFFFFD00, s20;
	[tilespmem:v53+s8+$0x0] =	vst.idx.msk $0xffff, v18  }
0x199: {  	v57 =	vor.u32 s25, v0;
	[tilespmem:v54+s8+$0x0] =	vst.idx.msk $0xffff, v16  }
0x19a: {  	v58 =	vld [tilespmem:s21+$0x600]  }
0x19b: {  	s26 =	sadd.s32 $0xFFFFFD80, s20;
	v18 =	vld.idx.msk [tilespmem:v56+s15+$0x0], $0xffff  }
0x19c: {  	v59 =	vor.u32 s26, v0;
	v19 =	vld.idx.msk [tilespmem:v56+s16+$0x0], $0xffff  }
0x19d: {  	v21 =	vld [tilespmem:s21+$0x680]  }
0x19e: {  	s28 =	sadd.s32 $0xFFFFFE00, s20;
	v60 =	vld.idx.msk [tilespmem:v57+s15+$0x0], $0xffff  }
0x19f: {  	v61 =	vor.u32 s28, v0;
	v16 =	vld.idx.msk [tilespmem:v57+s16+$0x0], $0xffff  }
0x1a0: {  	v62 =	vld [tilespmem:s21+$0x700]  }
0x1a1: {  	s29 =	sadd.s32 $0xFFFFFE80, s20;
	v63 =	vld.idx.msk [tilespmem:v59+s15+$0x0], $0xffff  }
0x1a2: {  	v35 =	vor.u32 s29, v0;
	v20 =	vld.idx.msk [tilespmem:v59+s16+$0x0], $0xffff  }
0x1a3: {  	v36 =	vld [tilespmem:s21+$0x780]  }
0x1a4: {  	s30 =	sadd.s32 $0xFFFFFF00, s20;
	v37 =	vld.idx.msk [tilespmem:v61+s15+$0x0], $0xffff  }
0x1a5: {  	v38 =	vor.u32 s30, v0;
	v23 =	vld.idx.msk [tilespmem:v61+s16+$0x0], $0xffff  }
0x1a6: {  	v39 =	vld [tilespmem:s21+$0x800]  }
0x1a7: {  	s31 =	sadd.s32 $0xFFFFFF80, s20;
	v40 =	vld.idx.msk [tilespmem:v35+s15+$0x0], $0xffff;
	v18 =	vmul.f32 v18, v58  }
0x1a8: {  	v42 =	vor.u32 s31, v0;
	v41 =	vld.idx.msk [tilespmem:v35+s16+$0x0], $0xffff;
	v17 =	vmul.f32 v19, v58  }
0x1a9: {  	v43 =	vld [tilespmem:s21+$0x880];
	v22 =	vmul.f32 v60, v21;
	v18 =	vadd.f32 $0.0e+00, v18  }
0x1aa: {  	v44 =	vld.idx.msk [tilespmem:v38+s15+$0x0], $0xffff;
	v16 =	vmul.f32 v16, v21;
	v17 =	vadd.f32 $0.0e+00, v17  }
0x1ab: {  	v47 =	vor.u32 s20, v0;
	v46 =	vld.idx.msk [tilespmem:v38+s16+$0x0], $0xffff;
	v45 =	vmul.f32 v63, v62;
	v18 =	vadd.f32 v22, v18  }
0x1ac: {  	v49 =	vld [tilespmem:s21+$0x900];
	v48 =	vmul.f32 v20, v62;
	v16 =	vadd.f32 v16, v17  }
0x1ad: {  	v51 =	vld.idx.msk [tilespmem:v42+s15+$0x0], $0xffff;
	v50 =	vmul.f32 v37, v36;
	v18 =	vadd.f32 v45, v18  }
0x1ae: {  	v53 =	vld.idx.msk [tilespmem:v42+s16+$0x0], $0xffff;
	v52 =	vmul.f32 v23, v36;
	v16 =	vadd.f32 v48, v16  }
0x1af: {  	v55 =	vld [tilespmem:s21+$0x980];
	v54 =	vmul.f32 v40, v39;
	v18 =	vadd.f32 v50, v18  }
0x1b0: {  	v57 =	vld.idx.msk [tilespmem:v47+s15+$0x0], $0xffff;
	v56 =	vmul.f32 v41, v39;
	v16 =	vadd.f32 v52, v16  }
0x1b1: {  	v21 =	vmul.f32 v44, v43;
	v58 =	vld.idx.msk [tilespmem:v47+s16+$0x0], $0xffff;
	v18 =	vadd.f32 v54, v18  }
0x1b2: {  	v59 =	vmul.f32 v46, v43;
	v16 =	vadd.f32 v56, v16  }
0x1b3: {  	v60 =	vmul.f32 v51, v49;
	v18 =	vadd.f32 v21, v18  }
0x1b4: {  	v61 =	vmul.f32 v53, v49;
	v62 =	vadd.s32 $0xA, v15;
	v16 =	vadd.f32 v59, v16  }
0x1b5: {  	p0 =	sne.s32 s20, $0x13F0;
	v19 =	vmul.f32 v57, v55;
	v15 =	vadd.s32 $0xB, v15;
	v18 =	vadd.f32 v60, v18  }
.Ltmp4:
0x1b6: {  	v63 =	vmul.f32 v58, v55;
	v16 =	vadd.f32 v61, v16;
	(pc) =	sbr.rel @p0 .LBB2_11-.Ltmp4, $4  }
0x1b7: {  	v18 =	vadd.f32 v19, v18  }
0x1b8: {  	v16 =	vadd.f32 v63, v16  }
0x1b9: {  	[tilespmem:v62+s8+$0x0] =	vst.idx.msk $0xffff, v18  }
0x1ba: {  	s20 =	sadd.s32 $0x10, s20;
	s21 =	sadd.s32 $0x10, s21;
	[tilespmem:v15+s8+$0x0] =	vst.idx.msk $0xffff, v16  }
0x1bb: {  	s18 =	sadd.s32 $0x1, s18  }
0x1bc: {  	p0 =	sne.s32 s18, $0x40  }
.Ltmp5:
0x1bd: {  	s19 =	sadd.s32 s1, s19;
	(pc) =	sbr.rel @p0 .LBB2_4-.Ltmp5, $4  }
0x1be: {  	[hbm4b:s19+s2] =	stream.linear.scatter [tilespmem:s8], [sflag:$0x2], $0xC00, $0x38;
	[tilespmem:$0x97E8] =	vst v63  }
0x1bf: {  	_ =	swait.ge [sflag:s10], $0xC00  }
0x1c0: {  	[sflag:s10] =	ssyncset.done $0x0  }
0x1c1: {  	[sflag:s10] =	ssyncadd.s32 $0xFFFFF400  }
0x1c2: {  	s17 =	sadd.s32 $0x1, s17  }
0x1c3: {  	p0 =	sne.s32 s17, s7  }
.Ltmp6:
0x1c4: {  	_ = 	snop;
	(pc) =	sbr.rel @p0 .LBB2_1-.Ltmp6, $1  }
0x1c5: {  	_ =	sdelay $0x3  }
0x1c6: {  	_ =	sfence.sel $0x180000  }
0x1c7: {  	[bflag:$0x0] =	sbarrier.arrive $0xFFFF  }
0x1c8: {  	p0 =	sne.s32 s3, $0x0;
	_ =	strace $0x90000047  }
0x1c9: {  	s0 =	sadd.s32 @!p0 $0x100000, s0;
	[bflag:$0x2] =	sbarrier.arrive $0xFFFF  }
0x1ca: {  	[sflag:s0] =	ssyncadd.tile.s32 @!p0 $0x1;
	_ =	shalt  }
.Lfunc_end2:
_tile_overlayer_lowered:
.L_overlay_start_2:
0x1cb: {  	(tag) =	ssettag $0x2  }
0x1cc: {  	s0 =	rddreg [dreg:$0x0];
	s2 =	stileid.u32  }
0x1cd: {  	s1 =	rddreg [dreg:$0x1];
	p0 =	sne.s32 s2, $0x0  }
0x1ce: {  	s3 =	rddreg [dreg:$0x2];
	[bflag:$0x3] =	sbarrier.arrive $0xFFFF;
	s2 =	simm.s32 @!p0 $0x1C02  }
0x1cf: {  	[timem:s3], [sflag:s2] =	dma.local @!p0 [hbm:s0], s1  }
0x1d0: {  	s0 =	simm.s32 @!p0 $0x2  }
0x1d1: {  	_ =	swait.ge @!p0 [sflag:s0], s1  }
0x1d2: {  	s1 =	ssub.s32 @!p0 $0x0, s1;
	[sflag:s0] =	ssyncset.done @!p0 $0x0  }
0x1d3: {  	[sflag:s0] =	ssyncadd.s32 @!p0 s1  }
0x1d4: {  	[bflag:$0x3] =	sbarrier.arrive $0xFFFF  }
0x1d5: {  	_ =	shalt  }

</sc_bundles>
